<compile_context>
chip_gen: v7x
topology: tpu7x:2x2x1
jax: 0.10.2.dev20260603
libtpu: 0.0.44.dev20260713+nightly
codegen_flags: <defaults>
</compile_context>

<pallas_src>
import functools

import jax
import jax.numpy as jnp
from jax import lax
from jax.experimental import pallas as pl
from jax.experimental.pallas import tpu as pltpu
from jax.experimental.pallas import tpu_sc as plsc

BB = 128
SC_NC = 2
SC_NS = 16
SC_CHUNKS = 48


def _pool_body(ptr_ref, op_ref, hid_ref, vals_ref, nptr_ref):
    vals_ref[...] = jnp.max(hid_ref[...], axis=1)
    a0 = op_ref[:, 0:1]
    a1 = op_ref[:, 1:2]
    a2 = op_ref[:, 2:3]
    am = jnp.where(a1 > a0, 1, 0)
    am = jnp.where(a2 > jnp.maximum(a0, a1), 2, am)
    nptr_ref[...] = jnp.maximum(ptr_ref[...] + am - 1, 0)


def _sc_copy_body(stack_hbm, out_hbm, buf0, buf1, si0, si1, so0, so1):
    wid = lax.axis_index("s") * SC_NC + lax.axis_index("c")
    nw = SC_NC * SC_NS
    per_w = stack_hbm.shape[0] // nw
    cr = per_w // SC_CHUNKS
    r0 = wid * per_w
    bufs = (buf0, buf1)
    isems = (si0, si1)
    osems = (so0, so1)

    def in_copy(c, k):
        return pltpu.make_async_copy(
            stack_hbm.at[pl.ds(r0 + c * cr, cr)], bufs[k], isems[k])

    def out_copy(c, k):
        return pltpu.make_async_copy(
            bufs[k], out_hbm.at[pl.ds(r0 + c * cr, cr)], osems[k])

    for c in range(SC_CHUNKS):
        k = c % 2
        if c >= 2:
            out_copy(c - 2, k).wait()
        in_copy(c, k).start()
        in_copy(c, k).wait()
        out_copy(c, k).start()
    out_copy(SC_CHUNKS - 2, 0).wait()
    out_copy(SC_CHUNKS - 1, 1).wait()


def _patch_body(stack_in_ref, vals_ref, ptr_ref, out_ref, sem):
    del stack_in_ref
    n = vals_ref.shape[0]

    def start_one(i, carry):
        p = ptr_ref[i]
        pltpu.make_async_copy(
            vals_ref.at[pl.ds(i, 1)],
            out_ref.at[pl.ds((p + 1) * n + i, 1)],
            sem,
        ).start()
        return carry

    lax.fori_loop(0, n, start_one, 0)

    def wait_one(i, carry):
        pltpu.make_async_copy(
            vals_ref.at[pl.ds(0, 1)],
            out_ref.at[pl.ds(0, 1)],
            sem,
        ).wait()
        return carry

    lax.fori_loop(0, n, wait_one, 0)


def kernel(stack, stack_pointers, stack_op, hiddens, graph_fts):
    del graph_fts
    B, T1, Hs = stack.shape
    NN = hiddens.shape[1]
    ptr2 = stack_pointers.reshape(B, 1)
    stack_flat = jnp.transpose(stack, (1, 0, 2)).reshape(T1 * B, Hs)

    vals, nptr = pl.pallas_call(
        _pool_body,
        grid=(B // BB,),
        in_specs=[
            pl.BlockSpec((BB, 1), lambda i: (i, 0)),
            pl.BlockSpec((BB, 3), lambda i: (i, 0)),
            pl.BlockSpec((BB, NN, Hs), lambda i: (i, 0, 0)),
        ],
        out_specs=[
            pl.BlockSpec((BB, Hs), lambda i: (i, 0)),
            pl.BlockSpec((BB, 1), lambda i: (i, 0)),
        ],
        out_shape=[
            jax.ShapeDtypeStruct((B, Hs), jnp.float32),
            jax.ShapeDtypeStruct((B, 1), jnp.int32),
        ],
    )(ptr2, stack_op, hiddens)

    cr = T1 * B // (SC_NC * SC_NS) // SC_CHUNKS
    sc_copy = functools.partial(
        pl.kernel,
        out_type=jax.ShapeDtypeStruct((T1 * B, Hs), stack.dtype),
        mesh=plsc.VectorSubcoreMesh(core_axis_name="c", subcore_axis_name="s"),
        scratch_types=[
            pltpu.VMEM((cr, Hs), jnp.float32),
            pltpu.VMEM((cr, Hs), jnp.float32),
            pltpu.SemaphoreType.DMA,
            pltpu.SemaphoreType.DMA,
            pltpu.SemaphoreType.DMA,
            pltpu.SemaphoreType.DMA,
        ],
    )(_sc_copy_body)
    out_c = sc_copy(stack_flat)

    out_flat = pl.pallas_call(
        _patch_body,
        in_specs=[
            pl.BlockSpec(memory_space=pl.ANY),
            pl.BlockSpec(memory_space=pltpu.VMEM),
            pl.BlockSpec(memory_space=pltpu.SMEM),
        ],
        out_specs=pl.BlockSpec(memory_space=pl.ANY),
        out_shape=jax.ShapeDtypeStruct((T1 * B, Hs), stack.dtype),
        scratch_shapes=[pltpu.SemaphoreType.DMA],
        input_output_aliases={0: 0},
    )(out_c, vals, stack_pointers)

    return jnp.transpose(out_flat.reshape(T1, B, Hs), (1, 0, 2)), nptr.reshape(B)

# --- scband reference (transcript-rebuilt; emitter-appended) ---
"""Pipeline reference for scband-graph-level-callstack-module-68753836474755 (READ-ONLY COPY).

The authoritative reference and input builder live on the scoring server;
editing this copy changes nothing except your own understanding.
"""

import jax, jax.numpy as jnp
import numpy as np

NUM_HIDDENS_FOR_STACK = 128
BATCH = 4096
NUM_STEPS = 128  # stack has NUM_STEPS + 1 slots
NUM_NODES = 64
HIDDEN_DIM = 128
GRAPH_DIM = 128


def setup_inputs(seed: int = 0) -> dict:
    key = jax.random.key(seed)
    k1, k2, k3, k4, k5 = jax.random.split(key, 5)
    stack = jax.random.normal(k1, (BATCH, NUM_STEPS + 1, NUM_HIDDENS_FOR_STACK), dtype=jnp.float32)
    stack_pointers = jax.random.randint(k2, (BATCH,), 0, NUM_STEPS).astype(jnp.int32)
    stack_op = jax.random.normal(k3, (BATCH, 3), dtype=jnp.float32)
    hiddens = jax.random.normal(k4, (BATCH, NUM_NODES, HIDDEN_DIM), dtype=jnp.float32)
    graph_fts = jax.random.normal(k5, (BATCH, GRAPH_DIM), dtype=jnp.float32)
    return {
        'stack': stack,
        'stack_pointers': stack_pointers,
        'stack_op': stack_op,
        'hiddens': hiddens,
        'graph_fts': graph_fts,
    }


def reference(stack, stack_pointers, stack_op, hiddens, graph_fts):
    # hint_preds = {'stack_op': stack_op}
    stack_ops = jnp.argmax(stack_op, axis=-1)
    # value_network is None -> slice hiddens
    values = hiddens[:, :, :NUM_HIDDENS_FOR_STACK]
    # stack_pooling_fun = jnp.max over node axis
    new_stack_vals = jnp.max(values, axis=1)
    B, T1, Hs = stack.shape
    flat = stack.reshape(-1, Hs)
    idx = stack_pointers + 1 + T1 * jnp.arange(B)
    new_stack = flat.at[idx, :].set(new_stack_vals).reshape(stack.shape)
    new_pointers = jnp.maximum(stack_pointers + stack_ops - 1, 0)
    return (new_stack, new_pointers)

if __name__ == "__main__":
    import jax
    _d = setup_inputs()
    print(jax.jit(kernel)(*tuple(_d.values())))

</pallas_src>

<mosaic_0001>
#map = affine_map<(d0, d1) -> (0, 0)>
module attributes {stable_mosaic.version = 14 : i64} {
  func.func @_sc_copy_body(%arg0: i32, %arg1: i32, %arg2: memref<528384x128xf32, #tpu.memory_space<hbm>>, %arg3: memref<528384x128xf32, #tpu.memory_space<hbm>>, %arg4: memref<344x128xf32, #tpu.memory_space<vmem>>, %arg5: memref<344x128xf32, #tpu.memory_space<vmem>>, %arg6: memref<!tpu.dma_semaphore, #tpu.memory_space<semaphore_mem>>, %arg7: memref<!tpu.dma_semaphore, #tpu.memory_space<semaphore_mem>>, %arg8: memref<!tpu.dma_semaphore, #tpu.memory_space<semaphore_mem>>, %arg9: memref<!tpu.dma_semaphore, #tpu.memory_space<semaphore_mem>>) attributes {dimension_semantics = [#tpu.dimension_semantics<core_parallel>, #tpu.dimension_semantics<subcore_parallel>], iteration_bounds = array<i64: 2, 16>, scalar_prefetch = 0 : i64, scratch_operands = 6 : i64, tpu.core_type = #tpu.core_type<sc_vector_subcore>, window_params = [{transform_indices = #map}, {transform_indices = #map}]} {
    %mul3A = arith.constant 2 : i32
    %mul3A_0 = arith.muli %arg1, %mul3A : i32
    %add3A = arith.addi %mul3A_0, %arg0 : i32
    %mul3A_1 = arith.constant 16512 : i32
    %mul3A_2 = arith.muli %add3A, %mul3A_1 : i32
    %add3A_3 = arith.constant 0 : i32
    %add3A_4 = arith.addi %mul3A_2, %add3A_3 : i32
    %dma_start3A = arith.constant 0 : i32
    %dma_start3A_5 = tpu.memref_slice %arg2[%add3A_4, %dma_start3A] : memref<528384x128xf32, #tpu.memory_space<hbm>> -> memref<344x128xf32, #tpu.memory_space<hbm>>
    %dma_start3A_6 = arith.constant 0 : i32
    %dma_start3A_7 = tpu.memref_slice %arg2[%add3A_4, %dma_start3A_6] : memref<528384x128xf32, #tpu.memory_space<hbm>> -> memref<344x128xf32, #tpu.memory_space<hbm>>
    tpu.enqueue_dma source(%dma_start3A_7 : memref<344x128xf32, #tpu.memory_space<hbm>>) target(%arg4 : memref<344x128xf32, #tpu.memory_space<vmem>>) target_semaphore(%arg6 : memref<!tpu.dma_semaphore, #tpu.memory_space<semaphore_mem>>)
    %add3A_8 = arith.constant 0 : i32
    %add3A_9 = arith.addi %mul3A_2, %add3A_8 : i32
    %dma_wait3A = arith.constant 0 : i32
    %dma_wait3A_10 = tpu.memref_slice %arg2[%add3A_9, %dma_wait3A] : memref<528384x128xf32, #tpu.memory_space<hbm>> -> memref<344x128xf32, #tpu.memory_space<hbm>>
    %dma_wait3A_11 = arith.constant 0 : i32
    %dma_wait3A_12 = tpu.memref_slice %arg2[%add3A_9, %dma_wait3A_11] : memref<528384x128xf32, #tpu.memory_space<hbm>> -> memref<344x128xf32, #tpu.memory_space<hbm>>
    tpu.wait_dma2 semaphore(%arg6 : memref<!tpu.dma_semaphore, #tpu.memory_space<semaphore_mem>>) src(%dma_wait3A_12 : memref<344x128xf32, #tpu.memory_space<hbm>>) dst(%arg4 : memref<344x128xf32, #tpu.memory_space<vmem>>)
    %add3A_13 = arith.constant 0 : i32
    %add3A_14 = arith.addi %mul3A_2, %add3A_13 : i32
    %dma_start3A_15 = arith.constant 0 : i32
    %dma_start3A_16 = tpu.memref_slice %arg3[%add3A_14, %dma_start3A_15] : memref<528384x128xf32, #tpu.memory_space<hbm>> -> memref<344x128xf32, #tpu.memory_space<hbm>>
    %dma_start3A_17 = arith.constant 0 : i32
    %dma_start3A_18 = tpu.memref_slice %arg3[%add3A_14, %dma_start3A_17] : memref<528384x128xf32, #tpu.memory_space<hbm>> -> memref<344x128xf32, #tpu.memory_space<hbm>>
    tpu.enqueue_dma source(%arg4 : memref<344x128xf32, #tpu.memory_space<vmem>>) target(%dma_start3A_18 : memref<344x128xf32, #tpu.memory_space<hbm>>) target_semaphore(%arg8 : memref<!tpu.dma_semaphore, #tpu.memory_space<semaphore_mem>>)
    %add3A_19 = arith.constant 344 : i32
    %add3A_20 = arith.addi %mul3A_2, %add3A_19 : i32
    %dma_start3A_21 = arith.constant 0 : i32
    %dma_start3A_22 = tpu.memref_slice %arg2[%add3A_20, %dma_start3A_21] : memref<528384x128xf32, #tpu.memory_space<hbm>> -> memref<344x128xf32, #tpu.memory_space<hbm>>
    %dma_start3A_23 = arith.constant 0 : i32
    %dma_start3A_24 = tpu.memref_slice %arg2[%add3A_20, %dma_start3A_23] : memref<528384x128xf32, #tpu.memory_space<hbm>> -> memref<344x128xf32, #tpu.memory_space<hbm>>
    tpu.enqueue_dma source(%dma_start3A_24 : memref<344x128xf32, #tpu.memory_space<hbm>>) target(%arg5 : memref<344x128xf32, #tpu.memory_space<vmem>>) target_semaphore(%arg7 : memref<!tpu.dma_semaphore, #tpu.memory_space<semaphore_mem>>)
    %add3A_25 = arith.constant 344 : i32
    %add3A_26 = arith.addi %mul3A_2, %add3A_25 : i32
    %dma_wait3A_27 = arith.constant 0 : i32
    %dma_wait3A_28 = tpu.memref_slice %arg2[%add3A_26, %dma_wait3A_27] : memref<528384x128xf32, #tpu.memory_space<hbm>> -> memref<344x128xf32, #tpu.memory_space<hbm>>
    %dma_wait3A_29 = arith.constant 0 : i32
    %dma_wait3A_30 = tpu.memref_slice %arg2[%add3A_26, %dma_wait3A_29] : memref<528384x128xf32, #tpu.memory_space<hbm>> -> memref<344x128xf32, #tpu.memory_space<hbm>>
    tpu.wait_dma2 semaphore(%arg7 : memref<!tpu.dma_semaphore, #tpu.memory_space<semaphore_mem>>) src(%dma_wait3A_30 : memref<344x128xf32, #tpu.memory_space<hbm>>) dst(%arg5 : memref<344x128xf32, #tpu.memory_space<vmem>>)
    %add3A_31 = arith.constant 344 : i32
    %add3A_32 = arith.addi %mul3A_2, %add3A_31 : i32
    %dma_start3A_33 = arith.constant 0 : i32
    %dma_start3A_34 = tpu.memref_slice %arg3[%add3A_32, %dma_start3A_33] : memref<528384x128xf32, #tpu.memory_space<hbm>> -> memref<344x128xf32, #tpu.memory_space<hbm>>
    %dma_start3A_35 = arith.constant 0 : i32
    %dma_start3A_36 = tpu.memref_slice %arg3[%add3A_32, %dma_start3A_35] : memref<528384x128xf32, #tpu.memory_space<hbm>> -> memref<344x128xf32, #tpu.memory_space<hbm>>
    tpu.enqueue_dma source(%arg5 : memref<344x128xf32, #tpu.memory_space<vmem>>) target(%dma_start3A_36 : memref<344x128xf32, #tpu.memory_space<hbm>>) target_semaphore(%arg9 : memref<!tpu.dma_semaphore, #tpu.memory_space<semaphore_mem>>)
    %add3A_37 = arith.constant 0 : i32
    %add3A_38 = arith.addi %mul3A_2, %add3A_37 : i32
    %dma_wait3A_39 = arith.constant 0 : i32
    %dma_wait3A_40 = tpu.memref_slice %arg3[%add3A_38, %dma_wait3A_39] : memref<528384x128xf32, #tpu.memory_space<hbm>> -> memref<344x128xf32, #tpu.memory_space<hbm>>
    %dma_wait3A_41 = arith.constant 0 : i32
    %dma_wait3A_42 = tpu.memref_slice %arg3[%add3A_38, %dma_wait3A_41] : memref<528384x128xf32, #tpu.memory_space<hbm>> -> memref<344x128xf32, #tpu.memory_space<hbm>>
    tpu.wait_dma2 semaphore(%arg8 : memref<!tpu.dma_semaphore, #tpu.memory_space<semaphore_mem>>) src(%arg4 : memref<344x128xf32, #tpu.memory_space<vmem>>) dst(%dma_wait3A_42 : memref<344x128xf32, #tpu.memory_space<hbm>>)
    %add3A_43 = arith.constant 688 : i32
    %add3A_44 = arith.addi %mul3A_2, %add3A_43 : i32
    %dma_start3A_45 = arith.constant 0 : i32
    %dma_start3A_46 = tpu.memref_slice %arg2[%add3A_44, %dma_start3A_45] : memref<528384x128xf32, #tpu.memory_space<hbm>> -> memref<344x128xf32, #tpu.memory_space<hbm>>
    %dma_start3A_47 = arith.constant 0 : i32
    %dma_start3A_48 = tpu.memref_slice %arg2[%add3A_44, %dma_start3A_47] : memref<528384x128xf32, #tpu.memory_space<hbm>> -> memref<344x128xf32, #tpu.memory_space<hbm>>
    tpu.enqueue_dma source(%dma_start3A_48 : memref<344x128xf32, #tpu.memory_space<hbm>>) target(%arg4 : memref<344x128xf32, #tpu.memory_space<vmem>>) target_semaphore(%arg6 : memref<!tpu.dma_semaphore, #tpu.memory_space<semaphore_mem>>)
    %add3A_49 = arith.constant 688 : i32
    %add3A_50 = arith.addi %mul3A_2, %add3A_49 : i32
    %dma_wait3A_51 = arith.constant 0 : i32
    %dma_wait3A_52 = tpu.memref_slice %arg2[%add3A_50, %dma_wait3A_51] : memref<528384x128xf32, #tpu.memory_space<hbm>> -> memref<344x128xf32, #tpu.memory_space<hbm>>
    %dma_wait3A_53 = arith.constant 0 : i32
    %dma_wait3A_54 = tpu.memref_slice %arg2[%add3A_50, %dma_wait3A_53] : memref<528384x128xf32, #tpu.memory_space<hbm>> -> memref<344x128xf32, #tpu.memory_space<hbm>>
    tpu.wait_dma2 semaphore(%arg6 : memref<!tpu.dma_semaphore, #tpu.memory_space<semaphore_mem>>) src(%dma_wait3A_54 : memref<344x128xf32, #tpu.memory_space<hbm>>) dst(%arg4 : memref<344x128xf32, #tpu.memory_space<vmem>>)
    %add3A_55 = arith.constant 688 : i32
    %add3A_56 = arith.addi %mul3A_2, %add3A_55 : i32
    %dma_start3A_57 = arith.constant 0 : i32
    %dma_start3A_58 = tpu.memref_slice %arg3[%add3A_56, %dma_start3A_57] : memref<528384x128xf32, #tpu.memory_space<hbm>> -> memref<344x128xf32, #tpu.memory_space<hbm>>
    %dma_start3A_59 = arith.constant 0 : i32
    %dma_start3A_60 = tpu.memref_slice %arg3[%add3A_56, %dma_start3A_59] : memref<528384x128xf32, #tpu.memory_space<hbm>> -> memref<344x128xf32, #tpu.memory_space<hbm>>
    tpu.enqueue_dma source(%arg4 : memref<344x128xf32, #tpu.memory_space<vmem>>) target(%dma_start3A_60 : memref<344x128xf32, #tpu.memory_space<hbm>>) target_semaphore(%arg8 : memref<!tpu.dma_semaphore, #tpu.memory_space<semaphore_mem>>)
    %add3A_61 = arith.constant 344 : i32
    %add3A_62 = arith.addi %mul3A_2, %add3A_61 : i32
    %dma_wait3A_63 = arith.constant 0 : i32
    %dma_wait3A_64 = tpu.memref_slice %arg3[%add3A_62, %dma_wait3A_63] : memref<528384x128xf32, #tpu.memory_space<hbm>> -> memref<344x128xf32, #tpu.memory_space<hbm>>
    %dma_wait3A_65 = arith.constant 0 : i32
    %dma_wait3A_66 = tpu.memref_slice %arg3[%add3A_62, %dma_wait3A_65] : memref<528384x128xf32, #tpu.memory_space<hbm>> -> memref<344x128xf32, #tpu.memory_space<hbm>>
    tpu.wait_dma2 semaphore(%arg9 : memref<!tpu.dma_semaphore, #tpu.memory_space<semaphore_mem>>) src(%arg5 : memref<344x128xf32, #tpu.memory_space<vmem>>) dst(%dma_wait3A_66 : memref<344x128xf32, #tpu.memory_space<hbm>>)
    %add3A_67 = arith.constant 1032 : i32
    %add3A_68 = arith.addi %mul3A_2, %add3A_67 : i32
    %dma_start3A_69 = arith.constant 0 : i32
    %dma_start3A_70 = tpu.memref_slice %arg2[%add3A_68, %dma_start3A_69] : memref<528384x128xf32, #tpu.memory_space<hbm>> -> memref<344x128xf32, #tpu.memory_space<hbm>>
    %dma_start3A_71 = arith.constant 0 : i32
    %dma_start3A_72 = tpu.memref_slice %arg2[%add3A_68, %dma_start3A_71] : memref<528384x128xf32, #tpu.memory_space<hbm>> -> memref<344x128xf32, #tpu.memory_space<hbm>>
    tpu.enqueue_dma source(%dma_start3A_72 : memref<344x128xf32, #tpu.memory_space<hbm>>) target(%arg5 : memref<344x128xf32, #tpu.memory_space<vmem>>) target_semaphore(%arg7 : memref<!tpu.dma_semaphore, #tpu.memory_space<semaphore_mem>>)
    %add3A_73 = arith.constant 1032 : i32
    %add3A_74 = arith.addi %mul3A_2, %add3A_73 : i32
    %dma_wait3A_75 = arith.constant 0 : i32
    %dma_wait3A_76 = tpu.memref_slice %arg2[%add3A_74, %dma_wait3A_75] : memref<528384x128xf32, #tpu.memory_space<hbm>> -> memref<344x128xf32, #tpu.memory_space<hbm>>
    %dma_wait3A_77 = arith.constant 0 : i32
    %dma_wait3A_78 = tpu.memref_slice %arg2[%add3A_74, %dma_wait3A_77] : memref<528384x128xf32, #tpu.memory_space<hbm>> -> memref<344x128xf32, #tpu.memory_space<hbm>>
    tpu.wait_dma2 semaphore(%arg7 : memref<!tpu.dma_semaphore, #tpu.memory_space<semaphore_mem>>) src(%dma_wait3A_78 : memref<344x128xf32, #tpu.memory_space<hbm>>) dst(%arg5 : memref<344x128xf32, #tpu.memory_space<vmem>>)
    %add3A_79 = arith.constant 1032 : i32
    %add3A_80 = arith.addi %mul3A_2, %add3A_79 : i32
    %dma_start3A_81 = arith.constant 0 : i32
    %dma_start3A_82 = tpu.memref_slice %arg3[%add3A_80, %dma_start3A_81] : memref<528384x128xf32, #tpu.memory_space<hbm>> -> memref<344x128xf32, #tpu.memory_space<hbm>>
    %dma_start3A_83 = arith.constant 0 : i32
    %dma_start3A_84 = tpu.memref_slice %arg3[%add3A_80, %dma_start3A_83] : memref<528384x128xf32, #tpu.memory_space<hbm>> -> memref<344x128xf32, #tpu.memory_space<hbm>>
    tpu.enqueue_dma source(%arg5 : memref<344x128xf32, #tpu.memory_space<vmem>>) target(%dma_start3A_84 : memref<344x128xf32, #tpu.memory_space<hbm>>) target_semaphore(%arg9 : memref<!tpu.dma_semaphore, #tpu.memory_space<semaphore_mem>>)
    %add3A_85 = arith.constant 688 : i32
    %add3A_86 = arith.addi %mul3A_2, %add3A_85 : i32
    %dma_wait3A_87 = arith.constant 0 : i32
    %dma_wait3A_88 = tpu.memref_slice %arg3[%add3A_86, %dma_wait3A_87] : memref<528384x128xf32, #tpu.memory_space<hbm>> -> memref<344x128xf32, #tpu.memory_space<hbm>>
    %dma_wait3A_89 = arith.constant 0 : i32
    %dma_wait3A_90 = tpu.memref_slice %arg3[%add3A_86, %dma_wait3A_89] : memref<528384x128xf32, #tpu.memory_space<hbm>> -> memref<344x128xf32, #tpu.memory_space<hbm>>
    tpu.wait_dma2 semaphore(%arg8 : memref<!tpu.dma_semaphore, #tpu.memory_space<semaphore_mem>>) src(%arg4 : memref<344x128xf32, #tpu.memory_space<vmem>>) dst(%dma_wait3A_90 : memref<344x128xf32, #tpu.memory_space<hbm>>)
    %add3A_91 = arith.constant 1376 : i32
    %add3A_92 = arith.addi %mul3A_2, %add3A_91 : i32
    %dma_start3A_93 = arith.constant 0 : i32
    %dma_start3A_94 = tpu.memref_slice %arg2[%add3A_92, %dma_start3A_93] : memref<528384x128xf32, #tpu.memory_space<hbm>> -> memref<344x128xf32, #tpu.memory_space<hbm>>
    %dma_start3A_95 = arith.constant 0 : i32
    %dma_start3A_96 = tpu.memref_slice %arg2[%add3A_92, %dma_start3A_95] : memref<528384x128xf32, #tpu.memory_space<hbm>> -> memref<344x128xf32, #tpu.memory_space<hbm>>
    tpu.enqueue_dma source(%dma_start3A_96 : memref<344x128xf32, #tpu.memory_space<hbm>>) target(%arg4 : memref<344x128xf32, #tpu.memory_space<vmem>>) target_semaphore(%arg6 : memref<!tpu.dma_semaphore, #tpu.memory_space<semaphore_mem>>)
    %add3A_97 = arith.constant 1376 : i32
    %add3A_98 = arith.addi %mul3A_2, %add3A_97 : i32
    %dma_wait3A_99 = arith.constant 0 : i32
    %dma_wait3A_100 = tpu.memref_slice %arg2[%add3A_98, %dma_wait3A_99] : memref<528384x128xf32, #tpu.memory_space<hbm>> -> memref<344x128xf32, #tpu.memory_space<hbm>>
    %dma_wait3A_101 = arith.constant 0 : i32
    %dma_wait3A_102 = tpu.memref_slice %arg2[%add3A_98, %dma_wait3A_101] : memref<528384x128xf32, #tpu.memory_space<hbm>> -> memref<344x128xf32, #tpu.memory_space<hbm>>
    tpu.wait_dma2 semaphore(%arg6 : memref<!tpu.dma_semaphore, #tpu.memory_space<semaphore_mem>>) src(%dma_wait3A_102 : memref<344x128xf32, #tpu.memory_space<hbm>>) dst(%arg4 : memref<344x128xf32, #tpu.memory_space<vmem>>)
    %add3A_103 = arith.constant 1376 : i32
    %add3A_104 = arith.addi %mul3A_2, %add3A_103 : i32
    %dma_start3A_105 = arith.constant 0 : i32
    %dma_start3A_106 = tpu.memref_slice %arg3[%add3A_104, %dma_start3A_105] : memref<528384x128xf32, #tpu.memory_space<hbm>> -> memref<344x128xf32, #tpu.memory_space<hbm>>
    %dma_start3A_107 = arith.constant 0 : i32
    %dma_start3A_108 = tpu.memref_slice %arg3[%add3A_104, %dma_start3A_107] : memref<528384x128xf32, #tpu.memory_space<hbm>> -> memref<344x128xf32, #tpu.memory_space<hbm>>
    tpu.enqueue_dma source(%arg4 : memref<344x128xf32, #tpu.memory_space<vmem>>) target(%dma_start3A_108 : memref<344x128xf32, #tpu.memory_space<hbm>>) target_semaphore(%arg8 : memref<!tpu.dma_semaphore, #tpu.memory_space<semaphore_mem>>)
    %add3A_109 = arith.constant 1032 : i32
    %add3A_110 = arith.addi %mul3A_2, %add3A_109 : i32
    %dma_wait3A_111 = arith.constant 0 : i32
    %dma_wait3A_112 = tpu.memref_slice %arg3[%add3A_110, %dma_wait3A_111] : memref<528384x128xf32, #tpu.memory_space<hbm>> -> memref<344x128xf32, #tpu.memory_space<hbm>>
    %dma_wait3A_113 = arith.constant 0 : i32
    %dma_wait3A_114 = tpu.memref_slice %arg3[%add3A_110, %dma_wait3A_113] : memref<528384x128xf32, #tpu.memory_space<hbm>> -> memref<344x128xf32, #tpu.memory_space<hbm>>
    tpu.wait_dma2 semaphore(%arg9 : memref<!tpu.dma_semaphore, #tpu.memory_space<semaphore_mem>>) src(%arg5 : memref<344x128xf32, #tpu.memory_space<vmem>>) dst(%dma_wait3A_114 : memref<344x128xf32, #tpu.memory_space<hbm>>)
    %add3A_115 = arith.constant 1720 : i32
    %add3A_116 = arith.addi %mul3A_2, %add3A_115 : i32
    %dma_start3A_117 = arith.constant 0 : i32
    %dma_start3A_118 = tpu.memref_slice %arg2[%add3A_116, %dma_start3A_117] : memref<528384x128xf32, #tpu.memory_space<hbm>> -> memref<344x128xf32, #tpu.memory_space<hbm>>
    %dma_start3A_119 = arith.constant 0 : i32
    %dma_start3A_120 = tpu.memref_slice %arg2[%add3A_116, %dma_start3A_119] : memref<528384x128xf32, #tpu.memory_space<hbm>> -> memref<344x128xf32, #tpu.memory_space<hbm>>
    tpu.enqueue_dma source(%dma_start3A_120 : memref<344x128xf32, #tpu.memory_space<hbm>>) target(%arg5 : memref<344x128xf32, #tpu.memory_space<vmem>>) target_semaphore(%arg7 : memref<!tpu.dma_semaphore, #tpu.memory_space<semaphore_mem>>)
    %add3A_121 = arith.constant 1720 : i32
    %add3A_122 = arith.addi %mul3A_2, %add3A_121 : i32
    %dma_wait3A_123 = arith.constant 0 : i32
    %dma_wait3A_124 = tpu.memref_slice %arg2[%add3A_122, %dma_wait3A_123] : memref<528384x128xf32, #tpu.memory_space<hbm>> -> memref<344x128xf32, #tpu.memory_space<hbm>>
    %dma_wait3A_125 = arith.constant 0 : i32
    %dma_wait3A_126 = tpu.memref_slice %arg2[%add3A_122, %dma_wait3A_125] : memref<528384x128xf32, #tpu.memory_space<hbm>> -> memref<344x128xf32, #tpu.memory_space<hbm>>
    tpu.wait_dma2 semaphore(%arg7 : memref<!tpu.dma_semaphore, #tpu.memory_space<semaphore_mem>>) src(%dma_wait3A_126 : memref<344x128xf32, #tpu.memory_space<hbm>>) dst(%arg5 : memref<344x128xf32, #tpu.memory_space<vmem>>)
    %add3A_127 = arith.constant 1720 : i32
    %add3A_128 = arith.addi %mul3A_2, %add3A_127 : i32
    %dma_start3A_129 = arith.constant 0 : i32
    %dma_start3A_130 = tpu.memref_slice %arg3[%add3A_128, %dma_start3A_129] : memref<528384x128xf32, #tpu.memory_space<hbm>> -> memref<344x128xf32, #tpu.memory_space<hbm>>
    %dma_start3A_131 = arith.constant 0 : i32
    %dma_start3A_132 = tpu.memref_slice %arg3[%add3A_128, %dma_start3A_131] : memref<528384x128xf32, #tpu.memory_space<hbm>> -> memref<344x128xf32, #tpu.memory_space<hbm>>
    tpu.enqueue_dma source(%arg5 : memref<344x128xf32, #tpu.memory_space<vmem>>) target(%dma_start3A_132 : memref<344x128xf32, #tpu.memory_space<hbm>>) target_semaphore(%arg9 : memref<!tpu.dma_semaphore, #tpu.memory_space<semaphore_mem>>)
    %add3A_133 = arith.constant 1376 : i32
    %add3A_134 = arith.addi %mul3A_2, %add3A_133 : i32
    %dma_wait3A_135 = arith.constant 0 : i32
    %dma_wait3A_136 = tpu.memref_slice %arg3[%add3A_134, %dma_wait3A_135] : memref<528384x128xf32, #tpu.memory_space<hbm>> -> memref<344x128xf32, #tpu.memory_space<hbm>>
    %dma_wait3A_137 = arith.constant 0 : i32
    %dma_wait3A_138 = tpu.memref_slice %arg3[%add3A_134, %dma_wait3A_137] : memref<528384x128xf32, #tpu.memory_space<hbm>> -> memref<344x128xf32, #tpu.memory_space<hbm>>
    tpu.wait_dma2 semaphore(%arg8 : memref<!tpu.dma_semaphore, #tpu.memory_space<semaphore_mem>>) src(%arg4 : memref<344x128xf32, #tpu.memory_space<vmem>>) dst(%dma_wait3A_138 : memref<344x128xf32, #tpu.memory_space<hbm>>)
    %add3A_139 = arith.constant 2064 : i32
    %add3A_140 = arith.addi %mul3A_2, %add3A_139 : i32
    %dma_start3A_141 = arith.constant 0 : i32
    %dma_start3A_142 = tpu.memref_slice %arg2[%add3A_140, %dma_start3A_141] : memref<528384x128xf32, #tpu.memory_space<hbm>> -> memref<344x128xf32, #tpu.memory_space<hbm>>
    %dma_start3A_143 = arith.constant 0 : i32
    %dma_start3A_144 = tpu.memref_slice %arg2[%add3A_140, %dma_start3A_143] : memref<528384x128xf32, #tpu.memory_space<hbm>> -> memref<344x128xf32, #tpu.memory_space<hbm>>
    tpu.enqueue_dma source(%dma_start3A_144 : memref<344x128xf32, #tpu.memory_space<hbm>>) target(%arg4 : memref<344x128xf32, #tpu.memory_space<vmem>>) target_semaphore(%arg6 : memref<!tpu.dma_semaphore, #tpu.memory_space<semaphore_mem>>)
    %add3A_145 = arith.constant 2064 : i32
    %add3A_146 = arith.addi %mul3A_2, %add3A_145 : i32
    %dma_wait3A_147 = arith.constant 0 : i32
    %dma_wait3A_148 = tpu.memref_slice %arg2[%add3A_146, %dma_wait3A_147] : memref<528384x128xf32, #tpu.memory_space<hbm>> -> memref<344x128xf32, #tpu.memory_space<hbm>>
    %dma_wait3A_149 = arith.constant 0 : i32
    %dma_wait3A_150 = tpu.memref_slice %arg2[%add3A_146, %dma_wait3A_149] : memref<528384x128xf32, #tpu.memory_space<hbm>> -> memref<344x128xf32, #tpu.memory_space<hbm>>
    tpu.wait_dma2 semaphore(%arg6 : memref<!tpu.dma_semaphore, #tpu.memory_space<semaphore_mem>>) src(%dma_wait3A_150 : memref<344x128xf32, #tpu.memory_space<hbm>>) dst(%arg4 : memref<344x128xf32, #tpu.memory_space<vmem>>)
    %add3A_151 = arith.constant 2064 : i32
    %add3A_152 = arith.addi %mul3A_2, %add3A_151 : i32
    %dma_start3A_153 = arith.constant 0 : i32
    %dma_start3A_154 = tpu.memref_slice %arg3[%add3A_152, %dma_start3A_153] : memref<528384x128xf32, #tpu.memory_space<hbm>> -> memref<344x128xf32, #tpu.memory_space<hbm>>
    %dma_start3A_155 = arith.constant 0 : i32
    %dma_start3A_156 = tpu.memref_slice %arg3[%add3A_152, %dma_start3A_155] : memref<528384x128xf32, #tpu.memory_space<hbm>> -> memref<344x128xf32, #tpu.memory_space<hbm>>
    tpu.enqueue_dma source(%arg4 : memref<344x128xf32, #tpu.memory_space<vmem>>) target(%dma_start3A_156 : memref<344x128xf32, #tpu.memory_space<hbm>>) target_semaphore(%arg8 : memref<!tpu.dma_semaphore, #tpu.memory_space<semaphore_mem>>)
    %add3A_157 = arith.constant 1720 : i32
    %add3A_158 = arith.addi %mul3A_2, %add3A_157 : i32
    %dma_wait3A_159 = arith.constant 0 : i32
    %dma_wait3A_160 = tpu.memref_slice %arg3[%add3A_158, %dma_wait3A_159] : memref<528384x128xf32, #tpu.memory_space<hbm>> -> memref<344x128xf32, #tpu.memory_space<hbm>>
    %dma_wait3A_161 = arith.constant 0 : i32
    %dma_wait3A_162 = tpu.memref_slice %arg3[%add3A_158, %dma_wait3A_161] : memref<528384x128xf32, #tpu.memory_space<hbm>> -> memref<344x128xf32, #tpu.memory_space<hbm>>
    tpu.wait_dma2 semaphore(%arg9 : memref<!tpu.dma_semaphore, #tpu.memory_space<semaphore_mem>>) src(%arg5 : memref<344x128xf32, #tpu.memory_space<vmem>>) dst(%dma_wait3A_162 : memref<344x128xf32, #tpu.memory_space<hbm>>)
    %add3A_163 = arith.constant 2408 : i32
    %add3A_164 = arith.addi %mul3A_2, %add3A_163 : i32
    %dma_start3A_165 = arith.constant 0 : i32
    %dma_start3A_166 = tpu.memref_slice %arg2[%add3A_164, %dma_start3A_165] : memref<528384x128xf32, #tpu.memory_space<hbm>> -> memref<344x128xf32, #tpu.memory_space<hbm>>
    %dma_start3A_167 = arith.constant 0 : i32
    %dma_start3A_168 = tpu.memref_slice %arg2[%add3A_164, %dma_start3A_167] : memref<528384x128xf32, #tpu.memory_space<hbm>> -> memref<344x128xf32, #tpu.memory_space<hbm>>
    tpu.enqueue_dma source(%dma_start3A_168 : memref<344x128xf32, #tpu.memory_space<hbm>>) target(%arg5 : memref<344x128xf32, #tpu.memory_space<vmem>>) target_semaphore(%arg7 : memref<!tpu.dma_semaphore, #tpu.memory_space<semaphore_mem>>)
    %add3A_169 = arith.constant 2408 : i32
    %add3A_170 = arith.addi %mul3A_2, %add3A_169 : i32
    %dma_wait3A_171 = arith.constant 0 : i32
    %dma_wait3A_172 = tpu.memref_slice %arg2[%add3A_170, %dma_wait3A_171] : memref<528384x128xf32, #tpu.memory_space<hbm>> -> memref<344x128xf32, #tpu.memory_space<hbm>>
    %dma_wait3A_173 = arith.constant 0 : i32
    %dma_wait3A_174 = tpu.memref_slice %arg2[%add3A_170, %dma_wait3A_173] : memref<528384x128xf32, #tpu.memory_space<hbm>> -> memref<344x128xf32, #tpu.memory_space<hbm>>
    tpu.wait_dma2 semaphore(%arg7 : memref<!tpu.dma_semaphore, #tpu.memory_space<semaphore_mem>>) src(%dma_wait3A_174 : memref<344x128xf32, #tpu.memory_space<hbm>>) dst(%arg5 : memref<344x128xf32, #tpu.memory_space<vmem>>)
    %add3A_175 = arith.constant 2408 : i32
    %add3A_176 = arith.addi %mul3A_2, %add3A_175 : i32
    %dma_start3A_177 = arith.constant 0 : i32
    %dma_start3A_178 = tpu.memref_slice %arg3[%add3A_176, %dma_start3A_177] : memref<528384x128xf32, #tpu.memory_space<hbm>> -> memref<344x128xf32, #tpu.memory_space<hbm>>
    %dma_start3A_179 = arith.constant 0 : i32
    %dma_start3A_180 = tpu.memref_slice %arg3[%add3A_176, %dma_start3A_179] : memref<528384x128xf32, #tpu.memory_space<hbm>> -> memref<344x128xf32, #tpu.memory_space<hbm>>
    tpu.enqueue_dma source(%arg5 : memref<344x128xf32, #tpu.memory_space<vmem>>) target(%dma_start3A_180 : memref<344x128xf32, #tpu.memory_space<hbm>>) target_semaphore(%arg9 : memref<!tpu.dma_semaphore, #tpu.memory_space<semaphore_mem>>)
    %add3A_181 = arith.constant 2064 : i32
    %add3A_182 = arith.addi %mul3A_2, %add3A_181 : i32
    %dma_wait3A_183 = arith.constant 0 : i32
    %dma_wait3A_184 = tpu.memref_slice %arg3[%add3A_182, %dma_wait3A_183] : memref<528384x128xf32, #tpu.memory_space<hbm>> -> memref<344x128xf32, #tpu.memory_space<hbm>>
    %dma_wait3A_185 = arith.constant 0 : i32
    %dma_wait3A_186 = tpu.memref_slice %arg3[%add3A_182, %dma_wait3A_185] : memref<528384x128xf32, #tpu.memory_space<hbm>> -> memref<344x128xf32, #tpu.memory_space<hbm>>
    tpu.wait_dma2 semaphore(%arg8 : memref<!tpu.dma_semaphore, #tpu.memory_space<semaphore_mem>>) src(%arg4 : memref<344x128xf32, #tpu.memory_space<vmem>>) dst(%dma_wait3A_186 : memref<344x128xf32, #tpu.memory_space<hbm>>)
    %add3A_187 = arith.constant 2752 : i32
    %add3A_188 = arith.addi %mul3A_2, %add3A_187 : i32
    %dma_start3A_189 = arith.constant 0 : i32
    %dma_start3A_190 = tpu.memref_slice %arg2[%add3A_188, %dma_start3A_189] : memref<528384x128xf32, #tpu.memory_space<hbm>> -> memref<344x128xf32, #tpu.memory_space<hbm>>
    %dma_start3A_191 = arith.constant 0 : i32
    %dma_start3A_192 = tpu.memref_slice %arg2[%add3A_188, %dma_start3A_191] : memref<528384x128xf32, #tpu.memory_space<hbm>> -> memref<344x128xf32, #tpu.memory_space<hbm>>
    tpu.enqueue_dma source(%dma_start3A_192 : memref<344x128xf32, #tpu.memory_space<hbm>>) target(%arg4 : memref<344x128xf32, #tpu.memory_space<vmem>>) target_semaphore(%arg6 : memref<!tpu.dma_semaphore, #tpu.memory_space<semaphore_mem>>)
    %add3A_193 = arith.constant 2752 : i32
    %add3A_194 = arith.addi %mul3A_2, %add3A_193 : i32
    %dma_wait3A_195 = arith.constant 0 : i32
    %dma_wait3A_196 = tpu.memref_slice %arg2[%add3A_194, %dma_wait3A_195] : memref<528384x128xf32, #tpu.memory_space<hbm>> -> memref<344x128xf32, #tpu.memory_space<hbm>>
    %dma_wait3A_197 = arith.constant 0 : i32
    %dma_wait3A_198 = tpu.memref_slice %arg2[%add3A_194, %dma_wait3A_197] : memref<528384x128xf32, #tpu.memory_space<hbm>> -> memref<344x128xf32, #tpu.memory_space<hbm>>
    tpu.wait_dma2 semaphore(%arg6 : memref<!tpu.dma_semaphore, #tpu.memory_space<semaphore_mem>>) src(%dma_wait3A_198 : memref<344x128xf32, #tpu.memory_space<hbm>>) dst(%arg4 : memref<344x128xf32, #tpu.memory_space<vmem>>)
    %add3A_199 = arith.constant 2752 : i32
    %add3A_200 = arith.addi %mul3A_2, %add3A_199 : i32
    %dma_start3A_201 = arith.constant 0 : i32
    %dma_start3A_202 = tpu.memref_slice %arg3[%add3A_200, %dma_start3A_201] : memref<528384x128xf32, #tpu.memory_space<hbm>> -> memref<344x128xf32, #tpu.memory_space<hbm>>
    %dma_start3A_203 = arith.constant 0 : i32
    %dma_start3A_204 = tpu.memref_slice %arg3[%add3A_200, %dma_start3A_203] : memref<528384x128xf32, #tpu.memory_space<hbm>> -> memref<344x128xf32, #tpu.memory_space<hbm>>
    tpu.enqueue_dma source(%arg4 : memref<344x128xf32, #tpu.memory_space<vmem>>) target(%dma_start3A_204 : memref<344x128xf32, #tpu.memory_space<hbm>>) target_semaphore(%arg8 : memref<!tpu.dma_semaphore, #tpu.memory_space<semaphore_mem>>)
    %add3A_205 = arith.constant 2408 : i32
    %add3A_206 = arith.addi %mul3A_2, %add3A_205 : i32
    %dma_wait3A_207 = arith.constant 0 : i32
    %dma_wait3A_208 = tpu.memref_slice %arg3[%add3A_206, %dma_wait3A_207] : memref<528384x128xf32, #tpu.memory_space<hbm>> -> memref<344x128xf32, #tpu.memory_space<hbm>>
    %dma_wait3A_209 = arith.constant 0 : i32
    %dma_wait3A_210 = tpu.memref_slice %arg3[%add3A_206, %dma_wait3A_209] : memref<528384x128xf32, #tpu.memory_space<hbm>> -> memref<344x128xf32, #tpu.memory_space<hbm>>
    tpu.wait_dma2 semaphore(%arg9 : memref<!tpu.dma_semaphore, #tpu.memory_space<semaphore_mem>>) src(%arg5 : memref<344x128xf32, #tpu.memory_space<vmem>>) dst(%dma_wait3A_210 : memref<344x128xf32, #tpu.memory_space<hbm>>)
    %add3A_211 = arith.constant 3096 : i32
    %add3A_212 = arith.addi %mul3A_2, %add3A_211 : i32
    %dma_start3A_213 = arith.constant 0 : i32
    %dma_start3A_214 = tpu.memref_slice %arg2[%add3A_212, %dma_start3A_213] : memref<528384x128xf32, #tpu.memory_space<hbm>> -> memref<344x128xf32, #tpu.memory_space<hbm>>
    %dma_start3A_215 = arith.constant 0 : i32
    %dma_start3A_216 = tpu.memref_slice %arg2[%add3A_212, %dma_start3A_215] : memref<528384x128xf32, #tpu.memory_space<hbm>> -> memref<344x128xf32, #tpu.memory_space<hbm>>
    tpu.enqueue_dma source(%dma_start3A_216 : memref<344x128xf32, #tpu.memory_space<hbm>>) target(%arg5 : memref<344x128xf32, #tpu.memory_space<vmem>>) target_semaphore(%arg7 : memref<!tpu.dma_semaphore, #tpu.memory_space<semaphore_mem>>)
    %add3A_217 = arith.constant 3096 : i32
    %add3A_218 = arith.addi %mul3A_2, %add3A_217 : i32
    %dma_wait3A_219 = arith.constant 0 : i32
    %dma_wait3A_220 = tpu.memref_slice %arg2[%add3A_218, %dma_wait3A_219] : memref<528384x128xf32, #tpu.memory_space<hbm>> -> memref<344x128xf32, #tpu.memory_space<hbm>>
    %dma_wait3A_221 = arith.constant 0 : i32
    %dma_wait3A_222 = tpu.memref_slice %arg2[%add3A_218, %dma_wait3A_221] : memref<528384x128xf32, #tpu.memory_space<hbm>> -> memref<344x128xf32, #tpu.memory_space<hbm>>
    tpu.wait_dma2 semaphore(%arg7 : memref<!tpu.dma_semaphore, #tpu.memory_space<semaphore_mem>>) src(%dma_wait3A_222 : memref<344x128xf32, #tpu.memory_space<hbm>>) dst(%arg5 : memref<344x128xf32, #tpu.memory_space<vmem>>)
    %add3A_223 = arith.constant 3096 : i32
    %add3A_224 = arith.addi %mul3A_2, %add3A_223 : i32
    %dma_start3A_225 = arith.constant 0 : i32
    %dma_start3A_226 = tpu.memref_slice %arg3[%add3A_224, %dma_start3A_225] : memref<528384x128xf32, #tpu.memory_space<hbm>> -> memref<344x128xf32, #tpu.memory_space<hbm>>
    %dma_start3A_227 = arith.constant 0 : i32
    %dma_start3A_228 = tpu.memref_slice %arg3[%add3A_224, %dma_start3A_227] : memref<528384x128xf32, #tpu.memory_space<hbm>> -> memref<344x128xf32, #tpu.memory_space<hbm>>
    tpu.enqueue_dma source(%arg5 : memref<344x128xf32, #tpu.memory_space<vmem>>) target(%dma_start3A_228 : memref<344x128xf32, #tpu.memory_space<hbm>>) target_semaphore(%arg9 : memref<!tpu.dma_semaphore, #tpu.memory_space<semaphore_mem>>)
    %add3A_229 = arith.constant 2752 : i32
    %add3A_230 = arith.addi %mul3A_2, %add3A_229 : i32
    %dma_wait3A_231 = arith.constant 0 : i32
    %dma_wait3A_232 = tpu.memref_slice %arg3[%add3A_230, %dma_wait3A_231] : memref<528384x128xf32, #tpu.memory_space<hbm>> -> memref<344x128xf32, #tpu.memory_space<hbm>>
    %dma_wait3A_233 = arith.constant 0 : i32
    %dma_wait3A_234 = tpu.memref_slice %arg3[%add3A_230, %dma_wait3A_233] : memref<528384x128xf32, #tpu.memory_space<hbm>> -> memref<344x128xf32, #tpu.memory_space<hbm>>
    tpu.wait_dma2 semaphore(%arg8 : memref<!tpu.dma_semaphore, #tpu.memory_space<semaphore_mem>>) src(%arg4 : memref<344x128xf32, #tpu.memory_space<vmem>>) dst(%dma_wait3A_234 : memref<344x128xf32, #tpu.memory_space<hbm>>)
    %add3A_235 = arith.constant 3440 : i32
    %add3A_236 = arith.addi %mul3A_2, %add3A_235 : i32
    %dma_start3A_237 = arith.constant 0 : i32
    %dma_start3A_238 = tpu.memref_slice %arg2[%add3A_236, %dma_start3A_237] : memref<528384x128xf32, #tpu.memory_space<hbm>> -> memref<344x128xf32, #tpu.memory_space<hbm>>
    %dma_start3A_239 = arith.constant 0 : i32
    %dma_start3A_240 = tpu.memref_slice %arg2[%add3A_236, %dma_start3A_239] : memref<528384x128xf32, #tpu.memory_space<hbm>> -> memref<344x128xf32, #tpu.memory_space<hbm>>
    tpu.enqueue_dma source(%dma_start3A_240 : memref<344x128xf32, #tpu.memory_space<hbm>>) target(%arg4 : memref<344x128xf32, #tpu.memory_space<vmem>>) target_semaphore(%arg6 : memref<!tpu.dma_semaphore, #tpu.memory_space<semaphore_mem>>)
    %add3A_241 = arith.constant 3440 : i32
    %add3A_242 = arith.addi %mul3A_2, %add3A_241 : i32
    %dma_wait3A_243 = arith.constant 0 : i32
    %dma_wait3A_244 = tpu.memref_slice %arg2[%add3A_242, %dma_wait3A_243] : memref<528384x128xf32, #tpu.memory_space<hbm>> -> memref<344x128xf32, #tpu.memory_space<hbm>>
    %dma_wait3A_245 = arith.constant 0 : i32
    %dma_wait3A_246 = tpu.memref_slice %arg2[%add3A_242, %dma_wait3A_245] : memref<528384x128xf32, #tpu.memory_space<hbm>> -> memref<344x128xf32, #tpu.memory_space<hbm>>
    tpu.wait_dma2 semaphore(%arg6 : memref<!tpu.dma_semaphore, #tpu.memory_space<semaphore_mem>>) src(%dma_wait3A_246 : memref<344x128xf32, #tpu.memory_space<hbm>>) dst(%arg4 : memref<344x128xf32, #tpu.memory_space<vmem>>)
    %add3A_247 = arith.constant 3440 : i32
    %add3A_248 = arith.addi %mul3A_2, %add3A_247 : i32
    %dma_start3A_249 = arith.constant 0 : i32
    %dma_start3A_250 = tpu.memref_slice %arg3[%add3A_248, %dma_start3A_249] : memref<528384x128xf32, #tpu.memory_space<hbm>> -> memref<344x128xf32, #tpu.memory_space<hbm>>
    %dma_start3A_251 = arith.constant 0 : i32
    %dma_start3A_252 = tpu.memref_slice %arg3[%add3A_248, %dma_start3A_251] : memref<528384x128xf32, #tpu.memory_space<hbm>> -> memref<344x128xf32, #tpu.memory_space<hbm>>
    tpu.enqueue_dma source(%arg4 : memref<344x128xf32, #tpu.memory_space<vmem>>) target(%dma_start3A_252 : memref<344x128xf32, #tpu.memory_space<hbm>>) target_semaphore(%arg8 : memref<!tpu.dma_semaphore, #tpu.memory_space<semaphore_mem>>)
    %add3A_253 = arith.constant 3096 : i32
    %add3A_254 = arith.addi %mul3A_2, %add3A_253 : i32
    %dma_wait3A_255 = arith.constant 0 : i32
    %dma_wait3A_256 = tpu.memref_slice %arg3[%add3A_254, %dma_wait3A_255] : memref<528384x128xf32, #tpu.memory_space<hbm>> -> memref<344x128xf32, #tpu.memory_space<hbm>>
    %dma_wait3A_257 = arith.constant 0 : i32
    %dma_wait3A_258 = tpu.memref_slice %arg3[%add3A_254, %dma_wait3A_257] : memref<528384x128xf32, #tpu.memory_space<hbm>> -> memref<344x128xf32, #tpu.memory_space<hbm>>
    tpu.wait_dma2 semaphore(%arg9 : memref<!tpu.dma_semaphore, #tpu.memory_space<semaphore_mem>>) src(%arg5 : memref<344x128xf32, #tpu.memory_space<vmem>>) dst(%dma_wait3A_258 : memref<344x128xf32, #tpu.memory_space<hbm>>)
    %add3A_259 = arith.constant 3784 : i32
    %add3A_260 = arith.addi %mul3A_2, %add3A_259 : i32
    %dma_start3A_261 = arith.constant 0 : i32
    %dma_start3A_262 = tpu.memref_slice %arg2[%add3A_260, %dma_start3A_261] : memref<528384x128xf32, #tpu.memory_space<hbm>> -> memref<344x128xf32, #tpu.memory_space<hbm>>
    %dma_start3A_263 = arith.constant 0 : i32
    %dma_start3A_264 = tpu.memref_slice %arg2[%add3A_260, %dma_start3A_263] : memref<528384x128xf32, #tpu.memory_space<hbm>> -> memref<344x128xf32, #tpu.memory_space<hbm>>
    tpu.enqueue_dma source(%dma_start3A_264 : memref<344x128xf32, #tpu.memory_space<hbm>>) target(%arg5 : memref<344x128xf32, #tpu.memory_space<vmem>>) target_semaphore(%arg7 : memref<!tpu.dma_semaphore, #tpu.memory_space<semaphore_mem>>)
    %add3A_265 = arith.constant 3784 : i32
    %add3A_266 = arith.addi %mul3A_2, %add3A_265 : i32
    %dma_wait3A_267 = arith.constant 0 : i32
    %dma_wait3A_268 = tpu.memref_slice %arg2[%add3A_266, %dma_wait3A_267] : memref<528384x128xf32, #tpu.memory_space<hbm>> -> memref<344x128xf32, #tpu.memory_space<hbm>>
    %dma_wait3A_269 = arith.constant 0 : i32
    %dma_wait3A_270 = tpu.memref_slice %arg2[%add3A_266, %dma_wait3A_269] : memref<528384x128xf32, #tpu.memory_space<hbm>> -> memref<344x128xf32, #tpu.memory_space<hbm>>
    tpu.wait_dma2 semaphore(%arg7 : memref<!tpu.dma_semaphore, #tpu.memory_space<semaphore_mem>>) src(%dma_wait3A_270 : memref<344x128xf32, #tpu.memory_space<hbm>>) dst(%arg5 : memref<344x128xf32, #tpu.memory_space<vmem>>)
    %add3A_271 = arith.constant 3784 : i32
    %add3A_272 = arith.addi %mul3A_2, %add3A_271 : i32
    %dma_start3A_273 = arith.constant 0 : i32
    %dma_start3A_274 = tpu.memref_slice %arg3[%add3A_272, %dma_start3A_273] : memref<528384x128xf32, #tpu.memory_space<hbm>> -> memref<344x128xf32, #tpu.memory_space<hbm>>
    %dma_start3A_275 = arith.constant 0 : i32
    %dma_start3A_276 = tpu.memref_slice %arg3[%add3A_272, %dma_start3A_275] : memref<528384x128xf32, #tpu.memory_space<hbm>> -> memref<344x128xf32, #tpu.memory_space<hbm>>
    tpu.enqueue_dma source(%arg5 : memref<344x128xf32, #tpu.memory_space<vmem>>) target(%dma_start3A_276 : memref<344x128xf32, #tpu.memory_space<hbm>>) target_semaphore(%arg9 : memref<!tpu.dma_semaphore, #tpu.memory_space<semaphore_mem>>)
    %add3A_277 = arith.constant 3440 : i32
    %add3A_278 = arith.addi %mul3A_2, %add3A_277 : i32
    %dma_wait3A_279 = arith.constant 0 : i32
    %dma_wait3A_280 = tpu.memref_slice %arg3[%add3A_278, %dma_wait3A_279] : memref<528384x128xf32, #tpu.memory_space<hbm>> -> memref<344x128xf32, #tpu.memory_space<hbm>>
    %dma_wait3A_281 = arith.constant 0 : i32
    %dma_wait3A_282 = tpu.memref_slice %arg3[%add3A_278, %dma_wait3A_281] : memref<528384x128xf32, #tpu.memory_space<hbm>> -> memref<344x128xf32, #tpu.memory_space<hbm>>
    tpu.wait_dma2 semaphore(%arg8 : memref<!tpu.dma_semaphore, #tpu.memory_space<semaphore_mem>>) src(%arg4 : memref<344x128xf32, #tpu.memory_space<vmem>>) dst(%dma_wait3A_282 : memref<344x128xf32, #tpu.memory_space<hbm>>)
    %add3A_283 = arith.constant 4128 : i32
    %add3A_284 = arith.addi %mul3A_2, %add3A_283 : i32
    %dma_start3A_285 = arith.constant 0 : i32
    %dma_start3A_286 = tpu.memref_slice %arg2[%add3A_284, %dma_start3A_285] : memref<528384x128xf32, #tpu.memory_space<hbm>> -> memref<344x128xf32, #tpu.memory_space<hbm>>
    %dma_start3A_287 = arith.constant 0 : i32
    %dma_start3A_288 = tpu.memref_slice %arg2[%add3A_284, %dma_start3A_287] : memref<528384x128xf32, #tpu.memory_space<hbm>> -> memref<344x128xf32, #tpu.memory_space<hbm>>
    tpu.enqueue_dma source(%dma_start3A_288 : memref<344x128xf32, #tpu.memory_space<hbm>>) target(%arg4 : memref<344x128xf32, #tpu.memory_space<vmem>>) target_semaphore(%arg6 : memref<!tpu.dma_semaphore, #tpu.memory_space<semaphore_mem>>)
    %add3A_289 = arith.constant 4128 : i32
    %add3A_290 = arith.addi %mul3A_2, %add3A_289 : i32
    %dma_wait3A_291 = arith.constant 0 : i32
    %dma_wait3A_292 = tpu.memref_slice %arg2[%add3A_290, %dma_wait3A_291] : memref<528384x128xf32, #tpu.memory_space<hbm>> -> memref<344x128xf32, #tpu.memory_space<hbm>>
    %dma_wait3A_293 = arith.constant 0 : i32
    %dma_wait3A_294 = tpu.memref_slice %arg2[%add3A_290, %dma_wait3A_293] : memref<528384x128xf32, #tpu.memory_space<hbm>> -> memref<344x128xf32, #tpu.memory_space<hbm>>
    tpu.wait_dma2 semaphore(%arg6 : memref<!tpu.dma_semaphore, #tpu.memory_space<semaphore_mem>>) src(%dma_wait3A_294 : memref<344x128xf32, #tpu.memory_space<hbm>>) dst(%arg4 : memref<344x128xf32, #tpu.memory_space<vmem>>)
    %add3A_295 = arith.constant 4128 : i32
    %add3A_296 = arith.addi %mul3A_2, %add3A_295 : i32
    %dma_start3A_297 = arith.constant 0 : i32
    %dma_start3A_298 = tpu.memref_slice %arg3[%add3A_296, %dma_start3A_297] : memref<528384x128xf32, #tpu.memory_space<hbm>> -> memref<344x128xf32, #tpu.memory_space<hbm>>
    %dma_start3A_299 = arith.constant 0 : i32
    %dma_start3A_300 = tpu.memref_slice %arg3[%add3A_296, %dma_start3A_299] : memref<528384x128xf32, #tpu.memory_space<hbm>> -> memref<344x128xf32, #tpu.memory_space<hbm>>
    tpu.enqueue_dma source(%arg4 : memref<344x128xf32, #tpu.memory_space<vmem>>) target(%dma_start3A_300 : memref<344x128xf32, #tpu.memory_space<hbm>>) target_semaphore(%arg8 : memref<!tpu.dma_semaphore, #tpu.memory_space<semaphore_mem>>)
    %add3A_301 = arith.constant 3784 : i32
    %add3A_302 = arith.addi %mul3A_2, %add3A_301 : i32
    %dma_wait3A_303 = arith.constant 0 : i32
    %dma_wait3A_304 = tpu.memref_slice %arg3[%add3A_302, %dma_wait3A_303] : memref<528384x128xf32, #tpu.memory_space<hbm>> -> memref<344x128xf32, #tpu.memory_space<hbm>>
    %dma_wait3A_305 = arith.constant 0 : i32
    %dma_wait3A_306 = tpu.memref_slice %arg3[%add3A_302, %dma_wait3A_305] : memref<528384x128xf32, #tpu.memory_space<hbm>> -> memref<344x128xf32, #tpu.memory_space<hbm>>
    tpu.wait_dma2 semaphore(%arg9 : memref<!tpu.dma_semaphore, #tpu.memory_space<semaphore_mem>>) src(%arg5 : memref<344x128xf32, #tpu.memory_space<vmem>>) dst(%dma_wait3A_306 : memref<344x128xf32, #tpu.memory_space<hbm>>)
    %add3A_307 = arith.constant 4472 : i32
    %add3A_308 = arith.addi %mul3A_2, %add3A_307 : i32
    %dma_start3A_309 = arith.constant 0 : i32
    %dma_start3A_310 = tpu.memref_slice %arg2[%add3A_308, %dma_start3A_309] : memref<528384x128xf32, #tpu.memory_space<hbm>> -> memref<344x128xf32, #tpu.memory_space<hbm>>
    %dma_start3A_311 = arith.constant 0 : i32
    %dma_start3A_312 = tpu.memref_slice %arg2[%add3A_308, %dma_start3A_311] : memref<528384x128xf32, #tpu.memory_space<hbm>> -> memref<344x128xf32, #tpu.memory_space<hbm>>
    tpu.enqueue_dma source(%dma_start3A_312 : memref<344x128xf32, #tpu.memory_space<hbm>>) target(%arg5 : memref<344x128xf32, #tpu.memory_space<vmem>>) target_semaphore(%arg7 : memref<!tpu.dma_semaphore, #tpu.memory_space<semaphore_mem>>)
    %add3A_313 = arith.constant 4472 : i32
    %add3A_314 = arith.addi %mul3A_2, %add3A_313 : i32
    %dma_wait3A_315 = arith.constant 0 : i32
    %dma_wait3A_316 = tpu.memref_slice %arg2[%add3A_314, %dma_wait3A_315] : memref<528384x128xf32, #tpu.memory_space<hbm>> -> memref<344x128xf32, #tpu.memory_space<hbm>>
    %dma_wait3A_317 = arith.constant 0 : i32
    %dma_wait3A_318 = tpu.memref_slice %arg2[%add3A_314, %dma_wait3A_317] : memref<528384x128xf32, #tpu.memory_space<hbm>> -> memref<344x128xf32, #tpu.memory_space<hbm>>
    tpu.wait_dma2 semaphore(%arg7 : memref<!tpu.dma_semaphore, #tpu.memory_space<semaphore_mem>>) src(%dma_wait3A_318 : memref<344x128xf32, #tpu.memory_space<hbm>>) dst(%arg5 : memref<344x128xf32, #tpu.memory_space<vmem>>)
    %add3A_319 = arith.constant 4472 : i32
    %add3A_320 = arith.addi %mul3A_2, %add3A_319 : i32
    %dma_start3A_321 = arith.constant 0 : i32
    %dma_start3A_322 = tpu.memref_slice %arg3[%add3A_320, %dma_start3A_321] : memref<528384x128xf32, #tpu.memory_space<hbm>> -> memref<344x128xf32, #tpu.memory_space<hbm>>
    %dma_start3A_323 = arith.constant 0 : i32
    %dma_start3A_324 = tpu.memref_slice %arg3[%add3A_320, %dma_start3A_323] : memref<528384x128xf32, #tpu.memory_space<hbm>> -> memref<344x128xf32, #tpu.memory_space<hbm>>
    tpu.enqueue_dma source(%arg5 : memref<344x128xf32, #tpu.memory_space<vmem>>) target(%dma_start3A_324 : memref<344x128xf32, #tpu.memory_space<hbm>>) target_semaphore(%arg9 : memref<!tpu.dma_semaphore, #tpu.memory_space<semaphore_mem>>)
    %add3A_325 = arith.constant 4128 : i32
    %add3A_326 = arith.addi %mul3A_2, %add3A_325 : i32
    %dma_wait3A_327 = arith.constant 0 : i32
    %dma_wait3A_328 = tpu.memref_slice %arg3[%add3A_326, %dma_wait3A_327] : memref<528384x128xf32, #tpu.memory_space<hbm>> -> memref<344x128xf32, #tpu.memory_space<hbm>>
    %dma_wait3A_329 = arith.constant 0 : i32
    %dma_wait3A_330 = tpu.memref_slice %arg3[%add3A_326, %dma_wait3A_329] : memref<528384x128xf32, #tpu.memory_space<hbm>> -> memref<344x128xf32, #tpu.memory_space<hbm>>
    tpu.wait_dma2 semaphore(%arg8 : memref<!tpu.dma_semaphore, #tpu.memory_space<semaphore_mem>>) src(%arg4 : memref<344x128xf32, #tpu.memory_space<vmem>>) dst(%dma_wait3A_330 : memref<344x128xf32, #tpu.memory_space<hbm>>)
    %add3A_331 = arith.constant 4816 : i32
    %add3A_332 = arith.addi %mul3A_2, %add3A_331 : i32
    %dma_start3A_333 = arith.constant 0 : i32
    %dma_start3A_334 = tpu.memref_slice %arg2[%add3A_332, %dma_start3A_333] : memref<528384x128xf32, #tpu.memory_space<hbm>> -> memref<344x128xf32, #tpu.memory_space<hbm>>
    %dma_start3A_335 = arith.constant 0 : i32
    %dma_start3A_336 = tpu.memref_slice %arg2[%add3A_332, %dma_start3A_335] : memref<528384x128xf32, #tpu.memory_space<hbm>> -> memref<344x128xf32, #tpu.memory_space<hbm>>
    tpu.enqueue_dma source(%dma_start3A_336 : memref<344x128xf32, #tpu.memory_space<hbm>>) target(%arg4 : memref<344x128xf32, #tpu.memory_space<vmem>>) target_semaphore(%arg6 : memref<!tpu.dma_semaphore, #tpu.memory_space<semaphore_mem>>)
    %add3A_337 = arith.constant 4816 : i32
    %add3A_338 = arith.addi %mul3A_2, %add3A_337 : i32
    %dma_wait3A_339 = arith.constant 0 : i32
    %dma_wait3A_340 = tpu.memref_slice %arg2[%add3A_338, %dma_wait3A_339] : memref<528384x128xf32, #tpu.memory_space<hbm>> -> memref<344x128xf32, #tpu.memory_space<hbm>>
    %dma_wait3A_341 = arith.constant 0 : i32
    %dma_wait3A_342 = tpu.memref_slice %arg2[%add3A_338, %dma_wait3A_341] : memref<528384x128xf32, #tpu.memory_space<hbm>> -> memref<344x128xf32, #tpu.memory_space<hbm>>
    tpu.wait_dma2 semaphore(%arg6 : memref<!tpu.dma_semaphore, #tpu.memory_space<semaphore_mem>>) src(%dma_wait3A_342 : memref<344x128xf32, #tpu.memory_space<hbm>>) dst(%arg4 : memref<344x128xf32, #tpu.memory_space<vmem>>)
    %add3A_343 = arith.constant 4816 : i32
    %add3A_344 = arith.addi %mul3A_2, %add3A_343 : i32
    %dma_start3A_345 = arith.constant 0 : i32
    %dma_start3A_346 = tpu.memref_slice %arg3[%add3A_344, %dma_start3A_345] : memref<528384x128xf32, #tpu.memory_space<hbm>> -> memref<344x128xf32, #tpu.memory_space<hbm>>
    %dma_start3A_347 = arith.constant 0 : i32
    %dma_start3A_348 = tpu.memref_slice %arg3[%add3A_344, %dma_start3A_347] : memref<528384x128xf32, #tpu.memory_space<hbm>> -> memref<344x128xf32, #tpu.memory_space<hbm>>
    tpu.enqueue_dma source(%arg4 : memref<344x128xf32, #tpu.memory_space<vmem>>) target(%dma_start3A_348 : memref<344x128xf32, #tpu.memory_space<hbm>>) target_semaphore(%arg8 : memref<!tpu.dma_semaphore, #tpu.memory_space<semaphore_mem>>)
    %add3A_349 = arith.constant 4472 : i32
    %add3A_350 = arith.addi %mul3A_2, %add3A_349 : i32
    %dma_wait3A_351 = arith.constant 0 : i32
    %dma_wait3A_352 = tpu.memref_slice %arg3[%add3A_350, %dma_wait3A_351] : memref<528384x128xf32, #tpu.memory_space<hbm>> -> memref<344x128xf32, #tpu.memory_space<hbm>>
    %dma_wait3A_353 = arith.constant 0 : i32
    %dma_wait3A_354 = tpu.memref_slice %arg3[%add3A_350, %dma_wait3A_353] : memref<528384x128xf32, #tpu.memory_space<hbm>> -> memref<344x128xf32, #tpu.memory_space<hbm>>
    tpu.wait_dma2 semaphore(%arg9 : memref<!tpu.dma_semaphore, #tpu.memory_space<semaphore_mem>>) src(%arg5 : memref<344x128xf32, #tpu.memory_space<vmem>>) dst(%dma_wait3A_354 : memref<344x128xf32, #tpu.memory_space<hbm>>)
    %add3A_355 = arith.constant 5160 : i32
    %add3A_356 = arith.addi %mul3A_2, %add3A_355 : i32
    %dma_start3A_357 = arith.constant 0 : i32
    %dma_start3A_358 = tpu.memref_slice %arg2[%add3A_356, %dma_start3A_357] : memref<528384x128xf32, #tpu.memory_space<hbm>> -> memref<344x128xf32, #tpu.memory_space<hbm>>
    %dma_start3A_359 = arith.constant 0 : i32
    %dma_start3A_360 = tpu.memref_slice %arg2[%add3A_356, %dma_start3A_359] : memref<528384x128xf32, #tpu.memory_space<hbm>> -> memref<344x128xf32, #tpu.memory_space<hbm>>
    tpu.enqueue_dma source(%dma_start3A_360 : memref<344x128xf32, #tpu.memory_space<hbm>>) target(%arg5 : memref<344x128xf32, #tpu.memory_space<vmem>>) target_semaphore(%arg7 : memref<!tpu.dma_semaphore, #tpu.memory_space<semaphore_mem>>)
    %add3A_361 = arith.constant 5160 : i32
    %add3A_362 = arith.addi %mul3A_2, %add3A_361 : i32
    %dma_wait3A_363 = arith.constant 0 : i32
    %dma_wait3A_364 = tpu.memref_slice %arg2[%add3A_362, %dma_wait3A_363] : memref<528384x128xf32, #tpu.memory_space<hbm>> -> memref<344x128xf32, #tpu.memory_space<hbm>>
    %dma_wait3A_365 = arith.constant 0 : i32
    %dma_wait3A_366 = tpu.memref_slice %arg2[%add3A_362, %dma_wait3A_365] : memref<528384x128xf32, #tpu.memory_space<hbm>> -> memref<344x128xf32, #tpu.memory_space<hbm>>
    tpu.wait_dma2 semaphore(%arg7 : memref<!tpu.dma_semaphore, #tpu.memory_space<semaphore_mem>>) src(%dma_wait3A_366 : memref<344x128xf32, #tpu.memory_space<hbm>>) dst(%arg5 : memref<344x128xf32, #tpu.memory_space<vmem>>)
    %add3A_367 = arith.constant 5160 : i32
    %add3A_368 = arith.addi %mul3A_2, %add3A_367 : i32
    %dma_start3A_369 = arith.constant 0 : i32
    %dma_start3A_370 = tpu.memref_slice %arg3[%add3A_368, %dma_start3A_369] : memref<528384x128xf32, #tpu.memory_space<hbm>> -> memref<344x128xf32, #tpu.memory_space<hbm>>
    %dma_start3A_371 = arith.constant 0 : i32
    %dma_start3A_372 = tpu.memref_slice %arg3[%add3A_368, %dma_start3A_371] : memref<528384x128xf32, #tpu.memory_space<hbm>> -> memref<344x128xf32, #tpu.memory_space<hbm>>
    tpu.enqueue_dma source(%arg5 : memref<344x128xf32, #tpu.memory_space<vmem>>) target(%dma_start3A_372 : memref<344x128xf32, #tpu.memory_space<hbm>>) target_semaphore(%arg9 : memref<!tpu.dma_semaphore, #tpu.memory_space<semaphore_mem>>)
    %add3A_373 = arith.constant 4816 : i32
    %add3A_374 = arith.addi %mul3A_2, %add3A_373 : i32
    %dma_wait3A_375 = arith.constant 0 : i32
    %dma_wait3A_376 = tpu.memref_slice %arg3[%add3A_374, %dma_wait3A_375] : memref<528384x128xf32, #tpu.memory_space<hbm>> -> memref<344x128xf32, #tpu.memory_space<hbm>>
    %dma_wait3A_377 = arith.constant 0 : i32
    %dma_wait3A_378 = tpu.memref_slice %arg3[%add3A_374, %dma_wait3A_377] : memref<528384x128xf32, #tpu.memory_space<hbm>> -> memref<344x128xf32, #tpu.memory_space<hbm>>
    tpu.wait_dma2 semaphore(%arg8 : memref<!tpu.dma_semaphore, #tpu.memory_space<semaphore_mem>>) src(%arg4 : memref<344x128xf32, #tpu.memory_space<vmem>>) dst(%dma_wait3A_378 : memref<344x128xf32, #tpu.memory_space<hbm>>)
    %add3A_379 = arith.constant 5504 : i32
    %add3A_380 = arith.addi %mul3A_2, %add3A_379 : i32
    %dma_start3A_381 = arith.constant 0 : i32
    %dma_start3A_382 = tpu.memref_slice %arg2[%add3A_380, %dma_start3A_381] : memref<528384x128xf32, #tpu.memory_space<hbm>> -> memref<344x128xf32, #tpu.memory_space<hbm>>
    %dma_start3A_383 = arith.constant 0 : i32
    %dma_start3A_384 = tpu.memref_slice %arg2[%add3A_380, %dma_start3A_383] : memref<528384x128xf32, #tpu.memory_space<hbm>> -> memref<344x128xf32, #tpu.memory_space<hbm>>
    tpu.enqueue_dma source(%dma_start3A_384 : memref<344x128xf32, #tpu.memory_space<hbm>>) target(%arg4 : memref<344x128xf32, #tpu.memory_space<vmem>>) target_semaphore(%arg6 : memref<!tpu.dma_semaphore, #tpu.memory_space<semaphore_mem>>)
    %add3A_385 = arith.constant 5504 : i32
    %add3A_386 = arith.addi %mul3A_2, %add3A_385 : i32
    %dma_wait3A_387 = arith.constant 0 : i32
    %dma_wait3A_388 = tpu.memref_slice %arg2[%add3A_386, %dma_wait3A_387] : memref<528384x128xf32, #tpu.memory_space<hbm>> -> memref<344x128xf32, #tpu.memory_space<hbm>>
    %dma_wait3A_389 = arith.constant 0 : i32
    %dma_wait3A_390 = tpu.memref_slice %arg2[%add3A_386, %dma_wait3A_389] : memref<528384x128xf32, #tpu.memory_space<hbm>> -> memref<344x128xf32, #tpu.memory_space<hbm>>
    tpu.wait_dma2 semaphore(%arg6 : memref<!tpu.dma_semaphore, #tpu.memory_space<semaphore_mem>>) src(%dma_wait3A_390 : memref<344x128xf32, #tpu.memory_space<hbm>>) dst(%arg4 : memref<344x128xf32, #tpu.memory_space<vmem>>)
    %add3A_391 = arith.constant 5504 : i32
    %add3A_392 = arith.addi %mul3A_2, %add3A_391 : i32
    %dma_start3A_393 = arith.constant 0 : i32
    %dma_start3A_394 = tpu.memref_slice %arg3[%add3A_392, %dma_start3A_393] : memref<528384x128xf32, #tpu.memory_space<hbm>> -> memref<344x128xf32, #tpu.memory_space<hbm>>
    %dma_start3A_395 = arith.constant 0 : i32
    %dma_start3A_396 = tpu.memref_slice %arg3[%add3A_392, %dma_start3A_395] : memref<528384x128xf32, #tpu.memory_space<hbm>> -> memref<344x128xf32, #tpu.memory_space<hbm>>
    tpu.enqueue_dma source(%arg4 : memref<344x128xf32, #tpu.memory_space<vmem>>) target(%dma_start3A_396 : memref<344x128xf32, #tpu.memory_space<hbm>>) target_semaphore(%arg8 : memref<!tpu.dma_semaphore, #tpu.memory_space<semaphore_mem>>)
    %add3A_397 = arith.constant 5160 : i32
    %add3A_398 = arith.addi %mul3A_2, %add3A_397 : i32
    %dma_wait3A_399 = arith.constant 0 : i32
    %dma_wait3A_400 = tpu.memref_slice %arg3[%add3A_398, %dma_wait3A_399] : memref<528384x128xf32, #tpu.memory_space<hbm>> -> memref<344x128xf32, #tpu.memory_space<hbm>>
    %dma_wait3A_401 = arith.constant 0 : i32
    %dma_wait3A_402 = tpu.memref_slice %arg3[%add3A_398, %dma_wait3A_401] : memref<528384x128xf32, #tpu.memory_space<hbm>> -> memref<344x128xf32, #tpu.memory_space<hbm>>
    tpu.wait_dma2 semaphore(%arg9 : memref<!tpu.dma_semaphore, #tpu.memory_space<semaphore_mem>>) src(%arg5 : memref<344x128xf32, #tpu.memory_space<vmem>>) dst(%dma_wait3A_402 : memref<344x128xf32, #tpu.memory_space<hbm>>)
    %add3A_403 = arith.constant 5848 : i32
    %add3A_404 = arith.addi %mul3A_2, %add3A_403 : i32
    %dma_start3A_405 = arith.constant 0 : i32
    %dma_start3A_406 = tpu.memref_slice %arg2[%add3A_404, %dma_start3A_405] : memref<528384x128xf32, #tpu.memory_space<hbm>> -> memref<344x128xf32, #tpu.memory_space<hbm>>
    %dma_start3A_407 = arith.constant 0 : i32
    %dma_start3A_408 = tpu.memref_slice %arg2[%add3A_404, %dma_start3A_407] : memref<528384x128xf32, #tpu.memory_space<hbm>> -> memref<344x128xf32, #tpu.memory_space<hbm>>
    tpu.enqueue_dma source(%dma_start3A_408 : memref<344x128xf32, #tpu.memory_space<hbm>>) target(%arg5 : memref<344x128xf32, #tpu.memory_space<vmem>>) target_semaphore(%arg7 : memref<!tpu.dma_semaphore, #tpu.memory_space<semaphore_mem>>)
    %add3A_409 = arith.constant 5848 : i32
    %add3A_410 = arith.addi %mul3A_2, %add3A_409 : i32
    %dma_wait3A_411 = arith.constant 0 : i32
    %dma_wait3A_412 = tpu.memref_slice %arg2[%add3A_410, %dma_wait3A_411] : memref<528384x128xf32, #tpu.memory_space<hbm>> -> memref<344x128xf32, #tpu.memory_space<hbm>>
    %dma_wait3A_413 = arith.constant 0 : i32
    %dma_wait3A_414 = tpu.memref_slice %arg2[%add3A_410, %dma_wait3A_413] : memref<528384x128xf32, #tpu.memory_space<hbm>> -> memref<344x128xf32, #tpu.memory_space<hbm>>
    tpu.wait_dma2 semaphore(%arg7 : memref<!tpu.dma_semaphore, #tpu.memory_space<semaphore_mem>>) src(%dma_wait3A_414 : memref<344x128xf32, #tpu.memory_space<hbm>>) dst(%arg5 : memref<344x128xf32, #tpu.memory_space<vmem>>)
    %add3A_415 = arith.constant 5848 : i32
    %add3A_416 = arith.addi %mul3A_2, %add3A_415 : i32
    %dma_start3A_417 = arith.constant 0 : i32
    %dma_start3A_418 = tpu.memref_slice %arg3[%add3A_416, %dma_start3A_417] : memref<528384x128xf32, #tpu.memory_space<hbm>> -> memref<344x128xf32, #tpu.memory_space<hbm>>
    %dma_start3A_419 = arith.constant 0 : i32
    %dma_start3A_420 = tpu.memref_slice %arg3[%add3A_416, %dma_start3A_419] : memref<528384x128xf32, #tpu.memory_space<hbm>> -> memref<344x128xf32, #tpu.memory_space<hbm>>
    tpu.enqueue_dma source(%arg5 : memref<344x128xf32, #tpu.memory_space<vmem>>) target(%dma_start3A_420 : memref<344x128xf32, #tpu.memory_space<hbm>>) target_semaphore(%arg9 : memref<!tpu.dma_semaphore, #tpu.memory_space<semaphore_mem>>)
    %add3A_421 = arith.constant 5504 : i32
    %add3A_422 = arith.addi %mul3A_2, %add3A_421 : i32
    %dma_wait3A_423 = arith.constant 0 : i32
    %dma_wait3A_424 = tpu.memref_slice %arg3[%add3A_422, %dma_wait3A_423] : memref<528384x128xf32, #tpu.memory_space<hbm>> -> memref<344x128xf32, #tpu.memory_space<hbm>>
    %dma_wait3A_425 = arith.constant 0 : i32
    %dma_wait3A_426 = tpu.memref_slice %arg3[%add3A_422, %dma_wait3A_425] : memref<528384x128xf32, #tpu.memory_space<hbm>> -> memref<344x128xf32, #tpu.memory_space<hbm>>
    tpu.wait_dma2 semaphore(%arg8 : memref<!tpu.dma_semaphore, #tpu.memory_space<semaphore_mem>>) src(%arg4 : memref<344x128xf32, #tpu.memory_space<vmem>>) dst(%dma_wait3A_426 : memref<344x128xf32, #tpu.memory_space<hbm>>)
    %add3A_427 = arith.constant 6192 : i32
    %add3A_428 = arith.addi %mul3A_2, %add3A_427 : i32
    %dma_start3A_429 = arith.constant 0 : i32
    %dma_start3A_430 = tpu.memref_slice %arg2[%add3A_428, %dma_start3A_429] : memref<528384x128xf32, #tpu.memory_space<hbm>> -> memref<344x128xf32, #tpu.memory_space<hbm>>
    %dma_start3A_431 = arith.constant 0 : i32
    %dma_start3A_432 = tpu.memref_slice %arg2[%add3A_428, %dma_start3A_431] : memref<528384x128xf32, #tpu.memory_space<hbm>> -> memref<344x128xf32, #tpu.memory_space<hbm>>
    tpu.enqueue_dma source(%dma_start3A_432 : memref<344x128xf32, #tpu.memory_space<hbm>>) target(%arg4 : memref<344x128xf32, #tpu.memory_space<vmem>>) target_semaphore(%arg6 : memref<!tpu.dma_semaphore, #tpu.memory_space<semaphore_mem>>)
    %add3A_433 = arith.constant 6192 : i32
    %add3A_434 = arith.addi %mul3A_2, %add3A_433 : i32
    %dma_wait3A_435 = arith.constant 0 : i32
    %dma_wait3A_436 = tpu.memref_slice %arg2[%add3A_434, %dma_wait3A_435] : memref<528384x128xf32, #tpu.memory_space<hbm>> -> memref<344x128xf32, #tpu.memory_space<hbm>>
    %dma_wait3A_437 = arith.constant 0 : i32
    %dma_wait3A_438 = tpu.memref_slice %arg2[%add3A_434, %dma_wait3A_437] : memref<528384x128xf32, #tpu.memory_space<hbm>> -> memref<344x128xf32, #tpu.memory_space<hbm>>
    tpu.wait_dma2 semaphore(%arg6 : memref<!tpu.dma_semaphore, #tpu.memory_space<semaphore_mem>>) src(%dma_wait3A_438 : memref<344x128xf32, #tpu.memory_space<hbm>>) dst(%arg4 : memref<344x128xf32, #tpu.memory_space<vmem>>)
    %add3A_439 = arith.constant 6192 : i32
    %add3A_440 = arith.addi %mul3A_2, %add3A_439 : i32
    %dma_start3A_441 = arith.constant 0 : i32
    %dma_start3A_442 = tpu.memref_slice %arg3[%add3A_440, %dma_start3A_441] : memref<528384x128xf32, #tpu.memory_space<hbm>> -> memref<344x128xf32, #tpu.memory_space<hbm>>
    %dma_start3A_443 = arith.constant 0 : i32
    %dma_start3A_444 = tpu.memref_slice %arg3[%add3A_440, %dma_start3A_443] : memref<528384x128xf32, #tpu.memory_space<hbm>> -> memref<344x128xf32, #tpu.memory_space<hbm>>
    tpu.enqueue_dma source(%arg4 : memref<344x128xf32, #tpu.memory_space<vmem>>) target(%dma_start3A_444 : memref<344x128xf32, #tpu.memory_space<hbm>>) target_semaphore(%arg8 : memref<!tpu.dma_semaphore, #tpu.memory_space<semaphore_mem>>)
    %add3A_445 = arith.constant 5848 : i32
    %add3A_446 = arith.addi %mul3A_2, %add3A_445 : i32
    %dma_wait3A_447 = arith.constant 0 : i32
    %dma_wait3A_448 = tpu.memref_slice %arg3[%add3A_446, %dma_wait3A_447] : memref<528384x128xf32, #tpu.memory_space<hbm>> -> memref<344x128xf32, #tpu.memory_space<hbm>>
    %dma_wait3A_449 = arith.constant 0 : i32
    %dma_wait3A_450 = tpu.memref_slice %arg3[%add3A_446, %dma_wait3A_449] : memref<528384x128xf32, #tpu.memory_space<hbm>> -> memref<344x128xf32, #tpu.memory_space<hbm>>
    tpu.wait_dma2 semaphore(%arg9 : memref<!tpu.dma_semaphore, #tpu.memory_space<semaphore_mem>>) src(%arg5 : memref<344x128xf32, #tpu.memory_space<vmem>>) dst(%dma_wait3A_450 : memref<344x128xf32, #tpu.memory_space<hbm>>)
    %add3A_451 = arith.constant 6536 : i32
    %add3A_452 = arith.addi %mul3A_2, %add3A_451 : i32
    %dma_start3A_453 = arith.constant 0 : i32
    %dma_start3A_454 = tpu.memref_slice %arg2[%add3A_452, %dma_start3A_453] : memref<528384x128xf32, #tpu.memory_space<hbm>> -> memref<344x128xf32, #tpu.memory_space<hbm>>
    %dma_start3A_455 = arith.constant 0 : i32
    %dma_start3A_456 = tpu.memref_slice %arg2[%add3A_452, %dma_start3A_455] : memref<528384x128xf32, #tpu.memory_space<hbm>> -> memref<344x128xf32, #tpu.memory_space<hbm>>
    tpu.enqueue_dma source(%dma_start3A_456 : memref<344x128xf32, #tpu.memory_space<hbm>>) target(%arg5 : memref<344x128xf32, #tpu.memory_space<vmem>>) target_semaphore(%arg7 : memref<!tpu.dma_semaphore, #tpu.memory_space<semaphore_mem>>)
    %add3A_457 = arith.constant 6536 : i32
    %add3A_458 = arith.addi %mul3A_2, %add3A_457 : i32
    %dma_wait3A_459 = arith.constant 0 : i32
    %dma_wait3A_460 = tpu.memref_slice %arg2[%add3A_458, %dma_wait3A_459] : memref<528384x128xf32, #tpu.memory_space<hbm>> -> memref<344x128xf32, #tpu.memory_space<hbm>>
    %dma_wait3A_461 = arith.constant 0 : i32
    %dma_wait3A_462 = tpu.memref_slice %arg2[%add3A_458, %dma_wait3A_461] : memref<528384x128xf32, #tpu.memory_space<hbm>> -> memref<344x128xf32, #tpu.memory_space<hbm>>
    tpu.wait_dma2 semaphore(%arg7 : memref<!tpu.dma_semaphore, #tpu.memory_space<semaphore_mem>>) src(%dma_wait3A_462 : memref<344x128xf32, #tpu.memory_space<hbm>>) dst(%arg5 : memref<344x128xf32, #tpu.memory_space<vmem>>)
    %add3A_463 = arith.constant 6536 : i32
    %add3A_464 = arith.addi %mul3A_2, %add3A_463 : i32
    %dma_start3A_465 = arith.constant 0 : i32
    %dma_start3A_466 = tpu.memref_slice %arg3[%add3A_464, %dma_start3A_465] : memref<528384x128xf32, #tpu.memory_space<hbm>> -> memref<344x128xf32, #tpu.memory_space<hbm>>
    %dma_start3A_467 = arith.constant 0 : i32
    %dma_start3A_468 = tpu.memref_slice %arg3[%add3A_464, %dma_start3A_467] : memref<528384x128xf32, #tpu.memory_space<hbm>> -> memref<344x128xf32, #tpu.memory_space<hbm>>
    tpu.enqueue_dma source(%arg5 : memref<344x128xf32, #tpu.memory_space<vmem>>) target(%dma_start3A_468 : memref<344x128xf32, #tpu.memory_space<hbm>>) target_semaphore(%arg9 : memref<!tpu.dma_semaphore, #tpu.memory_space<semaphore_mem>>)
    %add3A_469 = arith.constant 6192 : i32
    %add3A_470 = arith.addi %mul3A_2, %add3A_469 : i32
    %dma_wait3A_471 = arith.constant 0 : i32
    %dma_wait3A_472 = tpu.memref_slice %arg3[%add3A_470, %dma_wait3A_471] : memref<528384x128xf32, #tpu.memory_space<hbm>> -> memref<344x128xf32, #tpu.memory_space<hbm>>
    %dma_wait3A_473 = arith.constant 0 : i32
    %dma_wait3A_474 = tpu.memref_slice %arg3[%add3A_470, %dma_wait3A_473] : memref<528384x128xf32, #tpu.memory_space<hbm>> -> memref<344x128xf32, #tpu.memory_space<hbm>>
    tpu.wait_dma2 semaphore(%arg8 : memref<!tpu.dma_semaphore, #tpu.memory_space<semaphore_mem>>) src(%arg4 : memref<344x128xf32, #tpu.memory_space<vmem>>) dst(%dma_wait3A_474 : memref<344x128xf32, #tpu.memory_space<hbm>>)
    %add3A_475 = arith.constant 6880 : i32
    %add3A_476 = arith.addi %mul3A_2, %add3A_475 : i32
    %dma_start3A_477 = arith.constant 0 : i32
    %dma_start3A_478 = tpu.memref_slice %arg2[%add3A_476, %dma_start3A_477] : memref<528384x128xf32, #tpu.memory_space<hbm>> -> memref<344x128xf32, #tpu.memory_space<hbm>>
    %dma_start3A_479 = arith.constant 0 : i32
    %dma_start3A_480 = tpu.memref_slice %arg2[%add3A_476, %dma_start3A_479] : memref<528384x128xf32, #tpu.memory_space<hbm>> -> memref<344x128xf32, #tpu.memory_space<hbm>>
    tpu.enqueue_dma source(%dma_start3A_480 : memref<344x128xf32, #tpu.memory_space<hbm>>) target(%arg4 : memref<344x128xf32, #tpu.memory_space<vmem>>) target_semaphore(%arg6 : memref<!tpu.dma_semaphore, #tpu.memory_space<semaphore_mem>>)
    %add3A_481 = arith.constant 6880 : i32
    %add3A_482 = arith.addi %mul3A_2, %add3A_481 : i32
    %dma_wait3A_483 = arith.constant 0 : i32
    %dma_wait3A_484 = tpu.memref_slice %arg2[%add3A_482, %dma_wait3A_483] : memref<528384x128xf32, #tpu.memory_space<hbm>> -> memref<344x128xf32, #tpu.memory_space<hbm>>
    %dma_wait3A_485 = arith.constant 0 : i32
    %dma_wait3A_486 = tpu.memref_slice %arg2[%add3A_482, %dma_wait3A_485] : memref<528384x128xf32, #tpu.memory_space<hbm>> -> memref<344x128xf32, #tpu.memory_space<hbm>>
    tpu.wait_dma2 semaphore(%arg6 : memref<!tpu.dma_semaphore, #tpu.memory_space<semaphore_mem>>) src(%dma_wait3A_486 : memref<344x128xf32, #tpu.memory_space<hbm>>) dst(%arg4 : memref<344x128xf32, #tpu.memory_space<vmem>>)
    %add3A_487 = arith.constant 6880 : i32
    %add3A_488 = arith.addi %mul3A_2, %add3A_487 : i32
    %dma_start3A_489 = arith.constant 0 : i32
    %dma_start3A_490 = tpu.memref_slice %arg3[%add3A_488, %dma_start3A_489] : memref<528384x128xf32, #tpu.memory_space<hbm>> -> memref<344x128xf32, #tpu.memory_space<hbm>>
    %dma_start3A_491 = arith.constant 0 : i32
    %dma_start3A_492 = tpu.memref_slice %arg3[%add3A_488, %dma_start3A_491] : memref<528384x128xf32, #tpu.memory_space<hbm>> -> memref<344x128xf32, #tpu.memory_space<hbm>>
    tpu.enqueue_dma source(%arg4 : memref<344x128xf32, #tpu.memory_space<vmem>>) target(%dma_start3A_492 : memref<344x128xf32, #tpu.memory_space<hbm>>) target_semaphore(%arg8 : memref<!tpu.dma_semaphore, #tpu.memory_space<semaphore_mem>>)
    %add3A_493 = arith.constant 6536 : i32
    %add3A_494 = arith.addi %mul3A_2, %add3A_493 : i32
    %dma_wait3A_495 = arith.constant 0 : i32
    %dma_wait3A_496 = tpu.memref_slice %arg3[%add3A_494, %dma_wait3A_495] : memref<528384x128xf32, #tpu.memory_space<hbm>> -> memref<344x128xf32, #tpu.memory_space<hbm>>
    %dma_wait3A_497 = arith.constant 0 : i32
    %dma_wait3A_498 = tpu.memref_slice %arg3[%add3A_494, %dma_wait3A_497] : memref<528384x128xf32, #tpu.memory_space<hbm>> -> memref<344x128xf32, #tpu.memory_space<hbm>>
    tpu.wait_dma2 semaphore(%arg9 : memref<!tpu.dma_semaphore, #tpu.memory_space<semaphore_mem>>) src(%arg5 : memref<344x128xf32, #tpu.memory_space<vmem>>) dst(%dma_wait3A_498 : memref<344x128xf32, #tpu.memory_space<hbm>>)
    %add3A_499 = arith.constant 7224 : i32
    %add3A_500 = arith.addi %mul3A_2, %add3A_499 : i32
    %dma_start3A_501 = arith.constant 0 : i32
    %dma_start3A_502 = tpu.memref_slice %arg2[%add3A_500, %dma_start3A_501] : memref<528384x128xf32, #tpu.memory_space<hbm>> -> memref<344x128xf32, #tpu.memory_space<hbm>>
    %dma_start3A_503 = arith.constant 0 : i32
    %dma_start3A_504 = tpu.memref_slice %arg2[%add3A_500, %dma_start3A_503] : memref<528384x128xf32, #tpu.memory_space<hbm>> -> memref<344x128xf32, #tpu.memory_space<hbm>>
    tpu.enqueue_dma source(%dma_start3A_504 : memref<344x128xf32, #tpu.memory_space<hbm>>) target(%arg5 : memref<344x128xf32, #tpu.memory_space<vmem>>) target_semaphore(%arg7 : memref<!tpu.dma_semaphore, #tpu.memory_space<semaphore_mem>>)
    %add3A_505 = arith.constant 7224 : i32
    %add3A_506 = arith.addi %mul3A_2, %add3A_505 : i32
    %dma_wait3A_507 = arith.constant 0 : i32
    %dma_wait3A_508 = tpu.memref_slice %arg2[%add3A_506, %dma_wait3A_507] : memref<528384x128xf32, #tpu.memory_space<hbm>> -> memref<344x128xf32, #tpu.memory_space<hbm>>
    %dma_wait3A_509 = arith.constant 0 : i32
    %dma_wait3A_510 = tpu.memref_slice %arg2[%add3A_506, %dma_wait3A_509] : memref<528384x128xf32, #tpu.memory_space<hbm>> -> memref<344x128xf32, #tpu.memory_space<hbm>>
    tpu.wait_dma2 semaphore(%arg7 : memref<!tpu.dma_semaphore, #tpu.memory_space<semaphore_mem>>) src(%dma_wait3A_510 : memref<344x128xf32, #tpu.memory_space<hbm>>) dst(%arg5 : memref<344x128xf32, #tpu.memory_space<vmem>>)
    %add3A_511 = arith.constant 7224 : i32
    %add3A_512 = arith.addi %mul3A_2, %add3A_511 : i32
    %dma_start3A_513 = arith.constant 0 : i32
    %dma_start3A_514 = tpu.memref_slice %arg3[%add3A_512, %dma_start3A_513] : memref<528384x128xf32, #tpu.memory_space<hbm>> -> memref<344x128xf32, #tpu.memory_space<hbm>>
    %dma_start3A_515 = arith.constant 0 : i32
    %dma_start3A_516 = tpu.memref_slice %arg3[%add3A_512, %dma_start3A_515] : memref<528384x128xf32, #tpu.memory_space<hbm>> -> memref<344x128xf32, #tpu.memory_space<hbm>>
    tpu.enqueue_dma source(%arg5 : memref<344x128xf32, #tpu.memory_space<vmem>>) target(%dma_start3A_516 : memref<344x128xf32, #tpu.memory_space<hbm>>) target_semaphore(%arg9 : memref<!tpu.dma_semaphore, #tpu.memory_space<semaphore_mem>>)
    %add3A_517 = arith.constant 6880 : i32
    %add3A_518 = arith.addi %mul3A_2, %add3A_517 : i32
    %dma_wait3A_519 = arith.constant 0 : i32
    %dma_wait3A_520 = tpu.memref_slice %arg3[%add3A_518, %dma_wait3A_519] : memref<528384x128xf32, #tpu.memory_space<hbm>> -> memref<344x128xf32, #tpu.memory_space<hbm>>
    %dma_wait3A_521 = arith.constant 0 : i32
    %dma_wait3A_522 = tpu.memref_slice %arg3[%add3A_518, %dma_wait3A_521] : memref<528384x128xf32, #tpu.memory_space<hbm>> -> memref<344x128xf32, #tpu.memory_space<hbm>>
    tpu.wait_dma2 semaphore(%arg8 : memref<!tpu.dma_semaphore, #tpu.memory_space<semaphore_mem>>) src(%arg4 : memref<344x128xf32, #tpu.memory_space<vmem>>) dst(%dma_wait3A_522 : memref<344x128xf32, #tpu.memory_space<hbm>>)
    %add3A_523 = arith.constant 7568 : i32
    %add3A_524 = arith.addi %mul3A_2, %add3A_523 : i32
    %dma_start3A_525 = arith.constant 0 : i32
    %dma_start3A_526 = tpu.memref_slice %arg2[%add3A_524, %dma_start3A_525] : memref<528384x128xf32, #tpu.memory_space<hbm>> -> memref<344x128xf32, #tpu.memory_space<hbm>>
    %dma_start3A_527 = arith.constant 0 : i32
    %dma_start3A_528 = tpu.memref_slice %arg2[%add3A_524, %dma_start3A_527] : memref<528384x128xf32, #tpu.memory_space<hbm>> -> memref<344x128xf32, #tpu.memory_space<hbm>>
    tpu.enqueue_dma source(%dma_start3A_528 : memref<344x128xf32, #tpu.memory_space<hbm>>) target(%arg4 : memref<344x128xf32, #tpu.memory_space<vmem>>) target_semaphore(%arg6 : memref<!tpu.dma_semaphore, #tpu.memory_space<semaphore_mem>>)
    %add3A_529 = arith.constant 7568 : i32
    %add3A_530 = arith.addi %mul3A_2, %add3A_529 : i32
    %dma_wait3A_531 = arith.constant 0 : i32
    %dma_wait3A_532 = tpu.memref_slice %arg2[%add3A_530, %dma_wait3A_531] : memref<528384x128xf32, #tpu.memory_space<hbm>> -> memref<344x128xf32, #tpu.memory_space<hbm>>
    %dma_wait3A_533 = arith.constant 0 : i32
    %dma_wait3A_534 = tpu.memref_slice %arg2[%add3A_530, %dma_wait3A_533] : memref<528384x128xf32, #tpu.memory_space<hbm>> -> memref<344x128xf32, #tpu.memory_space<hbm>>
    tpu.wait_dma2 semaphore(%arg6 : memref<!tpu.dma_semaphore, #tpu.memory_space<semaphore_mem>>) src(%dma_wait3A_534 : memref<344x128xf32, #tpu.memory_space<hbm>>) dst(%arg4 : memref<344x128xf32, #tpu.memory_space<vmem>>)
    %add3A_535 = arith.constant 7568 : i32
    %add3A_536 = arith.addi %mul3A_2, %add3A_535 : i32
    %dma_start3A_537 = arith.constant 0 : i32
    %dma_start3A_538 = tpu.memref_slice %arg3[%add3A_536, %dma_start3A_537] : memref<528384x128xf32, #tpu.memory_space<hbm>> -> memref<344x128xf32, #tpu.memory_space<hbm>>
    %dma_start3A_539 = arith.constant 0 : i32
    %dma_start3A_540 = tpu.memref_slice %arg3[%add3A_536, %dma_start3A_539] : memref<528384x128xf32, #tpu.memory_space<hbm>> -> memref<344x128xf32, #tpu.memory_space<hbm>>
    tpu.enqueue_dma source(%arg4 : memref<344x128xf32, #tpu.memory_space<vmem>>) target(%dma_start3A_540 : memref<344x128xf32, #tpu.memory_space<hbm>>) target_semaphore(%arg8 : memref<!tpu.dma_semaphore, #tpu.memory_space<semaphore_mem>>)
    %add3A_541 = arith.constant 7224 : i32
    %add3A_542 = arith.addi %mul3A_2, %add3A_541 : i32
    %dma_wait3A_543 = arith.constant 0 : i32
    %dma_wait3A_544 = tpu.memref_slice %arg3[%add3A_542, %dma_wait3A_543] : memref<528384x128xf32, #tpu.memory_space<hbm>> -> memref<344x128xf32, #tpu.memory_space<hbm>>
    %dma_wait3A_545 = arith.constant 0 : i32
    %dma_wait3A_546 = tpu.memref_slice %arg3[%add3A_542, %dma_wait3A_545] : memref<528384x128xf32, #tpu.memory_space<hbm>> -> memref<344x128xf32, #tpu.memory_space<hbm>>
    tpu.wait_dma2 semaphore(%arg9 : memref<!tpu.dma_semaphore, #tpu.memory_space<semaphore_mem>>) src(%arg5 : memref<344x128xf32, #tpu.memory_space<vmem>>) dst(%dma_wait3A_546 : memref<344x128xf32, #tpu.memory_space<hbm>>)
    %add3A_547 = arith.constant 7912 : i32
    %add3A_548 = arith.addi %mul3A_2, %add3A_547 : i32
    %dma_start3A_549 = arith.constant 0 : i32
    %dma_start3A_550 = tpu.memref_slice %arg2[%add3A_548, %dma_start3A_549] : memref<528384x128xf32, #tpu.memory_space<hbm>> -> memref<344x128xf32, #tpu.memory_space<hbm>>
    %dma_start3A_551 = arith.constant 0 : i32
    %dma_start3A_552 = tpu.memref_slice %arg2[%add3A_548, %dma_start3A_551] : memref<528384x128xf32, #tpu.memory_space<hbm>> -> memref<344x128xf32, #tpu.memory_space<hbm>>
    tpu.enqueue_dma source(%dma_start3A_552 : memref<344x128xf32, #tpu.memory_space<hbm>>) target(%arg5 : memref<344x128xf32, #tpu.memory_space<vmem>>) target_semaphore(%arg7 : memref<!tpu.dma_semaphore, #tpu.memory_space<semaphore_mem>>)
    %add3A_553 = arith.constant 7912 : i32
    %add3A_554 = arith.addi %mul3A_2, %add3A_553 : i32
    %dma_wait3A_555 = arith.constant 0 : i32
    %dma_wait3A_556 = tpu.memref_slice %arg2[%add3A_554, %dma_wait3A_555] : memref<528384x128xf32, #tpu.memory_space<hbm>> -> memref<344x128xf32, #tpu.memory_space<hbm>>
    %dma_wait3A_557 = arith.constant 0 : i32
    %dma_wait3A_558 = tpu.memref_slice %arg2[%add3A_554, %dma_wait3A_557] : memref<528384x128xf32, #tpu.memory_space<hbm>> -> memref<344x128xf32, #tpu.memory_space<hbm>>
    tpu.wait_dma2 semaphore(%arg7 : memref<!tpu.dma_semaphore, #tpu.memory_space<semaphore_mem>>) src(%dma_wait3A_558 : memref<344x128xf32, #tpu.memory_space<hbm>>) dst(%arg5 : memref<344x128xf32, #tpu.memory_space<vmem>>)
    %add3A_559 = arith.constant 7912 : i32
    %add3A_560 = arith.addi %mul3A_2, %add3A_559 : i32
    %dma_start3A_561 = arith.constant 0 : i32
    %dma_start3A_562 = tpu.memref_slice %arg3[%add3A_560, %dma_start3A_561] : memref<528384x128xf32, #tpu.memory_space<hbm>> -> memref<344x128xf32, #tpu.memory_space<hbm>>
    %dma_start3A_563 = arith.constant 0 : i32
    %dma_start3A_564 = tpu.memref_slice %arg3[%add3A_560, %dma_start3A_563] : memref<528384x128xf32, #tpu.memory_space<hbm>> -> memref<344x128xf32, #tpu.memory_space<hbm>>
    tpu.enqueue_dma source(%arg5 : memref<344x128xf32, #tpu.memory_space<vmem>>) target(%dma_start3A_564 : memref<344x128xf32, #tpu.memory_space<hbm>>) target_semaphore(%arg9 : memref<!tpu.dma_semaphore, #tpu.memory_space<semaphore_mem>>)
    %add3A_565 = arith.constant 7568 : i32
    %add3A_566 = arith.addi %mul3A_2, %add3A_565 : i32
    %dma_wait3A_567 = arith.constant 0 : i32
    %dma_wait3A_568 = tpu.memref_slice %arg3[%add3A_566, %dma_wait3A_567] : memref<528384x128xf32, #tpu.memory_space<hbm>> -> memref<344x128xf32, #tpu.memory_space<hbm>>
    %dma_wait3A_569 = arith.constant 0 : i32
    %dma_wait3A_570 = tpu.memref_slice %arg3[%add3A_566, %dma_wait3A_569] : memref<528384x128xf32, #tpu.memory_space<hbm>> -> memref<344x128xf32, #tpu.memory_space<hbm>>
    tpu.wait_dma2 semaphore(%arg8 : memref<!tpu.dma_semaphore, #tpu.memory_space<semaphore_mem>>) src(%arg4 : memref<344x128xf32, #tpu.memory_space<vmem>>) dst(%dma_wait3A_570 : memref<344x128xf32, #tpu.memory_space<hbm>>)
    %add3A_571 = arith.constant 8256 : i32
    %add3A_572 = arith.addi %mul3A_2, %add3A_571 : i32
    %dma_start3A_573 = arith.constant 0 : i32
    %dma_start3A_574 = tpu.memref_slice %arg2[%add3A_572, %dma_start3A_573] : memref<528384x128xf32, #tpu.memory_space<hbm>> -> memref<344x128xf32, #tpu.memory_space<hbm>>
    %dma_start3A_575 = arith.constant 0 : i32
    %dma_start3A_576 = tpu.memref_slice %arg2[%add3A_572, %dma_start3A_575] : memref<528384x128xf32, #tpu.memory_space<hbm>> -> memref<344x128xf32, #tpu.memory_space<hbm>>
    tpu.enqueue_dma source(%dma_start3A_576 : memref<344x128xf32, #tpu.memory_space<hbm>>) target(%arg4 : memref<344x128xf32, #tpu.memory_space<vmem>>) target_semaphore(%arg6 : memref<!tpu.dma_semaphore, #tpu.memory_space<semaphore_mem>>)
    %add3A_577 = arith.constant 8256 : i32
    %add3A_578 = arith.addi %mul3A_2, %add3A_577 : i32
    %dma_wait3A_579 = arith.constant 0 : i32
    %dma_wait3A_580 = tpu.memref_slice %arg2[%add3A_578, %dma_wait3A_579] : memref<528384x128xf32, #tpu.memory_space<hbm>> -> memref<344x128xf32, #tpu.memory_space<hbm>>
    %dma_wait3A_581 = arith.constant 0 : i32
    %dma_wait3A_582 = tpu.memref_slice %arg2[%add3A_578, %dma_wait3A_581] : memref<528384x128xf32, #tpu.memory_space<hbm>> -> memref<344x128xf32, #tpu.memory_space<hbm>>
    tpu.wait_dma2 semaphore(%arg6 : memref<!tpu.dma_semaphore, #tpu.memory_space<semaphore_mem>>) src(%dma_wait3A_582 : memref<344x128xf32, #tpu.memory_space<hbm>>) dst(%arg4 : memref<344x128xf32, #tpu.memory_space<vmem>>)
    %add3A_583 = arith.constant 8256 : i32
    %add3A_584 = arith.addi %mul3A_2, %add3A_583 : i32
    %dma_start3A_585 = arith.constant 0 : i32
    %dma_start3A_586 = tpu.memref_slice %arg3[%add3A_584, %dma_start3A_585] : memref<528384x128xf32, #tpu.memory_space<hbm>> -> memref<344x128xf32, #tpu.memory_space<hbm>>
    %dma_start3A_587 = arith.constant 0 : i32
    %dma_start3A_588 = tpu.memref_slice %arg3[%add3A_584, %dma_start3A_587] : memref<528384x128xf32, #tpu.memory_space<hbm>> -> memref<344x128xf32, #tpu.memory_space<hbm>>
    tpu.enqueue_dma source(%arg4 : memref<344x128xf32, #tpu.memory_space<vmem>>) target(%dma_start3A_588 : memref<344x128xf32, #tpu.memory_space<hbm>>) target_semaphore(%arg8 : memref<!tpu.dma_semaphore, #tpu.memory_space<semaphore_mem>>)
    %add3A_589 = arith.constant 7912 : i32
    %add3A_590 = arith.addi %mul3A_2, %add3A_589 : i32
    %dma_wait3A_591 = arith.constant 0 : i32
    %dma_wait3A_592 = tpu.memref_slice %arg3[%add3A_590, %dma_wait3A_591] : memref<528384x128xf32, #tpu.memory_space<hbm>> -> memref<344x128xf32, #tpu.memory_space<hbm>>
    %dma_wait3A_593 = arith.constant 0 : i32
    %dma_wait3A_594 = tpu.memref_slice %arg3[%add3A_590, %dma_wait3A_593] : memref<528384x128xf32, #tpu.memory_space<hbm>> -> memref<344x128xf32, #tpu.memory_space<hbm>>
    tpu.wait_dma2 semaphore(%arg9 : memref<!tpu.dma_semaphore, #tpu.memory_space<semaphore_mem>>) src(%arg5 : memref<344x128xf32, #tpu.memory_space<vmem>>) dst(%dma_wait3A_594 : memref<344x128xf32, #tpu.memory_space<hbm>>)
    %add3A_595 = arith.constant 8600 : i32
    %add3A_596 = arith.addi %mul3A_2, %add3A_595 : i32
    %dma_start3A_597 = arith.constant 0 : i32
    %dma_start3A_598 = tpu.memref_slice %arg2[%add3A_596, %dma_start3A_597] : memref<528384x128xf32, #tpu.memory_space<hbm>> -> memref<344x128xf32, #tpu.memory_space<hbm>>
    %dma_start3A_599 = arith.constant 0 : i32
    %dma_start3A_600 = tpu.memref_slice %arg2[%add3A_596, %dma_start3A_599] : memref<528384x128xf32, #tpu.memory_space<hbm>> -> memref<344x128xf32, #tpu.memory_space<hbm>>
    tpu.enqueue_dma source(%dma_start3A_600 : memref<344x128xf32, #tpu.memory_space<hbm>>) target(%arg5 : memref<344x128xf32, #tpu.memory_space<vmem>>) target_semaphore(%arg7 : memref<!tpu.dma_semaphore, #tpu.memory_space<semaphore_mem>>)
    %add3A_601 = arith.constant 8600 : i32
    %add3A_602 = arith.addi %mul3A_2, %add3A_601 : i32
    %dma_wait3A_603 = arith.constant 0 : i32
    %dma_wait3A_604 = tpu.memref_slice %arg2[%add3A_602, %dma_wait3A_603] : memref<528384x128xf32, #tpu.memory_space<hbm>> -> memref<344x128xf32, #tpu.memory_space<hbm>>
    %dma_wait3A_605 = arith.constant 0 : i32
    %dma_wait3A_606 = tpu.memref_slice %arg2[%add3A_602, %dma_wait3A_605] : memref<528384x128xf32, #tpu.memory_space<hbm>> -> memref<344x128xf32, #tpu.memory_space<hbm>>
    tpu.wait_dma2 semaphore(%arg7 : memref<!tpu.dma_semaphore, #tpu.memory_space<semaphore_mem>>) src(%dma_wait3A_606 : memref<344x128xf32, #tpu.memory_space<hbm>>) dst(%arg5 : memref<344x128xf32, #tpu.memory_space<vmem>>)
    %add3A_607 = arith.constant 8600 : i32
    %add3A_608 = arith.addi %mul3A_2, %add3A_607 : i32
    %dma_start3A_609 = arith.constant 0 : i32
    %dma_start3A_610 = tpu.memref_slice %arg3[%add3A_608, %dma_start3A_609] : memref<528384x128xf32, #tpu.memory_space<hbm>> -> memref<344x128xf32, #tpu.memory_space<hbm>>
    %dma_start3A_611 = arith.constant 0 : i32
    %dma_start3A_612 = tpu.memref_slice %arg3[%add3A_608, %dma_start3A_611] : memref<528384x128xf32, #tpu.memory_space<hbm>> -> memref<344x128xf32, #tpu.memory_space<hbm>>
    tpu.enqueue_dma source(%arg5 : memref<344x128xf32, #tpu.memory_space<vmem>>) target(%dma_start3A_612 : memref<344x128xf32, #tpu.memory_space<hbm>>) target_semaphore(%arg9 : memref<!tpu.dma_semaphore, #tpu.memory_space<semaphore_mem>>)
    %add3A_613 = arith.constant 8256 : i32
    %add3A_614 = arith.addi %mul3A_2, %add3A_613 : i32
    %dma_wait3A_615 = arith.constant 0 : i32
    %dma_wait3A_616 = tpu.memref_slice %arg3[%add3A_614, %dma_wait3A_615] : memref<528384x128xf32, #tpu.memory_space<hbm>> -> memref<344x128xf32, #tpu.memory_space<hbm>>
    %dma_wait3A_617 = arith.constant 0 : i32
    %dma_wait3A_618 = tpu.memref_slice %arg3[%add3A_614, %dma_wait3A_617] : memref<528384x128xf32, #tpu.memory_space<hbm>> -> memref<344x128xf32, #tpu.memory_space<hbm>>
    tpu.wait_dma2 semaphore(%arg8 : memref<!tpu.dma_semaphore, #tpu.memory_space<semaphore_mem>>) src(%arg4 : memref<344x128xf32, #tpu.memory_space<vmem>>) dst(%dma_wait3A_618 : memref<344x128xf32, #tpu.memory_space<hbm>>)
    %add3A_619 = arith.constant 8944 : i32
    %add3A_620 = arith.addi %mul3A_2, %add3A_619 : i32
    %dma_start3A_621 = arith.constant 0 : i32
    %dma_start3A_622 = tpu.memref_slice %arg2[%add3A_620, %dma_start3A_621] : memref<528384x128xf32, #tpu.memory_space<hbm>> -> memref<344x128xf32, #tpu.memory_space<hbm>>
    %dma_start3A_623 = arith.constant 0 : i32
    %dma_start3A_624 = tpu.memref_slice %arg2[%add3A_620, %dma_start3A_623] : memref<528384x128xf32, #tpu.memory_space<hbm>> -> memref<344x128xf32, #tpu.memory_space<hbm>>
    tpu.enqueue_dma source(%dma_start3A_624 : memref<344x128xf32, #tpu.memory_space<hbm>>) target(%arg4 : memref<344x128xf32, #tpu.memory_space<vmem>>) target_semaphore(%arg6 : memref<!tpu.dma_semaphore, #tpu.memory_space<semaphore_mem>>)
    %add3A_625 = arith.constant 8944 : i32
    %add3A_626 = arith.addi %mul3A_2, %add3A_625 : i32
    %dma_wait3A_627 = arith.constant 0 : i32
    %dma_wait3A_628 = tpu.memref_slice %arg2[%add3A_626, %dma_wait3A_627] : memref<528384x128xf32, #tpu.memory_space<hbm>> -> memref<344x128xf32, #tpu.memory_space<hbm>>
    %dma_wait3A_629 = arith.constant 0 : i32
    %dma_wait3A_630 = tpu.memref_slice %arg2[%add3A_626, %dma_wait3A_629] : memref<528384x128xf32, #tpu.memory_space<hbm>> -> memref<344x128xf32, #tpu.memory_space<hbm>>
    tpu.wait_dma2 semaphore(%arg6 : memref<!tpu.dma_semaphore, #tpu.memory_space<semaphore_mem>>) src(%dma_wait3A_630 : memref<344x128xf32, #tpu.memory_space<hbm>>) dst(%arg4 : memref<344x128xf32, #tpu.memory_space<vmem>>)
    %add3A_631 = arith.constant 8944 : i32
    %add3A_632 = arith.addi %mul3A_2, %add3A_631 : i32
    %dma_start3A_633 = arith.constant 0 : i32
    %dma_start3A_634 = tpu.memref_slice %arg3[%add3A_632, %dma_start3A_633] : memref<528384x128xf32, #tpu.memory_space<hbm>> -> memref<344x128xf32, #tpu.memory_space<hbm>>
    %dma_start3A_635 = arith.constant 0 : i32
    %dma_start3A_636 = tpu.memref_slice %arg3[%add3A_632, %dma_start3A_635] : memref<528384x128xf32, #tpu.memory_space<hbm>> -> memref<344x128xf32, #tpu.memory_space<hbm>>
    tpu.enqueue_dma source(%arg4 : memref<344x128xf32, #tpu.memory_space<vmem>>) target(%dma_start3A_636 : memref<344x128xf32, #tpu.memory_space<hbm>>) target_semaphore(%arg8 : memref<!tpu.dma_semaphore, #tpu.memory_space<semaphore_mem>>)
    %add3A_637 = arith.constant 8600 : i32
    %add3A_638 = arith.addi %mul3A_2, %add3A_637 : i32
    %dma_wait3A_639 = arith.constant 0 : i32
    %dma_wait3A_640 = tpu.memref_slice %arg3[%add3A_638, %dma_wait3A_639] : memref<528384x128xf32, #tpu.memory_space<hbm>> -> memref<344x128xf32, #tpu.memory_space<hbm>>
    %dma_wait3A_641 = arith.constant 0 : i32
    %dma_wait3A_642 = tpu.memref_slice %arg3[%add3A_638, %dma_wait3A_641] : memref<528384x128xf32, #tpu.memory_space<hbm>> -> memref<344x128xf32, #tpu.memory_space<hbm>>
    tpu.wait_dma2 semaphore(%arg9 : memref<!tpu.dma_semaphore, #tpu.memory_space<semaphore_mem>>) src(%arg5 : memref<344x128xf32, #tpu.memory_space<vmem>>) dst(%dma_wait3A_642 : memref<344x128xf32, #tpu.memory_space<hbm>>)
    %add3A_643 = arith.constant 9288 : i32
    %add3A_644 = arith.addi %mul3A_2, %add3A_643 : i32
    %dma_start3A_645 = arith.constant 0 : i32
    %dma_start3A_646 = tpu.memref_slice %arg2[%add3A_644, %dma_start3A_645] : memref<528384x128xf32, #tpu.memory_space<hbm>> -> memref<344x128xf32, #tpu.memory_space<hbm>>
    %dma_start3A_647 = arith.constant 0 : i32
    %dma_start3A_648 = tpu.memref_slice %arg2[%add3A_644, %dma_start3A_647] : memref<528384x128xf32, #tpu.memory_space<hbm>> -> memref<344x128xf32, #tpu.memory_space<hbm>>
    tpu.enqueue_dma source(%dma_start3A_648 : memref<344x128xf32, #tpu.memory_space<hbm>>) target(%arg5 : memref<344x128xf32, #tpu.memory_space<vmem>>) target_semaphore(%arg7 : memref<!tpu.dma_semaphore, #tpu.memory_space<semaphore_mem>>)
    %add3A_649 = arith.constant 9288 : i32
    %add3A_650 = arith.addi %mul3A_2, %add3A_649 : i32
    %dma_wait3A_651 = arith.constant 0 : i32
    %dma_wait3A_652 = tpu.memref_slice %arg2[%add3A_650, %dma_wait3A_651] : memref<528384x128xf32, #tpu.memory_space<hbm>> -> memref<344x128xf32, #tpu.memory_space<hbm>>
    %dma_wait3A_653 = arith.constant 0 : i32
    %dma_wait3A_654 = tpu.memref_slice %arg2[%add3A_650, %dma_wait3A_653] : memref<528384x128xf32, #tpu.memory_space<hbm>> -> memref<344x128xf32, #tpu.memory_space<hbm>>
    tpu.wait_dma2 semaphore(%arg7 : memref<!tpu.dma_semaphore, #tpu.memory_space<semaphore_mem>>) src(%dma_wait3A_654 : memref<344x128xf32, #tpu.memory_space<hbm>>) dst(%arg5 : memref<344x128xf32, #tpu.memory_space<vmem>>)
    %add3A_655 = arith.constant 9288 : i32
    %add3A_656 = arith.addi %mul3A_2, %add3A_655 : i32
    %dma_start3A_657 = arith.constant 0 : i32
    %dma_start3A_658 = tpu.memref_slice %arg3[%add3A_656, %dma_start3A_657] : memref<528384x128xf32, #tpu.memory_space<hbm>> -> memref<344x128xf32, #tpu.memory_space<hbm>>
    %dma_start3A_659 = arith.constant 0 : i32
    %dma_start3A_660 = tpu.memref_slice %arg3[%add3A_656, %dma_start3A_659] : memref<528384x128xf32, #tpu.memory_space<hbm>> -> memref<344x128xf32, #tpu.memory_space<hbm>>
    tpu.enqueue_dma source(%arg5 : memref<344x128xf32, #tpu.memory_space<vmem>>) target(%dma_start3A_660 : memref<344x128xf32, #tpu.memory_space<hbm>>) target_semaphore(%arg9 : memref<!tpu.dma_semaphore, #tpu.memory_space<semaphore_mem>>)
    %add3A_661 = arith.constant 8944 : i32
    %add3A_662 = arith.addi %mul3A_2, %add3A_661 : i32
    %dma_wait3A_663 = arith.constant 0 : i32
    %dma_wait3A_664 = tpu.memref_slice %arg3[%add3A_662, %dma_wait3A_663] : memref<528384x128xf32, #tpu.memory_space<hbm>> -> memref<344x128xf32, #tpu.memory_space<hbm>>
    %dma_wait3A_665 = arith.constant 0 : i32
    %dma_wait3A_666 = tpu.memref_slice %arg3[%add3A_662, %dma_wait3A_665] : memref<528384x128xf32, #tpu.memory_space<hbm>> -> memref<344x128xf32, #tpu.memory_space<hbm>>
    tpu.wait_dma2 semaphore(%arg8 : memref<!tpu.dma_semaphore, #tpu.memory_space<semaphore_mem>>) src(%arg4 : memref<344x128xf32, #tpu.memory_space<vmem>>) dst(%dma_wait3A_666 : memref<344x128xf32, #tpu.memory_space<hbm>>)
    %add3A_667 = arith.constant 9632 : i32
    %add3A_668 = arith.addi %mul3A_2, %add3A_667 : i32
    %dma_start3A_669 = arith.constant 0 : i32
    %dma_start3A_670 = tpu.memref_slice %arg2[%add3A_668, %dma_start3A_669] : memref<528384x128xf32, #tpu.memory_space<hbm>> -> memref<344x128xf32, #tpu.memory_space<hbm>>
    %dma_start3A_671 = arith.constant 0 : i32
    %dma_start3A_672 = tpu.memref_slice %arg2[%add3A_668, %dma_start3A_671] : memref<528384x128xf32, #tpu.memory_space<hbm>> -> memref<344x128xf32, #tpu.memory_space<hbm>>
    tpu.enqueue_dma source(%dma_start3A_672 : memref<344x128xf32, #tpu.memory_space<hbm>>) target(%arg4 : memref<344x128xf32, #tpu.memory_space<vmem>>) target_semaphore(%arg6 : memref<!tpu.dma_semaphore, #tpu.memory_space<semaphore_mem>>)
    %add3A_673 = arith.constant 9632 : i32
    %add3A_674 = arith.addi %mul3A_2, %add3A_673 : i32
    %dma_wait3A_675 = arith.constant 0 : i32
    %dma_wait3A_676 = tpu.memref_slice %arg2[%add3A_674, %dma_wait3A_675] : memref<528384x128xf32, #tpu.memory_space<hbm>> -> memref<344x128xf32, #tpu.memory_space<hbm>>
    %dma_wait3A_677 = arith.constant 0 : i32
    %dma_wait3A_678 = tpu.memref_slice %arg2[%add3A_674, %dma_wait3A_677] : memref<528384x128xf32, #tpu.memory_space<hbm>> -> memref<344x128xf32, #tpu.memory_space<hbm>>
    tpu.wait_dma2 semaphore(%arg6 : memref<!tpu.dma_semaphore, #tpu.memory_space<semaphore_mem>>) src(%dma_wait3A_678 : memref<344x128xf32, #tpu.memory_space<hbm>>) dst(%arg4 : memref<344x128xf32, #tpu.memory_space<vmem>>)
    %add3A_679 = arith.constant 9632 : i32
    %add3A_680 = arith.addi %mul3A_2, %add3A_679 : i32
    %dma_start3A_681 = arith.constant 0 : i32
    %dma_start3A_682 = tpu.memref_slice %arg3[%add3A_680, %dma_start3A_681] : memref<528384x128xf32, #tpu.memory_space<hbm>> -> memref<344x128xf32, #tpu.memory_space<hbm>>
    %dma_start3A_683 = arith.constant 0 : i32
    %dma_start3A_684 = tpu.memref_slice %arg3[%add3A_680, %dma_start3A_683] : memref<528384x128xf32, #tpu.memory_space<hbm>> -> memref<344x128xf32, #tpu.memory_space<hbm>>
    tpu.enqueue_dma source(%arg4 : memref<344x128xf32, #tpu.memory_space<vmem>>) target(%dma_start3A_684 : memref<344x128xf32, #tpu.memory_space<hbm>>) target_semaphore(%arg8 : memref<!tpu.dma_semaphore, #tpu.memory_space<semaphore_mem>>)
    %add3A_685 = arith.constant 9288 : i32
    %add3A_686 = arith.addi %mul3A_2, %add3A_685 : i32
    %dma_wait3A_687 = arith.constant 0 : i32
    %dma_wait3A_688 = tpu.memref_slice %arg3[%add3A_686, %dma_wait3A_687] : memref<528384x128xf32, #tpu.memory_space<hbm>> -> memref<344x128xf32, #tpu.memory_space<hbm>>
    %dma_wait3A_689 = arith.constant 0 : i32
    %dma_wait3A_690 = tpu.memref_slice %arg3[%add3A_686, %dma_wait3A_689] : memref<528384x128xf32, #tpu.memory_space<hbm>> -> memref<344x128xf32, #tpu.memory_space<hbm>>
    tpu.wait_dma2 semaphore(%arg9 : memref<!tpu.dma_semaphore, #tpu.memory_space<semaphore_mem>>) src(%arg5 : memref<344x128xf32, #tpu.memory_space<vmem>>) dst(%dma_wait3A_690 : memref<344x128xf32, #tpu.memory_space<hbm>>)
    %add3A_691 = arith.constant 9976 : i32
    %add3A_692 = arith.addi %mul3A_2, %add3A_691 : i32
    %dma_start3A_693 = arith.constant 0 : i32
    %dma_start3A_694 = tpu.memref_slice %arg2[%add3A_692, %dma_start3A_693] : memref<528384x128xf32, #tpu.memory_space<hbm>> -> memref<344x128xf32, #tpu.memory_space<hbm>>
    %dma_start3A_695 = arith.constant 0 : i32
    %dma_start3A_696 = tpu.memref_slice %arg2[%add3A_692, %dma_start3A_695] : memref<528384x128xf32, #tpu.memory_space<hbm>> -> memref<344x128xf32, #tpu.memory_space<hbm>>
    tpu.enqueue_dma source(%dma_start3A_696 : memref<344x128xf32, #tpu.memory_space<hbm>>) target(%arg5 : memref<344x128xf32, #tpu.memory_space<vmem>>) target_semaphore(%arg7 : memref<!tpu.dma_semaphore, #tpu.memory_space<semaphore_mem>>)
    %add3A_697 = arith.constant 9976 : i32
    %add3A_698 = arith.addi %mul3A_2, %add3A_697 : i32
    %dma_wait3A_699 = arith.constant 0 : i32
    %dma_wait3A_700 = tpu.memref_slice %arg2[%add3A_698, %dma_wait3A_699] : memref<528384x128xf32, #tpu.memory_space<hbm>> -> memref<344x128xf32, #tpu.memory_space<hbm>>
    %dma_wait3A_701 = arith.constant 0 : i32
    %dma_wait3A_702 = tpu.memref_slice %arg2[%add3A_698, %dma_wait3A_701] : memref<528384x128xf32, #tpu.memory_space<hbm>> -> memref<344x128xf32, #tpu.memory_space<hbm>>
    tpu.wait_dma2 semaphore(%arg7 : memref<!tpu.dma_semaphore, #tpu.memory_space<semaphore_mem>>) src(%dma_wait3A_702 : memref<344x128xf32, #tpu.memory_space<hbm>>) dst(%arg5 : memref<344x128xf32, #tpu.memory_space<vmem>>)
    %add3A_703 = arith.constant 9976 : i32
    %add3A_704 = arith.addi %mul3A_2, %add3A_703 : i32
    %dma_start3A_705 = arith.constant 0 : i32
    %dma_start3A_706 = tpu.memref_slice %arg3[%add3A_704, %dma_start3A_705] : memref<528384x128xf32, #tpu.memory_space<hbm>> -> memref<344x128xf32, #tpu.memory_space<hbm>>
    %dma_start3A_707 = arith.constant 0 : i32
    %dma_start3A_708 = tpu.memref_slice %arg3[%add3A_704, %dma_start3A_707] : memref<528384x128xf32, #tpu.memory_space<hbm>> -> memref<344x128xf32, #tpu.memory_space<hbm>>
    tpu.enqueue_dma source(%arg5 : memref<344x128xf32, #tpu.memory_space<vmem>>) target(%dma_start3A_708 : memref<344x128xf32, #tpu.memory_space<hbm>>) target_semaphore(%arg9 : memref<!tpu.dma_semaphore, #tpu.memory_space<semaphore_mem>>)
    %add3A_709 = arith.constant 9632 : i32
    %add3A_710 = arith.addi %mul3A_2, %add3A_709 : i32
    %dma_wait3A_711 = arith.constant 0 : i32
    %dma_wait3A_712 = tpu.memref_slice %arg3[%add3A_710, %dma_wait3A_711] : memref<528384x128xf32, #tpu.memory_space<hbm>> -> memref<344x128xf32, #tpu.memory_space<hbm>>
    %dma_wait3A_713 = arith.constant 0 : i32
    %dma_wait3A_714 = tpu.memref_slice %arg3[%add3A_710, %dma_wait3A_713] : memref<528384x128xf32, #tpu.memory_space<hbm>> -> memref<344x128xf32, #tpu.memory_space<hbm>>
    tpu.wait_dma2 semaphore(%arg8 : memref<!tpu.dma_semaphore, #tpu.memory_space<semaphore_mem>>) src(%arg4 : memref<344x128xf32, #tpu.memory_space<vmem>>) dst(%dma_wait3A_714 : memref<344x128xf32, #tpu.memory_space<hbm>>)
    %add3A_715 = arith.constant 10320 : i32
    %add3A_716 = arith.addi %mul3A_2, %add3A_715 : i32
    %dma_start3A_717 = arith.constant 0 : i32
    %dma_start3A_718 = tpu.memref_slice %arg2[%add3A_716, %dma_start3A_717] : memref<528384x128xf32, #tpu.memory_space<hbm>> -> memref<344x128xf32, #tpu.memory_space<hbm>>
    %dma_start3A_719 = arith.constant 0 : i32
    %dma_start3A_720 = tpu.memref_slice %arg2[%add3A_716, %dma_start3A_719] : memref<528384x128xf32, #tpu.memory_space<hbm>> -> memref<344x128xf32, #tpu.memory_space<hbm>>
    tpu.enqueue_dma source(%dma_start3A_720 : memref<344x128xf32, #tpu.memory_space<hbm>>) target(%arg4 : memref<344x128xf32, #tpu.memory_space<vmem>>) target_semaphore(%arg6 : memref<!tpu.dma_semaphore, #tpu.memory_space<semaphore_mem>>)
    %add3A_721 = arith.constant 10320 : i32
    %add3A_722 = arith.addi %mul3A_2, %add3A_721 : i32
    %dma_wait3A_723 = arith.constant 0 : i32
    %dma_wait3A_724 = tpu.memref_slice %arg2[%add3A_722, %dma_wait3A_723] : memref<528384x128xf32, #tpu.memory_space<hbm>> -> memref<344x128xf32, #tpu.memory_space<hbm>>
    %dma_wait3A_725 = arith.constant 0 : i32
    %dma_wait3A_726 = tpu.memref_slice %arg2[%add3A_722, %dma_wait3A_725] : memref<528384x128xf32, #tpu.memory_space<hbm>> -> memref<344x128xf32, #tpu.memory_space<hbm>>
    tpu.wait_dma2 semaphore(%arg6 : memref<!tpu.dma_semaphore, #tpu.memory_space<semaphore_mem>>) src(%dma_wait3A_726 : memref<344x128xf32, #tpu.memory_space<hbm>>) dst(%arg4 : memref<344x128xf32, #tpu.memory_space<vmem>>)
    %add3A_727 = arith.constant 10320 : i32
    %add3A_728 = arith.addi %mul3A_2, %add3A_727 : i32
    %dma_start3A_729 = arith.constant 0 : i32
    %dma_start3A_730 = tpu.memref_slice %arg3[%add3A_728, %dma_start3A_729] : memref<528384x128xf32, #tpu.memory_space<hbm>> -> memref<344x128xf32, #tpu.memory_space<hbm>>
    %dma_start3A_731 = arith.constant 0 : i32
    %dma_start3A_732 = tpu.memref_slice %arg3[%add3A_728, %dma_start3A_731] : memref<528384x128xf32, #tpu.memory_space<hbm>> -> memref<344x128xf32, #tpu.memory_space<hbm>>
    tpu.enqueue_dma source(%arg4 : memref<344x128xf32, #tpu.memory_space<vmem>>) target(%dma_start3A_732 : memref<344x128xf32, #tpu.memory_space<hbm>>) target_semaphore(%arg8 : memref<!tpu.dma_semaphore, #tpu.memory_space<semaphore_mem>>)
    %add3A_733 = arith.constant 9976 : i32
    %add3A_734 = arith.addi %mul3A_2, %add3A_733 : i32
    %dma_wait3A_735 = arith.constant 0 : i32
    %dma_wait3A_736 = tpu.memref_slice %arg3[%add3A_734, %dma_wait3A_735] : memref<528384x128xf32, #tpu.memory_space<hbm>> -> memref<344x128xf32, #tpu.memory_space<hbm>>
    %dma_wait3A_737 = arith.constant 0 : i32
    %dma_wait3A_738 = tpu.memref_slice %arg3[%add3A_734, %dma_wait3A_737] : memref<528384x128xf32, #tpu.memory_space<hbm>> -> memref<344x128xf32, #tpu.memory_space<hbm>>
    tpu.wait_dma2 semaphore(%arg9 : memref<!tpu.dma_semaphore, #tpu.memory_space<semaphore_mem>>) src(%arg5 : memref<344x128xf32, #tpu.memory_space<vmem>>) dst(%dma_wait3A_738 : memref<344x128xf32, #tpu.memory_space<hbm>>)
    %add3A_739 = arith.constant 10664 : i32
    %add3A_740 = arith.addi %mul3A_2, %add3A_739 : i32
    %dma_start3A_741 = arith.constant 0 : i32
    %dma_start3A_742 = tpu.memref_slice %arg2[%add3A_740, %dma_start3A_741] : memref<528384x128xf32, #tpu.memory_space<hbm>> -> memref<344x128xf32, #tpu.memory_space<hbm>>
    %dma_start3A_743 = arith.constant 0 : i32
    %dma_start3A_744 = tpu.memref_slice %arg2[%add3A_740, %dma_start3A_743] : memref<528384x128xf32, #tpu.memory_space<hbm>> -> memref<344x128xf32, #tpu.memory_space<hbm>>
    tpu.enqueue_dma source(%dma_start3A_744 : memref<344x128xf32, #tpu.memory_space<hbm>>) target(%arg5 : memref<344x128xf32, #tpu.memory_space<vmem>>) target_semaphore(%arg7 : memref<!tpu.dma_semaphore, #tpu.memory_space<semaphore_mem>>)
    %add3A_745 = arith.constant 10664 : i32
    %add3A_746 = arith.addi %mul3A_2, %add3A_745 : i32
    %dma_wait3A_747 = arith.constant 0 : i32
    %dma_wait3A_748 = tpu.memref_slice %arg2[%add3A_746, %dma_wait3A_747] : memref<528384x128xf32, #tpu.memory_space<hbm>> -> memref<344x128xf32, #tpu.memory_space<hbm>>
    %dma_wait3A_749 = arith.constant 0 : i32
    %dma_wait3A_750 = tpu.memref_slice %arg2[%add3A_746, %dma_wait3A_749] : memref<528384x128xf32, #tpu.memory_space<hbm>> -> memref<344x128xf32, #tpu.memory_space<hbm>>
    tpu.wait_dma2 semaphore(%arg7 : memref<!tpu.dma_semaphore, #tpu.memory_space<semaphore_mem>>) src(%dma_wait3A_750 : memref<344x128xf32, #tpu.memory_space<hbm>>) dst(%arg5 : memref<344x128xf32, #tpu.memory_space<vmem>>)
    %add3A_751 = arith.constant 10664 : i32
    %add3A_752 = arith.addi %mul3A_2, %add3A_751 : i32
    %dma_start3A_753 = arith.constant 0 : i32
    %dma_start3A_754 = tpu.memref_slice %arg3[%add3A_752, %dma_start3A_753] : memref<528384x128xf32, #tpu.memory_space<hbm>> -> memref<344x128xf32, #tpu.memory_space<hbm>>
    %dma_start3A_755 = arith.constant 0 : i32
    %dma_start3A_756 = tpu.memref_slice %arg3[%add3A_752, %dma_start3A_755] : memref<528384x128xf32, #tpu.memory_space<hbm>> -> memref<344x128xf32, #tpu.memory_space<hbm>>
    tpu.enqueue_dma source(%arg5 : memref<344x128xf32, #tpu.memory_space<vmem>>) target(%dma_start3A_756 : memref<344x128xf32, #tpu.memory_space<hbm>>) target_semaphore(%arg9 : memref<!tpu.dma_semaphore, #tpu.memory_space<semaphore_mem>>)
    %add3A_757 = arith.constant 10320 : i32
    %add3A_758 = arith.addi %mul3A_2, %add3A_757 : i32
    %dma_wait3A_759 = arith.constant 0 : i32
    %dma_wait3A_760 = tpu.memref_slice %arg3[%add3A_758, %dma_wait3A_759] : memref<528384x128xf32, #tpu.memory_space<hbm>> -> memref<344x128xf32, #tpu.memory_space<hbm>>
    %dma_wait3A_761 = arith.constant 0 : i32
    %dma_wait3A_762 = tpu.memref_slice %arg3[%add3A_758, %dma_wait3A_761] : memref<528384x128xf32, #tpu.memory_space<hbm>> -> memref<344x128xf32, #tpu.memory_space<hbm>>
    tpu.wait_dma2 semaphore(%arg8 : memref<!tpu.dma_semaphore, #tpu.memory_space<semaphore_mem>>) src(%arg4 : memref<344x128xf32, #tpu.memory_space<vmem>>) dst(%dma_wait3A_762 : memref<344x128xf32, #tpu.memory_space<hbm>>)
    %add3A_763 = arith.constant 11008 : i32
    %add3A_764 = arith.addi %mul3A_2, %add3A_763 : i32
    %dma_start3A_765 = arith.constant 0 : i32
    %dma_start3A_766 = tpu.memref_slice %arg2[%add3A_764, %dma_start3A_765] : memref<528384x128xf32, #tpu.memory_space<hbm>> -> memref<344x128xf32, #tpu.memory_space<hbm>>
    %dma_start3A_767 = arith.constant 0 : i32
    %dma_start3A_768 = tpu.memref_slice %arg2[%add3A_764, %dma_start3A_767] : memref<528384x128xf32, #tpu.memory_space<hbm>> -> memref<344x128xf32, #tpu.memory_space<hbm>>
    tpu.enqueue_dma source(%dma_start3A_768 : memref<344x128xf32, #tpu.memory_space<hbm>>) target(%arg4 : memref<344x128xf32, #tpu.memory_space<vmem>>) target_semaphore(%arg6 : memref<!tpu.dma_semaphore, #tpu.memory_space<semaphore_mem>>)
    %add3A_769 = arith.constant 11008 : i32
    %add3A_770 = arith.addi %mul3A_2, %add3A_769 : i32
    %dma_wait3A_771 = arith.constant 0 : i32
    %dma_wait3A_772 = tpu.memref_slice %arg2[%add3A_770, %dma_wait3A_771] : memref<528384x128xf32, #tpu.memory_space<hbm>> -> memref<344x128xf32, #tpu.memory_space<hbm>>
    %dma_wait3A_773 = arith.constant 0 : i32
    %dma_wait3A_774 = tpu.memref_slice %arg2[%add3A_770, %dma_wait3A_773] : memref<528384x128xf32, #tpu.memory_space<hbm>> -> memref<344x128xf32, #tpu.memory_space<hbm>>
    tpu.wait_dma2 semaphore(%arg6 : memref<!tpu.dma_semaphore, #tpu.memory_space<semaphore_mem>>) src(%dma_wait3A_774 : memref<344x128xf32, #tpu.memory_space<hbm>>) dst(%arg4 : memref<344x128xf32, #tpu.memory_space<vmem>>)
    %add3A_775 = arith.constant 11008 : i32
    %add3A_776 = arith.addi %mul3A_2, %add3A_775 : i32
    %dma_start3A_777 = arith.constant 0 : i32
    %dma_start3A_778 = tpu.memref_slice %arg3[%add3A_776, %dma_start3A_777] : memref<528384x128xf32, #tpu.memory_space<hbm>> -> memref<344x128xf32, #tpu.memory_space<hbm>>
    %dma_start3A_779 = arith.constant 0 : i32
    %dma_start3A_780 = tpu.memref_slice %arg3[%add3A_776, %dma_start3A_779] : memref<528384x128xf32, #tpu.memory_space<hbm>> -> memref<344x128xf32, #tpu.memory_space<hbm>>
    tpu.enqueue_dma source(%arg4 : memref<344x128xf32, #tpu.memory_space<vmem>>) target(%dma_start3A_780 : memref<344x128xf32, #tpu.memory_space<hbm>>) target_semaphore(%arg8 : memref<!tpu.dma_semaphore, #tpu.memory_space<semaphore_mem>>)
    %add3A_781 = arith.constant 10664 : i32
    %add3A_782 = arith.addi %mul3A_2, %add3A_781 : i32
    %dma_wait3A_783 = arith.constant 0 : i32
    %dma_wait3A_784 = tpu.memref_slice %arg3[%add3A_782, %dma_wait3A_783] : memref<528384x128xf32, #tpu.memory_space<hbm>> -> memref<344x128xf32, #tpu.memory_space<hbm>>
    %dma_wait3A_785 = arith.constant 0 : i32
    %dma_wait3A_786 = tpu.memref_slice %arg3[%add3A_782, %dma_wait3A_785] : memref<528384x128xf32, #tpu.memory_space<hbm>> -> memref<344x128xf32, #tpu.memory_space<hbm>>
    tpu.wait_dma2 semaphore(%arg9 : memref<!tpu.dma_semaphore, #tpu.memory_space<semaphore_mem>>) src(%arg5 : memref<344x128xf32, #tpu.memory_space<vmem>>) dst(%dma_wait3A_786 : memref<344x128xf32, #tpu.memory_space<hbm>>)
    %add3A_787 = arith.constant 11352 : i32
    %add3A_788 = arith.addi %mul3A_2, %add3A_787 : i32
    %dma_start3A_789 = arith.constant 0 : i32
    %dma_start3A_790 = tpu.memref_slice %arg2[%add3A_788, %dma_start3A_789] : memref<528384x128xf32, #tpu.memory_space<hbm>> -> memref<344x128xf32, #tpu.memory_space<hbm>>
    %dma_start3A_791 = arith.constant 0 : i32
    %dma_start3A_792 = tpu.memref_slice %arg2[%add3A_788, %dma_start3A_791] : memref<528384x128xf32, #tpu.memory_space<hbm>> -> memref<344x128xf32, #tpu.memory_space<hbm>>
    tpu.enqueue_dma source(%dma_start3A_792 : memref<344x128xf32, #tpu.memory_space<hbm>>) target(%arg5 : memref<344x128xf32, #tpu.memory_space<vmem>>) target_semaphore(%arg7 : memref<!tpu.dma_semaphore, #tpu.memory_space<semaphore_mem>>)
    %add3A_793 = arith.constant 11352 : i32
    %add3A_794 = arith.addi %mul3A_2, %add3A_793 : i32
    %dma_wait3A_795 = arith.constant 0 : i32
    %dma_wait3A_796 = tpu.memref_slice %arg2[%add3A_794, %dma_wait3A_795] : memref<528384x128xf32, #tpu.memory_space<hbm>> -> memref<344x128xf32, #tpu.memory_space<hbm>>
    %dma_wait3A_797 = arith.constant 0 : i32
    %dma_wait3A_798 = tpu.memref_slice %arg2[%add3A_794, %dma_wait3A_797] : memref<528384x128xf32, #tpu.memory_space<hbm>> -> memref<344x128xf32, #tpu.memory_space<hbm>>
    tpu.wait_dma2 semaphore(%arg7 : memref<!tpu.dma_semaphore, #tpu.memory_space<semaphore_mem>>) src(%dma_wait3A_798 : memref<344x128xf32, #tpu.memory_space<hbm>>) dst(%arg5 : memref<344x128xf32, #tpu.memory_space<vmem>>)
    %add3A_799 = arith.constant 11352 : i32
    %add3A_800 = arith.addi %mul3A_2, %add3A_799 : i32
    %dma_start3A_801 = arith.constant 0 : i32
    %dma_start3A_802 = tpu.memref_slice %arg3[%add3A_800, %dma_start3A_801] : memref<528384x128xf32, #tpu.memory_space<hbm>> -> memref<344x128xf32, #tpu.memory_space<hbm>>
    %dma_start3A_803 = arith.constant 0 : i32
    %dma_start3A_804 = tpu.memref_slice %arg3[%add3A_800, %dma_start3A_803] : memref<528384x128xf32, #tpu.memory_space<hbm>> -> memref<344x128xf32, #tpu.memory_space<hbm>>
    tpu.enqueue_dma source(%arg5 : memref<344x128xf32, #tpu.memory_space<vmem>>) target(%dma_start3A_804 : memref<344x128xf32, #tpu.memory_space<hbm>>) target_semaphore(%arg9 : memref<!tpu.dma_semaphore, #tpu.memory_space<semaphore_mem>>)
    %add3A_805 = arith.constant 11008 : i32
    %add3A_806 = arith.addi %mul3A_2, %add3A_805 : i32
    %dma_wait3A_807 = arith.constant 0 : i32
    %dma_wait3A_808 = tpu.memref_slice %arg3[%add3A_806, %dma_wait3A_807] : memref<528384x128xf32, #tpu.memory_space<hbm>> -> memref<344x128xf32, #tpu.memory_space<hbm>>
    %dma_wait3A_809 = arith.constant 0 : i32
    %dma_wait3A_810 = tpu.memref_slice %arg3[%add3A_806, %dma_wait3A_809] : memref<528384x128xf32, #tpu.memory_space<hbm>> -> memref<344x128xf32, #tpu.memory_space<hbm>>
    tpu.wait_dma2 semaphore(%arg8 : memref<!tpu.dma_semaphore, #tpu.memory_space<semaphore_mem>>) src(%arg4 : memref<344x128xf32, #tpu.memory_space<vmem>>) dst(%dma_wait3A_810 : memref<344x128xf32, #tpu.memory_space<hbm>>)
    %add3A_811 = arith.constant 11696 : i32
    %add3A_812 = arith.addi %mul3A_2, %add3A_811 : i32
    %dma_start3A_813 = arith.constant 0 : i32
    %dma_start3A_814 = tpu.memref_slice %arg2[%add3A_812, %dma_start3A_813] : memref<528384x128xf32, #tpu.memory_space<hbm>> -> memref<344x128xf32, #tpu.memory_space<hbm>>
    %dma_start3A_815 = arith.constant 0 : i32
    %dma_start3A_816 = tpu.memref_slice %arg2[%add3A_812, %dma_start3A_815] : memref<528384x128xf32, #tpu.memory_space<hbm>> -> memref<344x128xf32, #tpu.memory_space<hbm>>
    tpu.enqueue_dma source(%dma_start3A_816 : memref<344x128xf32, #tpu.memory_space<hbm>>) target(%arg4 : memref<344x128xf32, #tpu.memory_space<vmem>>) target_semaphore(%arg6 : memref<!tpu.dma_semaphore, #tpu.memory_space<semaphore_mem>>)
    %add3A_817 = arith.constant 11696 : i32
    %add3A_818 = arith.addi %mul3A_2, %add3A_817 : i32
    %dma_wait3A_819 = arith.constant 0 : i32
    %dma_wait3A_820 = tpu.memref_slice %arg2[%add3A_818, %dma_wait3A_819] : memref<528384x128xf32, #tpu.memory_space<hbm>> -> memref<344x128xf32, #tpu.memory_space<hbm>>
    %dma_wait3A_821 = arith.constant 0 : i32
    %dma_wait3A_822 = tpu.memref_slice %arg2[%add3A_818, %dma_wait3A_821] : memref<528384x128xf32, #tpu.memory_space<hbm>> -> memref<344x128xf32, #tpu.memory_space<hbm>>
    tpu.wait_dma2 semaphore(%arg6 : memref<!tpu.dma_semaphore, #tpu.memory_space<semaphore_mem>>) src(%dma_wait3A_822 : memref<344x128xf32, #tpu.memory_space<hbm>>) dst(%arg4 : memref<344x128xf32, #tpu.memory_space<vmem>>)
    %add3A_823 = arith.constant 11696 : i32
    %add3A_824 = arith.addi %mul3A_2, %add3A_823 : i32
    %dma_start3A_825 = arith.constant 0 : i32
    %dma_start3A_826 = tpu.memref_slice %arg3[%add3A_824, %dma_start3A_825] : memref<528384x128xf32, #tpu.memory_space<hbm>> -> memref<344x128xf32, #tpu.memory_space<hbm>>
    %dma_start3A_827 = arith.constant 0 : i32
    %dma_start3A_828 = tpu.memref_slice %arg3[%add3A_824, %dma_start3A_827] : memref<528384x128xf32, #tpu.memory_space<hbm>> -> memref<344x128xf32, #tpu.memory_space<hbm>>
    tpu.enqueue_dma source(%arg4 : memref<344x128xf32, #tpu.memory_space<vmem>>) target(%dma_start3A_828 : memref<344x128xf32, #tpu.memory_space<hbm>>) target_semaphore(%arg8 : memref<!tpu.dma_semaphore, #tpu.memory_space<semaphore_mem>>)
    %add3A_829 = arith.constant 11352 : i32
    %add3A_830 = arith.addi %mul3A_2, %add3A_829 : i32
    %dma_wait3A_831 = arith.constant 0 : i32
    %dma_wait3A_832 = tpu.memref_slice %arg3[%add3A_830, %dma_wait3A_831] : memref<528384x128xf32, #tpu.memory_space<hbm>> -> memref<344x128xf32, #tpu.memory_space<hbm>>
    %dma_wait3A_833 = arith.constant 0 : i32
    %dma_wait3A_834 = tpu.memref_slice %arg3[%add3A_830, %dma_wait3A_833] : memref<528384x128xf32, #tpu.memory_space<hbm>> -> memref<344x128xf32, #tpu.memory_space<hbm>>
    tpu.wait_dma2 semaphore(%arg9 : memref<!tpu.dma_semaphore, #tpu.memory_space<semaphore_mem>>) src(%arg5 : memref<344x128xf32, #tpu.memory_space<vmem>>) dst(%dma_wait3A_834 : memref<344x128xf32, #tpu.memory_space<hbm>>)
    %add3A_835 = arith.constant 12040 : i32
    %add3A_836 = arith.addi %mul3A_2, %add3A_835 : i32
    %dma_start3A_837 = arith.constant 0 : i32
    %dma_start3A_838 = tpu.memref_slice %arg2[%add3A_836, %dma_start3A_837] : memref<528384x128xf32, #tpu.memory_space<hbm>> -> memref<344x128xf32, #tpu.memory_space<hbm>>
    %dma_start3A_839 = arith.constant 0 : i32
    %dma_start3A_840 = tpu.memref_slice %arg2[%add3A_836, %dma_start3A_839] : memref<528384x128xf32, #tpu.memory_space<hbm>> -> memref<344x128xf32, #tpu.memory_space<hbm>>
    tpu.enqueue_dma source(%dma_start3A_840 : memref<344x128xf32, #tpu.memory_space<hbm>>) target(%arg5 : memref<344x128xf32, #tpu.memory_space<vmem>>) target_semaphore(%arg7 : memref<!tpu.dma_semaphore, #tpu.memory_space<semaphore_mem>>)
    %add3A_841 = arith.constant 12040 : i32
    %add3A_842 = arith.addi %mul3A_2, %add3A_841 : i32
    %dma_wait3A_843 = arith.constant 0 : i32
    %dma_wait3A_844 = tpu.memref_slice %arg2[%add3A_842, %dma_wait3A_843] : memref<528384x128xf32, #tpu.memory_space<hbm>> -> memref<344x128xf32, #tpu.memory_space<hbm>>
    %dma_wait3A_845 = arith.constant 0 : i32
    %dma_wait3A_846 = tpu.memref_slice %arg2[%add3A_842, %dma_wait3A_845] : memref<528384x128xf32, #tpu.memory_space<hbm>> -> memref<344x128xf32, #tpu.memory_space<hbm>>
    tpu.wait_dma2 semaphore(%arg7 : memref<!tpu.dma_semaphore, #tpu.memory_space<semaphore_mem>>) src(%dma_wait3A_846 : memref<344x128xf32, #tpu.memory_space<hbm>>) dst(%arg5 : memref<344x128xf32, #tpu.memory_space<vmem>>)
    %add3A_847 = arith.constant 12040 : i32
    %add3A_848 = arith.addi %mul3A_2, %add3A_847 : i32
    %dma_start3A_849 = arith.constant 0 : i32
    %dma_start3A_850 = tpu.memref_slice %arg3[%add3A_848, %dma_start3A_849] : memref<528384x128xf32, #tpu.memory_space<hbm>> -> memref<344x128xf32, #tpu.memory_space<hbm>>
    %dma_start3A_851 = arith.constant 0 : i32
    %dma_start3A_852 = tpu.memref_slice %arg3[%add3A_848, %dma_start3A_851] : memref<528384x128xf32, #tpu.memory_space<hbm>> -> memref<344x128xf32, #tpu.memory_space<hbm>>
    tpu.enqueue_dma source(%arg5 : memref<344x128xf32, #tpu.memory_space<vmem>>) target(%dma_start3A_852 : memref<344x128xf32, #tpu.memory_space<hbm>>) target_semaphore(%arg9 : memref<!tpu.dma_semaphore, #tpu.memory_space<semaphore_mem>>)
    %add3A_853 = arith.constant 11696 : i32
    %add3A_854 = arith.addi %mul3A_2, %add3A_853 : i32
    %dma_wait3A_855 = arith.constant 0 : i32
    %dma_wait3A_856 = tpu.memref_slice %arg3[%add3A_854, %dma_wait3A_855] : memref<528384x128xf32, #tpu.memory_space<hbm>> -> memref<344x128xf32, #tpu.memory_space<hbm>>
    %dma_wait3A_857 = arith.constant 0 : i32
    %dma_wait3A_858 = tpu.memref_slice %arg3[%add3A_854, %dma_wait3A_857] : memref<528384x128xf32, #tpu.memory_space<hbm>> -> memref<344x128xf32, #tpu.memory_space<hbm>>
    tpu.wait_dma2 semaphore(%arg8 : memref<!tpu.dma_semaphore, #tpu.memory_space<semaphore_mem>>) src(%arg4 : memref<344x128xf32, #tpu.memory_space<vmem>>) dst(%dma_wait3A_858 : memref<344x128xf32, #tpu.memory_space<hbm>>)
    %add3A_859 = arith.constant 12384 : i32
    %add3A_860 = arith.addi %mul3A_2, %add3A_859 : i32
    %dma_start3A_861 = arith.constant 0 : i32
    %dma_start3A_862 = tpu.memref_slice %arg2[%add3A_860, %dma_start3A_861] : memref<528384x128xf32, #tpu.memory_space<hbm>> -> memref<344x128xf32, #tpu.memory_space<hbm>>
    %dma_start3A_863 = arith.constant 0 : i32
    %dma_start3A_864 = tpu.memref_slice %arg2[%add3A_860, %dma_start3A_863] : memref<528384x128xf32, #tpu.memory_space<hbm>> -> memref<344x128xf32, #tpu.memory_space<hbm>>
    tpu.enqueue_dma source(%dma_start3A_864 : memref<344x128xf32, #tpu.memory_space<hbm>>) target(%arg4 : memref<344x128xf32, #tpu.memory_space<vmem>>) target_semaphore(%arg6 : memref<!tpu.dma_semaphore, #tpu.memory_space<semaphore_mem>>)
    %add3A_865 = arith.constant 12384 : i32
    %add3A_866 = arith.addi %mul3A_2, %add3A_865 : i32
    %dma_wait3A_867 = arith.constant 0 : i32
    %dma_wait3A_868 = tpu.memref_slice %arg2[%add3A_866, %dma_wait3A_867] : memref<528384x128xf32, #tpu.memory_space<hbm>> -> memref<344x128xf32, #tpu.memory_space<hbm>>
    %dma_wait3A_869 = arith.constant 0 : i32
    %dma_wait3A_870 = tpu.memref_slice %arg2[%add3A_866, %dma_wait3A_869] : memref<528384x128xf32, #tpu.memory_space<hbm>> -> memref<344x128xf32, #tpu.memory_space<hbm>>
    tpu.wait_dma2 semaphore(%arg6 : memref<!tpu.dma_semaphore, #tpu.memory_space<semaphore_mem>>) src(%dma_wait3A_870 : memref<344x128xf32, #tpu.memory_space<hbm>>) dst(%arg4 : memref<344x128xf32, #tpu.memory_space<vmem>>)
    %add3A_871 = arith.constant 12384 : i32
    %add3A_872 = arith.addi %mul3A_2, %add3A_871 : i32
    %dma_start3A_873 = arith.constant 0 : i32
    %dma_start3A_874 = tpu.memref_slice %arg3[%add3A_872, %dma_start3A_873] : memref<528384x128xf32, #tpu.memory_space<hbm>> -> memref<344x128xf32, #tpu.memory_space<hbm>>
    %dma_start3A_875 = arith.constant 0 : i32
    %dma_start3A_876 = tpu.memref_slice %arg3[%add3A_872, %dma_start3A_875] : memref<528384x128xf32, #tpu.memory_space<hbm>> -> memref<344x128xf32, #tpu.memory_space<hbm>>
    tpu.enqueue_dma source(%arg4 : memref<344x128xf32, #tpu.memory_space<vmem>>) target(%dma_start3A_876 : memref<344x128xf32, #tpu.memory_space<hbm>>) target_semaphore(%arg8 : memref<!tpu.dma_semaphore, #tpu.memory_space<semaphore_mem>>)
    %add3A_877 = arith.constant 12040 : i32
    %add3A_878 = arith.addi %mul3A_2, %add3A_877 : i32
    %dma_wait3A_879 = arith.constant 0 : i32
    %dma_wait3A_880 = tpu.memref_slice %arg3[%add3A_878, %dma_wait3A_879] : memref<528384x128xf32, #tpu.memory_space<hbm>> -> memref<344x128xf32, #tpu.memory_space<hbm>>
    %dma_wait3A_881 = arith.constant 0 : i32
    %dma_wait3A_882 = tpu.memref_slice %arg3[%add3A_878, %dma_wait3A_881] : memref<528384x128xf32, #tpu.memory_space<hbm>> -> memref<344x128xf32, #tpu.memory_space<hbm>>
    tpu.wait_dma2 semaphore(%arg9 : memref<!tpu.dma_semaphore, #tpu.memory_space<semaphore_mem>>) src(%arg5 : memref<344x128xf32, #tpu.memory_space<vmem>>) dst(%dma_wait3A_882 : memref<344x128xf32, #tpu.memory_space<hbm>>)
    %add3A_883 = arith.constant 12728 : i32
    %add3A_884 = arith.addi %mul3A_2, %add3A_883 : i32
    %dma_start3A_885 = arith.constant 0 : i32
    %dma_start3A_886 = tpu.memref_slice %arg2[%add3A_884, %dma_start3A_885] : memref<528384x128xf32, #tpu.memory_space<hbm>> -> memref<344x128xf32, #tpu.memory_space<hbm>>
    %dma_start3A_887 = arith.constant 0 : i32
    %dma_start3A_888 = tpu.memref_slice %arg2[%add3A_884, %dma_start3A_887] : memref<528384x128xf32, #tpu.memory_space<hbm>> -> memref<344x128xf32, #tpu.memory_space<hbm>>
    tpu.enqueue_dma source(%dma_start3A_888 : memref<344x128xf32, #tpu.memory_space<hbm>>) target(%arg5 : memref<344x128xf32, #tpu.memory_space<vmem>>) target_semaphore(%arg7 : memref<!tpu.dma_semaphore, #tpu.memory_space<semaphore_mem>>)
    %add3A_889 = arith.constant 12728 : i32
    %add3A_890 = arith.addi %mul3A_2, %add3A_889 : i32
    %dma_wait3A_891 = arith.constant 0 : i32
    %dma_wait3A_892 = tpu.memref_slice %arg2[%add3A_890, %dma_wait3A_891] : memref<528384x128xf32, #tpu.memory_space<hbm>> -> memref<344x128xf32, #tpu.memory_space<hbm>>
    %dma_wait3A_893 = arith.constant 0 : i32
    %dma_wait3A_894 = tpu.memref_slice %arg2[%add3A_890, %dma_wait3A_893] : memref<528384x128xf32, #tpu.memory_space<hbm>> -> memref<344x128xf32, #tpu.memory_space<hbm>>
    tpu.wait_dma2 semaphore(%arg7 : memref<!tpu.dma_semaphore, #tpu.memory_space<semaphore_mem>>) src(%dma_wait3A_894 : memref<344x128xf32, #tpu.memory_space<hbm>>) dst(%arg5 : memref<344x128xf32, #tpu.memory_space<vmem>>)
    %add3A_895 = arith.constant 12728 : i32
    %add3A_896 = arith.addi %mul3A_2, %add3A_895 : i32
    %dma_start3A_897 = arith.constant 0 : i32
    %dma_start3A_898 = tpu.memref_slice %arg3[%add3A_896, %dma_start3A_897] : memref<528384x128xf32, #tpu.memory_space<hbm>> -> memref<344x128xf32, #tpu.memory_space<hbm>>
    %dma_start3A_899 = arith.constant 0 : i32
    %dma_start3A_900 = tpu.memref_slice %arg3[%add3A_896, %dma_start3A_899] : memref<528384x128xf32, #tpu.memory_space<hbm>> -> memref<344x128xf32, #tpu.memory_space<hbm>>
    tpu.enqueue_dma source(%arg5 : memref<344x128xf32, #tpu.memory_space<vmem>>) target(%dma_start3A_900 : memref<344x128xf32, #tpu.memory_space<hbm>>) target_semaphore(%arg9 : memref<!tpu.dma_semaphore, #tpu.memory_space<semaphore_mem>>)
    %add3A_901 = arith.constant 12384 : i32
    %add3A_902 = arith.addi %mul3A_2, %add3A_901 : i32
    %dma_wait3A_903 = arith.constant 0 : i32
    %dma_wait3A_904 = tpu.memref_slice %arg3[%add3A_902, %dma_wait3A_903] : memref<528384x128xf32, #tpu.memory_space<hbm>> -> memref<344x128xf32, #tpu.memory_space<hbm>>
    %dma_wait3A_905 = arith.constant 0 : i32
    %dma_wait3A_906 = tpu.memref_slice %arg3[%add3A_902, %dma_wait3A_905] : memref<528384x128xf32, #tpu.memory_space<hbm>> -> memref<344x128xf32, #tpu.memory_space<hbm>>
    tpu.wait_dma2 semaphore(%arg8 : memref<!tpu.dma_semaphore, #tpu.memory_space<semaphore_mem>>) src(%arg4 : memref<344x128xf32, #tpu.memory_space<vmem>>) dst(%dma_wait3A_906 : memref<344x128xf32, #tpu.memory_space<hbm>>)
    %add3A_907 = arith.constant 13072 : i32
    %add3A_908 = arith.addi %mul3A_2, %add3A_907 : i32
    %dma_start3A_909 = arith.constant 0 : i32
    %dma_start3A_910 = tpu.memref_slice %arg2[%add3A_908, %dma_start3A_909] : memref<528384x128xf32, #tpu.memory_space<hbm>> -> memref<344x128xf32, #tpu.memory_space<hbm>>
    %dma_start3A_911 = arith.constant 0 : i32
    %dma_start3A_912 = tpu.memref_slice %arg2[%add3A_908, %dma_start3A_911] : memref<528384x128xf32, #tpu.memory_space<hbm>> -> memref<344x128xf32, #tpu.memory_space<hbm>>
    tpu.enqueue_dma source(%dma_start3A_912 : memref<344x128xf32, #tpu.memory_space<hbm>>) target(%arg4 : memref<344x128xf32, #tpu.memory_space<vmem>>) target_semaphore(%arg6 : memref<!tpu.dma_semaphore, #tpu.memory_space<semaphore_mem>>)
    %add3A_913 = arith.constant 13072 : i32
    %add3A_914 = arith.addi %mul3A_2, %add3A_913 : i32
    %dma_wait3A_915 = arith.constant 0 : i32
    %dma_wait3A_916 = tpu.memref_slice %arg2[%add3A_914, %dma_wait3A_915] : memref<528384x128xf32, #tpu.memory_space<hbm>> -> memref<344x128xf32, #tpu.memory_space<hbm>>
    %dma_wait3A_917 = arith.constant 0 : i32
    %dma_wait3A_918 = tpu.memref_slice %arg2[%add3A_914, %dma_wait3A_917] : memref<528384x128xf32, #tpu.memory_space<hbm>> -> memref<344x128xf32, #tpu.memory_space<hbm>>
    tpu.wait_dma2 semaphore(%arg6 : memref<!tpu.dma_semaphore, #tpu.memory_space<semaphore_mem>>) src(%dma_wait3A_918 : memref<344x128xf32, #tpu.memory_space<hbm>>) dst(%arg4 : memref<344x128xf32, #tpu.memory_space<vmem>>)
    %add3A_919 = arith.constant 13072 : i32
    %add3A_920 = arith.addi %mul3A_2, %add3A_919 : i32
    %dma_start3A_921 = arith.constant 0 : i32
    %dma_start3A_922 = tpu.memref_slice %arg3[%add3A_920, %dma_start3A_921] : memref<528384x128xf32, #tpu.memory_space<hbm>> -> memref<344x128xf32, #tpu.memory_space<hbm>>
    %dma_start3A_923 = arith.constant 0 : i32
    %dma_start3A_924 = tpu.memref_slice %arg3[%add3A_920, %dma_start3A_923] : memref<528384x128xf32, #tpu.memory_space<hbm>> -> memref<344x128xf32, #tpu.memory_space<hbm>>
    tpu.enqueue_dma source(%arg4 : memref<344x128xf32, #tpu.memory_space<vmem>>) target(%dma_start3A_924 : memref<344x128xf32, #tpu.memory_space<hbm>>) target_semaphore(%arg8 : memref<!tpu.dma_semaphore, #tpu.memory_space<semaphore_mem>>)
    %add3A_925 = arith.constant 12728 : i32
    %add3A_926 = arith.addi %mul3A_2, %add3A_925 : i32
    %dma_wait3A_927 = arith.constant 0 : i32
    %dma_wait3A_928 = tpu.memref_slice %arg3[%add3A_926, %dma_wait3A_927] : memref<528384x128xf32, #tpu.memory_space<hbm>> -> memref<344x128xf32, #tpu.memory_space<hbm>>
    %dma_wait3A_929 = arith.constant 0 : i32
    %dma_wait3A_930 = tpu.memref_slice %arg3[%add3A_926, %dma_wait3A_929] : memref<528384x128xf32, #tpu.memory_space<hbm>> -> memref<344x128xf32, #tpu.memory_space<hbm>>
    tpu.wait_dma2 semaphore(%arg9 : memref<!tpu.dma_semaphore, #tpu.memory_space<semaphore_mem>>) src(%arg5 : memref<344x128xf32, #tpu.memory_space<vmem>>) dst(%dma_wait3A_930 : memref<344x128xf32, #tpu.memory_space<hbm>>)
    %add3A_931 = arith.constant 13416 : i32
    %add3A_932 = arith.addi %mul3A_2, %add3A_931 : i32
    %dma_start3A_933 = arith.constant 0 : i32
    %dma_start3A_934 = tpu.memref_slice %arg2[%add3A_932, %dma_start3A_933] : memref<528384x128xf32, #tpu.memory_space<hbm>> -> memref<344x128xf32, #tpu.memory_space<hbm>>
    %dma_start3A_935 = arith.constant 0 : i32
    %dma_start3A_936 = tpu.memref_slice %arg2[%add3A_932, %dma_start3A_935] : memref<528384x128xf32, #tpu.memory_space<hbm>> -> memref<344x128xf32, #tpu.memory_space<hbm>>
    tpu.enqueue_dma source(%dma_start3A_936 : memref<344x128xf32, #tpu.memory_space<hbm>>) target(%arg5 : memref<344x128xf32, #tpu.memory_space<vmem>>) target_semaphore(%arg7 : memref<!tpu.dma_semaphore, #tpu.memory_space<semaphore_mem>>)
    %add3A_937 = arith.constant 13416 : i32
    %add3A_938 = arith.addi %mul3A_2, %add3A_937 : i32
    %dma_wait3A_939 = arith.constant 0 : i32
    %dma_wait3A_940 = tpu.memref_slice %arg2[%add3A_938, %dma_wait3A_939] : memref<528384x128xf32, #tpu.memory_space<hbm>> -> memref<344x128xf32, #tpu.memory_space<hbm>>
    %dma_wait3A_941 = arith.constant 0 : i32
    %dma_wait3A_942 = tpu.memref_slice %arg2[%add3A_938, %dma_wait3A_941] : memref<528384x128xf32, #tpu.memory_space<hbm>> -> memref<344x128xf32, #tpu.memory_space<hbm>>
    tpu.wait_dma2 semaphore(%arg7 : memref<!tpu.dma_semaphore, #tpu.memory_space<semaphore_mem>>) src(%dma_wait3A_942 : memref<344x128xf32, #tpu.memory_space<hbm>>) dst(%arg5 : memref<344x128xf32, #tpu.memory_space<vmem>>)
    %add3A_943 = arith.constant 13416 : i32
    %add3A_944 = arith.addi %mul3A_2, %add3A_943 : i32
    %dma_start3A_945 = arith.constant 0 : i32
    %dma_start3A_946 = tpu.memref_slice %arg3[%add3A_944, %dma_start3A_945] : memref<528384x128xf32, #tpu.memory_space<hbm>> -> memref<344x128xf32, #tpu.memory_space<hbm>>
    %dma_start3A_947 = arith.constant 0 : i32
    %dma_start3A_948 = tpu.memref_slice %arg3[%add3A_944, %dma_start3A_947] : memref<528384x128xf32, #tpu.memory_space<hbm>> -> memref<344x128xf32, #tpu.memory_space<hbm>>
    tpu.enqueue_dma source(%arg5 : memref<344x128xf32, #tpu.memory_space<vmem>>) target(%dma_start3A_948 : memref<344x128xf32, #tpu.memory_space<hbm>>) target_semaphore(%arg9 : memref<!tpu.dma_semaphore, #tpu.memory_space<semaphore_mem>>)
    %add3A_949 = arith.constant 13072 : i32
    %add3A_950 = arith.addi %mul3A_2, %add3A_949 : i32
    %dma_wait3A_951 = arith.constant 0 : i32
    %dma_wait3A_952 = tpu.memref_slice %arg3[%add3A_950, %dma_wait3A_951] : memref<528384x128xf32, #tpu.memory_space<hbm>> -> memref<344x128xf32, #tpu.memory_space<hbm>>
    %dma_wait3A_953 = arith.constant 0 : i32
    %dma_wait3A_954 = tpu.memref_slice %arg3[%add3A_950, %dma_wait3A_953] : memref<528384x128xf32, #tpu.memory_space<hbm>> -> memref<344x128xf32, #tpu.memory_space<hbm>>
    tpu.wait_dma2 semaphore(%arg8 : memref<!tpu.dma_semaphore, #tpu.memory_space<semaphore_mem>>) src(%arg4 : memref<344x128xf32, #tpu.memory_space<vmem>>) dst(%dma_wait3A_954 : memref<344x128xf32, #tpu.memory_space<hbm>>)
    %add3A_955 = arith.constant 13760 : i32
    %add3A_956 = arith.addi %mul3A_2, %add3A_955 : i32
    %dma_start3A_957 = arith.constant 0 : i32
    %dma_start3A_958 = tpu.memref_slice %arg2[%add3A_956, %dma_start3A_957] : memref<528384x128xf32, #tpu.memory_space<hbm>> -> memref<344x128xf32, #tpu.memory_space<hbm>>
    %dma_start3A_959 = arith.constant 0 : i32
    %dma_start3A_960 = tpu.memref_slice %arg2[%add3A_956, %dma_start3A_959] : memref<528384x128xf32, #tpu.memory_space<hbm>> -> memref<344x128xf32, #tpu.memory_space<hbm>>
    tpu.enqueue_dma source(%dma_start3A_960 : memref<344x128xf32, #tpu.memory_space<hbm>>) target(%arg4 : memref<344x128xf32, #tpu.memory_space<vmem>>) target_semaphore(%arg6 : memref<!tpu.dma_semaphore, #tpu.memory_space<semaphore_mem>>)
    %add3A_961 = arith.constant 13760 : i32
    %add3A_962 = arith.addi %mul3A_2, %add3A_961 : i32
    %dma_wait3A_963 = arith.constant 0 : i32
    %dma_wait3A_964 = tpu.memref_slice %arg2[%add3A_962, %dma_wait3A_963] : memref<528384x128xf32, #tpu.memory_space<hbm>> -> memref<344x128xf32, #tpu.memory_space<hbm>>
    %dma_wait3A_965 = arith.constant 0 : i32
    %dma_wait3A_966 = tpu.memref_slice %arg2[%add3A_962, %dma_wait3A_965] : memref<528384x128xf32, #tpu.memory_space<hbm>> -> memref<344x128xf32, #tpu.memory_space<hbm>>
    tpu.wait_dma2 semaphore(%arg6 : memref<!tpu.dma_semaphore, #tpu.memory_space<semaphore_mem>>) src(%dma_wait3A_966 : memref<344x128xf32, #tpu.memory_space<hbm>>) dst(%arg4 : memref<344x128xf32, #tpu.memory_space<vmem>>)
    %add3A_967 = arith.constant 13760 : i32
    %add3A_968 = arith.addi %mul3A_2, %add3A_967 : i32
    %dma_start3A_969 = arith.constant 0 : i32
    %dma_start3A_970 = tpu.memref_slice %arg3[%add3A_968, %dma_start3A_969] : memref<528384x128xf32, #tpu.memory_space<hbm>> -> memref<344x128xf32, #tpu.memory_space<hbm>>
    %dma_start3A_971 = arith.constant 0 : i32
    %dma_start3A_972 = tpu.memref_slice %arg3[%add3A_968, %dma_start3A_971] : memref<528384x128xf32, #tpu.memory_space<hbm>> -> memref<344x128xf32, #tpu.memory_space<hbm>>
    tpu.enqueue_dma source(%arg4 : memref<344x128xf32, #tpu.memory_space<vmem>>) target(%dma_start3A_972 : memref<344x128xf32, #tpu.memory_space<hbm>>) target_semaphore(%arg8 : memref<!tpu.dma_semaphore, #tpu.memory_space<semaphore_mem>>)
    %add3A_973 = arith.constant 13416 : i32
    %add3A_974 = arith.addi %mul3A_2, %add3A_973 : i32
    %dma_wait3A_975 = arith.constant 0 : i32
    %dma_wait3A_976 = tpu.memref_slice %arg3[%add3A_974, %dma_wait3A_975] : memref<528384x128xf32, #tpu.memory_space<hbm>> -> memref<344x128xf32, #tpu.memory_space<hbm>>
    %dma_wait3A_977 = arith.constant 0 : i32
    %dma_wait3A_978 = tpu.memref_slice %arg3[%add3A_974, %dma_wait3A_977] : memref<528384x128xf32, #tpu.memory_space<hbm>> -> memref<344x128xf32, #tpu.memory_space<hbm>>
    tpu.wait_dma2 semaphore(%arg9 : memref<!tpu.dma_semaphore, #tpu.memory_space<semaphore_mem>>) src(%arg5 : memref<344x128xf32, #tpu.memory_space<vmem>>) dst(%dma_wait3A_978 : memref<344x128xf32, #tpu.memory_space<hbm>>)
    %add3A_979 = arith.constant 14104 : i32
    %add3A_980 = arith.addi %mul3A_2, %add3A_979 : i32
    %dma_start3A_981 = arith.constant 0 : i32
    %dma_start3A_982 = tpu.memref_slice %arg2[%add3A_980, %dma_start3A_981] : memref<528384x128xf32, #tpu.memory_space<hbm>> -> memref<344x128xf32, #tpu.memory_space<hbm>>
    %dma_start3A_983 = arith.constant 0 : i32
    %dma_start3A_984 = tpu.memref_slice %arg2[%add3A_980, %dma_start3A_983] : memref<528384x128xf32, #tpu.memory_space<hbm>> -> memref<344x128xf32, #tpu.memory_space<hbm>>
    tpu.enqueue_dma source(%dma_start3A_984 : memref<344x128xf32, #tpu.memory_space<hbm>>) target(%arg5 : memref<344x128xf32, #tpu.memory_space<vmem>>) target_semaphore(%arg7 : memref<!tpu.dma_semaphore, #tpu.memory_space<semaphore_mem>>)
    %add3A_985 = arith.constant 14104 : i32
    %add3A_986 = arith.addi %mul3A_2, %add3A_985 : i32
    %dma_wait3A_987 = arith.constant 0 : i32
    %dma_wait3A_988 = tpu.memref_slice %arg2[%add3A_986, %dma_wait3A_987] : memref<528384x128xf32, #tpu.memory_space<hbm>> -> memref<344x128xf32, #tpu.memory_space<hbm>>
    %dma_wait3A_989 = arith.constant 0 : i32
    %dma_wait3A_990 = tpu.memref_slice %arg2[%add3A_986, %dma_wait3A_989] : memref<528384x128xf32, #tpu.memory_space<hbm>> -> memref<344x128xf32, #tpu.memory_space<hbm>>
    tpu.wait_dma2 semaphore(%arg7 : memref<!tpu.dma_semaphore, #tpu.memory_space<semaphore_mem>>) src(%dma_wait3A_990 : memref<344x128xf32, #tpu.memory_space<hbm>>) dst(%arg5 : memref<344x128xf32, #tpu.memory_space<vmem>>)
    %add3A_991 = arith.constant 14104 : i32
    %add3A_992 = arith.addi %mul3A_2, %add3A_991 : i32
    %dma_start3A_993 = arith.constant 0 : i32
    %dma_start3A_994 = tpu.memref_slice %arg3[%add3A_992, %dma_start3A_993] : memref<528384x128xf32, #tpu.memory_space<hbm>> -> memref<344x128xf32, #tpu.memory_space<hbm>>
    %dma_start3A_995 = arith.constant 0 : i32
    %dma_start3A_996 = tpu.memref_slice %arg3[%add3A_992, %dma_start3A_995] : memref<528384x128xf32, #tpu.memory_space<hbm>> -> memref<344x128xf32, #tpu.memory_space<hbm>>
    tpu.enqueue_dma source(%arg5 : memref<344x128xf32, #tpu.memory_space<vmem>>) target(%dma_start3A_996 : memref<344x128xf32, #tpu.memory_space<hbm>>) target_semaphore(%arg9 : memref<!tpu.dma_semaphore, #tpu.memory_space<semaphore_mem>>)
    %add3A_997 = arith.constant 13760 : i32
    %add3A_998 = arith.addi %mul3A_2, %add3A_997 : i32
    %dma_wait3A_999 = arith.constant 0 : i32
    %dma_wait3A_1000 = tpu.memref_slice %arg3[%add3A_998, %dma_wait3A_999] : memref<528384x128xf32, #tpu.memory_space<hbm>> -> memref<344x128xf32, #tpu.memory_space<hbm>>
    %dma_wait3A_1001 = arith.constant 0 : i32
    %dma_wait3A_1002 = tpu.memref_slice %arg3[%add3A_998, %dma_wait3A_1001] : memref<528384x128xf32, #tpu.memory_space<hbm>> -> memref<344x128xf32, #tpu.memory_space<hbm>>
    tpu.wait_dma2 semaphore(%arg8 : memref<!tpu.dma_semaphore, #tpu.memory_space<semaphore_mem>>) src(%arg4 : memref<344x128xf32, #tpu.memory_space<vmem>>) dst(%dma_wait3A_1002 : memref<344x128xf32, #tpu.memory_space<hbm>>)
    %add3A_1003 = arith.constant 14448 : i32
    %add3A_1004 = arith.addi %mul3A_2, %add3A_1003 : i32
    %dma_start3A_1005 = arith.constant 0 : i32
    %dma_start3A_1006 = tpu.memref_slice %arg2[%add3A_1004, %dma_start3A_1005] : memref<528384x128xf32, #tpu.memory_space<hbm>> -> memref<344x128xf32, #tpu.memory_space<hbm>>
    %dma_start3A_1007 = arith.constant 0 : i32
    %dma_start3A_1008 = tpu.memref_slice %arg2[%add3A_1004, %dma_start3A_1007] : memref<528384x128xf32, #tpu.memory_space<hbm>> -> memref<344x128xf32, #tpu.memory_space<hbm>>
    tpu.enqueue_dma source(%dma_start3A_1008 : memref<344x128xf32, #tpu.memory_space<hbm>>) target(%arg4 : memref<344x128xf32, #tpu.memory_space<vmem>>) target_semaphore(%arg6 : memref<!tpu.dma_semaphore, #tpu.memory_space<semaphore_mem>>)
    %add3A_1009 = arith.constant 14448 : i32
    %add3A_1010 = arith.addi %mul3A_2, %add3A_1009 : i32
    %dma_wait3A_1011 = arith.constant 0 : i32
    %dma_wait3A_1012 = tpu.memref_slice %arg2[%add3A_1010, %dma_wait3A_1011] : memref<528384x128xf32, #tpu.memory_space<hbm>> -> memref<344x128xf32, #tpu.memory_space<hbm>>
    %dma_wait3A_1013 = arith.constant 0 : i32
    %dma_wait3A_1014 = tpu.memref_slice %arg2[%add3A_1010, %dma_wait3A_1013] : memref<528384x128xf32, #tpu.memory_space<hbm>> -> memref<344x128xf32, #tpu.memory_space<hbm>>
    tpu.wait_dma2 semaphore(%arg6 : memref<!tpu.dma_semaphore, #tpu.memory_space<semaphore_mem>>) src(%dma_wait3A_1014 : memref<344x128xf32, #tpu.memory_space<hbm>>) dst(%arg4 : memref<344x128xf32, #tpu.memory_space<vmem>>)
    %add3A_1015 = arith.constant 14448 : i32
    %add3A_1016 = arith.addi %mul3A_2, %add3A_1015 : i32
    %dma_start3A_1017 = arith.constant 0 : i32
    %dma_start3A_1018 = tpu.memref_slice %arg3[%add3A_1016, %dma_start3A_1017] : memref<528384x128xf32, #tpu.memory_space<hbm>> -> memref<344x128xf32, #tpu.memory_space<hbm>>
    %dma_start3A_1019 = arith.constant 0 : i32
    %dma_start3A_1020 = tpu.memref_slice %arg3[%add3A_1016, %dma_start3A_1019] : memref<528384x128xf32, #tpu.memory_space<hbm>> -> memref<344x128xf32, #tpu.memory_space<hbm>>
    tpu.enqueue_dma source(%arg4 : memref<344x128xf32, #tpu.memory_space<vmem>>) target(%dma_start3A_1020 : memref<344x128xf32, #tpu.memory_space<hbm>>) target_semaphore(%arg8 : memref<!tpu.dma_semaphore, #tpu.memory_space<semaphore_mem>>)
    %add3A_1021 = arith.constant 14104 : i32
    %add3A_1022 = arith.addi %mul3A_2, %add3A_1021 : i32
    %dma_wait3A_1023 = arith.constant 0 : i32
    %dma_wait3A_1024 = tpu.memref_slice %arg3[%add3A_1022, %dma_wait3A_1023] : memref<528384x128xf32, #tpu.memory_space<hbm>> -> memref<344x128xf32, #tpu.memory_space<hbm>>
    %dma_wait3A_1025 = arith.constant 0 : i32
    %dma_wait3A_1026 = tpu.memref_slice %arg3[%add3A_1022, %dma_wait3A_1025] : memref<528384x128xf32, #tpu.memory_space<hbm>> -> memref<344x128xf32, #tpu.memory_space<hbm>>
    tpu.wait_dma2 semaphore(%arg9 : memref<!tpu.dma_semaphore, #tpu.memory_space<semaphore_mem>>) src(%arg5 : memref<344x128xf32, #tpu.memory_space<vmem>>) dst(%dma_wait3A_1026 : memref<344x128xf32, #tpu.memory_space<hbm>>)
    %add3A_1027 = arith.constant 14792 : i32
    %add3A_1028 = arith.addi %mul3A_2, %add3A_1027 : i32
    %dma_start3A_1029 = arith.constant 0 : i32
    %dma_start3A_1030 = tpu.memref_slice %arg2[%add3A_1028, %dma_start3A_1029] : memref<528384x128xf32, #tpu.memory_space<hbm>> -> memref<344x128xf32, #tpu.memory_space<hbm>>
    %dma_start3A_1031 = arith.constant 0 : i32
    %dma_start3A_1032 = tpu.memref_slice %arg2[%add3A_1028, %dma_start3A_1031] : memref<528384x128xf32, #tpu.memory_space<hbm>> -> memref<344x128xf32, #tpu.memory_space<hbm>>
    tpu.enqueue_dma source(%dma_start3A_1032 : memref<344x128xf32, #tpu.memory_space<hbm>>) target(%arg5 : memref<344x128xf32, #tpu.memory_space<vmem>>) target_semaphore(%arg7 : memref<!tpu.dma_semaphore, #tpu.memory_space<semaphore_mem>>)
    %add3A_1033 = arith.constant 14792 : i32
    %add3A_1034 = arith.addi %mul3A_2, %add3A_1033 : i32
    %dma_wait3A_1035 = arith.constant 0 : i32
    %dma_wait3A_1036 = tpu.memref_slice %arg2[%add3A_1034, %dma_wait3A_1035] : memref<528384x128xf32, #tpu.memory_space<hbm>> -> memref<344x128xf32, #tpu.memory_space<hbm>>
    %dma_wait3A_1037 = arith.constant 0 : i32
    %dma_wait3A_1038 = tpu.memref_slice %arg2[%add3A_1034, %dma_wait3A_1037] : memref<528384x128xf32, #tpu.memory_space<hbm>> -> memref<344x128xf32, #tpu.memory_space<hbm>>
    tpu.wait_dma2 semaphore(%arg7 : memref<!tpu.dma_semaphore, #tpu.memory_space<semaphore_mem>>) src(%dma_wait3A_1038 : memref<344x128xf32, #tpu.memory_space<hbm>>) dst(%arg5 : memref<344x128xf32, #tpu.memory_space<vmem>>)
    %add3A_1039 = arith.constant 14792 : i32
    %add3A_1040 = arith.addi %mul3A_2, %add3A_1039 : i32
    %dma_start3A_1041 = arith.constant 0 : i32
    %dma_start3A_1042 = tpu.memref_slice %arg3[%add3A_1040, %dma_start3A_1041] : memref<528384x128xf32, #tpu.memory_space<hbm>> -> memref<344x128xf32, #tpu.memory_space<hbm>>
    %dma_start3A_1043 = arith.constant 0 : i32
    %dma_start3A_1044 = tpu.memref_slice %arg3[%add3A_1040, %dma_start3A_1043] : memref<528384x128xf32, #tpu.memory_space<hbm>> -> memref<344x128xf32, #tpu.memory_space<hbm>>
    tpu.enqueue_dma source(%arg5 : memref<344x128xf32, #tpu.memory_space<vmem>>) target(%dma_start3A_1044 : memref<344x128xf32, #tpu.memory_space<hbm>>) target_semaphore(%arg9 : memref<!tpu.dma_semaphore, #tpu.memory_space<semaphore_mem>>)
    %add3A_1045 = arith.constant 14448 : i32
    %add3A_1046 = arith.addi %mul3A_2, %add3A_1045 : i32
    %dma_wait3A_1047 = arith.constant 0 : i32
    %dma_wait3A_1048 = tpu.memref_slice %arg3[%add3A_1046, %dma_wait3A_1047] : memref<528384x128xf32, #tpu.memory_space<hbm>> -> memref<344x128xf32, #tpu.memory_space<hbm>>
    %dma_wait3A_1049 = arith.constant 0 : i32
    %dma_wait3A_1050 = tpu.memref_slice %arg3[%add3A_1046, %dma_wait3A_1049] : memref<528384x128xf32, #tpu.memory_space<hbm>> -> memref<344x128xf32, #tpu.memory_space<hbm>>
    tpu.wait_dma2 semaphore(%arg8 : memref<!tpu.dma_semaphore, #tpu.memory_space<semaphore_mem>>) src(%arg4 : memref<344x128xf32, #tpu.memory_space<vmem>>) dst(%dma_wait3A_1050 : memref<344x128xf32, #tpu.memory_space<hbm>>)
    %add3A_1051 = arith.constant 15136 : i32
    %add3A_1052 = arith.addi %mul3A_2, %add3A_1051 : i32
    %dma_start3A_1053 = arith.constant 0 : i32
    %dma_start3A_1054 = tpu.memref_slice %arg2[%add3A_1052, %dma_start3A_1053] : memref<528384x128xf32, #tpu.memory_space<hbm>> -> memref<344x128xf32, #tpu.memory_space<hbm>>
    %dma_start3A_1055 = arith.constant 0 : i32
    %dma_start3A_1056 = tpu.memref_slice %arg2[%add3A_1052, %dma_start3A_1055] : memref<528384x128xf32, #tpu.memory_space<hbm>> -> memref<344x128xf32, #tpu.memory_space<hbm>>
    tpu.enqueue_dma source(%dma_start3A_1056 : memref<344x128xf32, #tpu.memory_space<hbm>>) target(%arg4 : memref<344x128xf32, #tpu.memory_space<vmem>>) target_semaphore(%arg6 : memref<!tpu.dma_semaphore, #tpu.memory_space<semaphore_mem>>)
    %add3A_1057 = arith.constant 15136 : i32
    %add3A_1058 = arith.addi %mul3A_2, %add3A_1057 : i32
    %dma_wait3A_1059 = arith.constant 0 : i32
    %dma_wait3A_1060 = tpu.memref_slice %arg2[%add3A_1058, %dma_wait3A_1059] : memref<528384x128xf32, #tpu.memory_space<hbm>> -> memref<344x128xf32, #tpu.memory_space<hbm>>
    %dma_wait3A_1061 = arith.constant 0 : i32
    %dma_wait3A_1062 = tpu.memref_slice %arg2[%add3A_1058, %dma_wait3A_1061] : memref<528384x128xf32, #tpu.memory_space<hbm>> -> memref<344x128xf32, #tpu.memory_space<hbm>>
    tpu.wait_dma2 semaphore(%arg6 : memref<!tpu.dma_semaphore, #tpu.memory_space<semaphore_mem>>) src(%dma_wait3A_1062 : memref<344x128xf32, #tpu.memory_space<hbm>>) dst(%arg4 : memref<344x128xf32, #tpu.memory_space<vmem>>)
    %add3A_1063 = arith.constant 15136 : i32
    %add3A_1064 = arith.addi %mul3A_2, %add3A_1063 : i32
    %dma_start3A_1065 = arith.constant 0 : i32
    %dma_start3A_1066 = tpu.memref_slice %arg3[%add3A_1064, %dma_start3A_1065] : memref<528384x128xf32, #tpu.memory_space<hbm>> -> memref<344x128xf32, #tpu.memory_space<hbm>>
    %dma_start3A_1067 = arith.constant 0 : i32
    %dma_start3A_1068 = tpu.memref_slice %arg3[%add3A_1064, %dma_start3A_1067] : memref<528384x128xf32, #tpu.memory_space<hbm>> -> memref<344x128xf32, #tpu.memory_space<hbm>>
    tpu.enqueue_dma source(%arg4 : memref<344x128xf32, #tpu.memory_space<vmem>>) target(%dma_start3A_1068 : memref<344x128xf32, #tpu.memory_space<hbm>>) target_semaphore(%arg8 : memref<!tpu.dma_semaphore, #tpu.memory_space<semaphore_mem>>)
    %add3A_1069 = arith.constant 14792 : i32
    %add3A_1070 = arith.addi %mul3A_2, %add3A_1069 : i32
    %dma_wait3A_1071 = arith.constant 0 : i32
    %dma_wait3A_1072 = tpu.memref_slice %arg3[%add3A_1070, %dma_wait3A_1071] : memref<528384x128xf32, #tpu.memory_space<hbm>> -> memref<344x128xf32, #tpu.memory_space<hbm>>
    %dma_wait3A_1073 = arith.constant 0 : i32
    %dma_wait3A_1074 = tpu.memref_slice %arg3[%add3A_1070, %dma_wait3A_1073] : memref<528384x128xf32, #tpu.memory_space<hbm>> -> memref<344x128xf32, #tpu.memory_space<hbm>>
    tpu.wait_dma2 semaphore(%arg9 : memref<!tpu.dma_semaphore, #tpu.memory_space<semaphore_mem>>) src(%arg5 : memref<344x128xf32, #tpu.memory_space<vmem>>) dst(%dma_wait3A_1074 : memref<344x128xf32, #tpu.memory_space<hbm>>)
    %add3A_1075 = arith.constant 15480 : i32
    %add3A_1076 = arith.addi %mul3A_2, %add3A_1075 : i32
    %dma_start3A_1077 = arith.constant 0 : i32
    %dma_start3A_1078 = tpu.memref_slice %arg2[%add3A_1076, %dma_start3A_1077] : memref<528384x128xf32, #tpu.memory_space<hbm>> -> memref<344x128xf32, #tpu.memory_space<hbm>>
    %dma_start3A_1079 = arith.constant 0 : i32
    %dma_start3A_1080 = tpu.memref_slice %arg2[%add3A_1076, %dma_start3A_1079] : memref<528384x128xf32, #tpu.memory_space<hbm>> -> memref<344x128xf32, #tpu.memory_space<hbm>>
    tpu.enqueue_dma source(%dma_start3A_1080 : memref<344x128xf32, #tpu.memory_space<hbm>>) target(%arg5 : memref<344x128xf32, #tpu.memory_space<vmem>>) target_semaphore(%arg7 : memref<!tpu.dma_semaphore, #tpu.memory_space<semaphore_mem>>)
    %add3A_1081 = arith.constant 15480 : i32
    %add3A_1082 = arith.addi %mul3A_2, %add3A_1081 : i32
    %dma_wait3A_1083 = arith.constant 0 : i32
    %dma_wait3A_1084 = tpu.memref_slice %arg2[%add3A_1082, %dma_wait3A_1083] : memref<528384x128xf32, #tpu.memory_space<hbm>> -> memref<344x128xf32, #tpu.memory_space<hbm>>
    %dma_wait3A_1085 = arith.constant 0 : i32
    %dma_wait3A_1086 = tpu.memref_slice %arg2[%add3A_1082, %dma_wait3A_1085] : memref<528384x128xf32, #tpu.memory_space<hbm>> -> memref<344x128xf32, #tpu.memory_space<hbm>>
    tpu.wait_dma2 semaphore(%arg7 : memref<!tpu.dma_semaphore, #tpu.memory_space<semaphore_mem>>) src(%dma_wait3A_1086 : memref<344x128xf32, #tpu.memory_space<hbm>>) dst(%arg5 : memref<344x128xf32, #tpu.memory_space<vmem>>)
    %add3A_1087 = arith.constant 15480 : i32
    %add3A_1088 = arith.addi %mul3A_2, %add3A_1087 : i32
    %dma_start3A_1089 = arith.constant 0 : i32
    %dma_start3A_1090 = tpu.memref_slice %arg3[%add3A_1088, %dma_start3A_1089] : memref<528384x128xf32, #tpu.memory_space<hbm>> -> memref<344x128xf32, #tpu.memory_space<hbm>>
    %dma_start3A_1091 = arith.constant 0 : i32
    %dma_start3A_1092 = tpu.memref_slice %arg3[%add3A_1088, %dma_start3A_1091] : memref<528384x128xf32, #tpu.memory_space<hbm>> -> memref<344x128xf32, #tpu.memory_space<hbm>>
    tpu.enqueue_dma source(%arg5 : memref<344x128xf32, #tpu.memory_space<vmem>>) target(%dma_start3A_1092 : memref<344x128xf32, #tpu.memory_space<hbm>>) target_semaphore(%arg9 : memref<!tpu.dma_semaphore, #tpu.memory_space<semaphore_mem>>)
    %add3A_1093 = arith.constant 15136 : i32
    %add3A_1094 = arith.addi %mul3A_2, %add3A_1093 : i32
    %dma_wait3A_1095 = arith.constant 0 : i32
    %dma_wait3A_1096 = tpu.memref_slice %arg3[%add3A_1094, %dma_wait3A_1095] : memref<528384x128xf32, #tpu.memory_space<hbm>> -> memref<344x128xf32, #tpu.memory_space<hbm>>
    %dma_wait3A_1097 = arith.constant 0 : i32
    %dma_wait3A_1098 = tpu.memref_slice %arg3[%add3A_1094, %dma_wait3A_1097] : memref<528384x128xf32, #tpu.memory_space<hbm>> -> memref<344x128xf32, #tpu.memory_space<hbm>>
    tpu.wait_dma2 semaphore(%arg8 : memref<!tpu.dma_semaphore, #tpu.memory_space<semaphore_mem>>) src(%arg4 : memref<344x128xf32, #tpu.memory_space<vmem>>) dst(%dma_wait3A_1098 : memref<344x128xf32, #tpu.memory_space<hbm>>)
    %add3A_1099 = arith.constant 15824 : i32
    %add3A_1100 = arith.addi %mul3A_2, %add3A_1099 : i32
    %dma_start3A_1101 = arith.constant 0 : i32
    %dma_start3A_1102 = tpu.memref_slice %arg2[%add3A_1100, %dma_start3A_1101] : memref<528384x128xf32, #tpu.memory_space<hbm>> -> memref<344x128xf32, #tpu.memory_space<hbm>>
    %dma_start3A_1103 = arith.constant 0 : i32
    %dma_start3A_1104 = tpu.memref_slice %arg2[%add3A_1100, %dma_start3A_1103] : memref<528384x128xf32, #tpu.memory_space<hbm>> -> memref<344x128xf32, #tpu.memory_space<hbm>>
    tpu.enqueue_dma source(%dma_start3A_1104 : memref<344x128xf32, #tpu.memory_space<hbm>>) target(%arg4 : memref<344x128xf32, #tpu.memory_space<vmem>>) target_semaphore(%arg6 : memref<!tpu.dma_semaphore, #tpu.memory_space<semaphore_mem>>)
    %add3A_1105 = arith.constant 15824 : i32
    %add3A_1106 = arith.addi %mul3A_2, %add3A_1105 : i32
    %dma_wait3A_1107 = arith.constant 0 : i32
    %dma_wait3A_1108 = tpu.memref_slice %arg2[%add3A_1106, %dma_wait3A_1107] : memref<528384x128xf32, #tpu.memory_space<hbm>> -> memref<344x128xf32, #tpu.memory_space<hbm>>
    %dma_wait3A_1109 = arith.constant 0 : i32
    %dma_wait3A_1110 = tpu.memref_slice %arg2[%add3A_1106, %dma_wait3A_1109] : memref<528384x128xf32, #tpu.memory_space<hbm>> -> memref<344x128xf32, #tpu.memory_space<hbm>>
    tpu.wait_dma2 semaphore(%arg6 : memref<!tpu.dma_semaphore, #tpu.memory_space<semaphore_mem>>) src(%dma_wait3A_1110 : memref<344x128xf32, #tpu.memory_space<hbm>>) dst(%arg4 : memref<344x128xf32, #tpu.memory_space<vmem>>)
    %add3A_1111 = arith.constant 15824 : i32
    %add3A_1112 = arith.addi %mul3A_2, %add3A_1111 : i32
    %dma_start3A_1113 = arith.constant 0 : i32
    %dma_start3A_1114 = tpu.memref_slice %arg3[%add3A_1112, %dma_start3A_1113] : memref<528384x128xf32, #tpu.memory_space<hbm>> -> memref<344x128xf32, #tpu.memory_space<hbm>>
    %dma_start3A_1115 = arith.constant 0 : i32
    %dma_start3A_1116 = tpu.memref_slice %arg3[%add3A_1112, %dma_start3A_1115] : memref<528384x128xf32, #tpu.memory_space<hbm>> -> memref<344x128xf32, #tpu.memory_space<hbm>>
    tpu.enqueue_dma source(%arg4 : memref<344x128xf32, #tpu.memory_space<vmem>>) target(%dma_start3A_1116 : memref<344x128xf32, #tpu.memory_space<hbm>>) target_semaphore(%arg8 : memref<!tpu.dma_semaphore, #tpu.memory_space<semaphore_mem>>)
    %add3A_1117 = arith.constant 15480 : i32
    %add3A_1118 = arith.addi %mul3A_2, %add3A_1117 : i32
    %dma_wait3A_1119 = arith.constant 0 : i32
    %dma_wait3A_1120 = tpu.memref_slice %arg3[%add3A_1118, %dma_wait3A_1119] : memref<528384x128xf32, #tpu.memory_space<hbm>> -> memref<344x128xf32, #tpu.memory_space<hbm>>
    %dma_wait3A_1121 = arith.constant 0 : i32
    %dma_wait3A_1122 = tpu.memref_slice %arg3[%add3A_1118, %dma_wait3A_1121] : memref<528384x128xf32, #tpu.memory_space<hbm>> -> memref<344x128xf32, #tpu.memory_space<hbm>>
    tpu.wait_dma2 semaphore(%arg9 : memref<!tpu.dma_semaphore, #tpu.memory_space<semaphore_mem>>) src(%arg5 : memref<344x128xf32, #tpu.memory_space<vmem>>) dst(%dma_wait3A_1122 : memref<344x128xf32, #tpu.memory_space<hbm>>)
    %add3A_1123 = arith.constant 16168 : i32
    %add3A_1124 = arith.addi %mul3A_2, %add3A_1123 : i32
    %dma_start3A_1125 = arith.constant 0 : i32
    %dma_start3A_1126 = tpu.memref_slice %arg2[%add3A_1124, %dma_start3A_1125] : memref<528384x128xf32, #tpu.memory_space<hbm>> -> memref<344x128xf32, #tpu.memory_space<hbm>>
    %dma_start3A_1127 = arith.constant 0 : i32
    %dma_start3A_1128 = tpu.memref_slice %arg2[%add3A_1124, %dma_start3A_1127] : memref<528384x128xf32, #tpu.memory_space<hbm>> -> memref<344x128xf32, #tpu.memory_space<hbm>>
    tpu.enqueue_dma source(%dma_start3A_1128 : memref<344x128xf32, #tpu.memory_space<hbm>>) target(%arg5 : memref<344x128xf32, #tpu.memory_space<vmem>>) target_semaphore(%arg7 : memref<!tpu.dma_semaphore, #tpu.memory_space<semaphore_mem>>)
    %add3A_1129 = arith.constant 16168 : i32
    %add3A_1130 = arith.addi %mul3A_2, %add3A_1129 : i32
    %dma_wait3A_1131 = arith.constant 0 : i32
    %dma_wait3A_1132 = tpu.memref_slice %arg2[%add3A_1130, %dma_wait3A_1131] : memref<528384x128xf32, #tpu.memory_space<hbm>> -> memref<344x128xf32, #tpu.memory_space<hbm>>
    %dma_wait3A_1133 = arith.constant 0 : i32
    %dma_wait3A_1134 = tpu.memref_slice %arg2[%add3A_1130, %dma_wait3A_1133] : memref<528384x128xf32, #tpu.memory_space<hbm>> -> memref<344x128xf32, #tpu.memory_space<hbm>>
    tpu.wait_dma2 semaphore(%arg7 : memref<!tpu.dma_semaphore, #tpu.memory_space<semaphore_mem>>) src(%dma_wait3A_1134 : memref<344x128xf32, #tpu.memory_space<hbm>>) dst(%arg5 : memref<344x128xf32, #tpu.memory_space<vmem>>)
    %add3A_1135 = arith.constant 16168 : i32
    %add3A_1136 = arith.addi %mul3A_2, %add3A_1135 : i32
    %dma_start3A_1137 = arith.constant 0 : i32
    %dma_start3A_1138 = tpu.memref_slice %arg3[%add3A_1136, %dma_start3A_1137] : memref<528384x128xf32, #tpu.memory_space<hbm>> -> memref<344x128xf32, #tpu.memory_space<hbm>>
    %dma_start3A_1139 = arith.constant 0 : i32
    %dma_start3A_1140 = tpu.memref_slice %arg3[%add3A_1136, %dma_start3A_1139] : memref<528384x128xf32, #tpu.memory_space<hbm>> -> memref<344x128xf32, #tpu.memory_space<hbm>>
    tpu.enqueue_dma source(%arg5 : memref<344x128xf32, #tpu.memory_space<vmem>>) target(%dma_start3A_1140 : memref<344x128xf32, #tpu.memory_space<hbm>>) target_semaphore(%arg9 : memref<!tpu.dma_semaphore, #tpu.memory_space<semaphore_mem>>)
    %add3A_1141 = arith.constant 15824 : i32
    %add3A_1142 = arith.addi %mul3A_2, %add3A_1141 : i32
    %dma_wait3A_1143 = arith.constant 0 : i32
    %dma_wait3A_1144 = tpu.memref_slice %arg3[%add3A_1142, %dma_wait3A_1143] : memref<528384x128xf32, #tpu.memory_space<hbm>> -> memref<344x128xf32, #tpu.memory_space<hbm>>
    %dma_wait3A_1145 = arith.constant 0 : i32
    %dma_wait3A_1146 = tpu.memref_slice %arg3[%add3A_1142, %dma_wait3A_1145] : memref<528384x128xf32, #tpu.memory_space<hbm>> -> memref<344x128xf32, #tpu.memory_space<hbm>>
    tpu.wait_dma2 semaphore(%arg8 : memref<!tpu.dma_semaphore, #tpu.memory_space<semaphore_mem>>) src(%arg4 : memref<344x128xf32, #tpu.memory_space<vmem>>) dst(%dma_wait3A_1146 : memref<344x128xf32, #tpu.memory_space<hbm>>)
    %add3A_1147 = arith.constant 16168 : i32
    %add3A_1148 = arith.addi %mul3A_2, %add3A_1147 : i32
    %dma_wait3A_1149 = arith.constant 0 : i32
    %dma_wait3A_1150 = tpu.memref_slice %arg3[%add3A_1148, %dma_wait3A_1149] : memref<528384x128xf32, #tpu.memory_space<hbm>> -> memref<344x128xf32, #tpu.memory_space<hbm>>
    %dma_wait3A_1151 = arith.constant 0 : i32
    %dma_wait3A_1152 = tpu.memref_slice %arg3[%add3A_1148, %dma_wait3A_1151] : memref<528384x128xf32, #tpu.memory_space<hbm>> -> memref<344x128xf32, #tpu.memory_space<hbm>>
    tpu.wait_dma2 semaphore(%arg9 : memref<!tpu.dma_semaphore, #tpu.memory_space<semaphore_mem>>) src(%arg5 : memref<344x128xf32, #tpu.memory_space<vmem>>) dst(%dma_wait3A_1152 : memref<344x128xf32, #tpu.memory_space<hbm>>)
    return
  }
}

module attributes {stable_mosaic.version = 14 : i64} {
  func.func @_pool_body(%arg0: i32, %arg1: memref<128x1xi32, #tpu.memory_space<vmem>>, %arg2: memref<128x3xf32, #tpu.memory_space<vmem>>, %arg3: memref<128x64x128xf32, #tpu.memory_space<vmem>>, %arg4: memref<128x128xf32, #tpu.memory_space<vmem>>, %arg5: memref<128x1xi32, #tpu.memory_space<vmem>>) attributes {dimension_semantics = [#tpu.dimension_semantics<arbitrary>], iteration_bounds = array<i64: 32>, scalar_prefetch = 0 : i64, scratch_operands = 0 : i64, tpu.core_type = #tpu.core_type<tc>, window_params = [{transform_indices = @transform_0, window_bounds = array<i64: 128, 1>}, {transform_indices = @transform_1, window_bounds = array<i64: 128, 3>}, {transform_indices = @transform_2, window_bounds = array<i64: 128, 64, 128>}, {transform_indices = @transform_3, window_bounds = array<i64: 128, 128>}, {transform_indices = @transform_4, window_bounds = array<i64: 128, 1>}]} {
    %get3A = arith.constant 0 : index
    %get3A_0 = arith.constant 0 : index
    %get3A_1 = arith.constant 0 : index
    %get3A_2 = vector.load %arg3[%get3A, %get3A_0, %get3A_1] : memref<128x64x128xf32, #tpu.memory_space<vmem>>, vector<128x64x128xf32>
    %reduce_max3A = arith.constant dense<0xFF800000> : vector<128x128xf32>
    %reduce_max3A_3 = vector.multi_reduction <maximumf>, %get3A_2, %reduce_max3A [1] : vector<128x64x128xf32> to vector<128x128xf32>
    %swap3A = arith.constant 0 : index
    %swap3A_4 = arith.constant 0 : index
    %swap3A_5 = vector.load %arg4[%swap3A, %swap3A_4] : memref<128x128xf32, #tpu.memory_space<vmem>>, vector<128x128xf32>
    tpu.vector_store %arg4[%swap3A, %swap3A_4], %reduce_max3A_3 {strides = array<i32>} : memref<128x128xf32, #tpu.memory_space<vmem>>, vector<128x128xf32>,
    %get3A_6 = arith.constant 0 : index
    %get3A_7 = arith.constant 0 : index
    %get3A_8 = vector.load %arg2[%get3A_6, %get3A_7] : memref<128x3xf32, #tpu.memory_space<vmem>>, vector<128x1xf32>
    %get3A_9 = arith.constant 0 : index
    %get3A_10 = arith.constant 1 : index
    %get3A_11 = vector.load %arg2[%get3A_9, %get3A_10] : memref<128x3xf32, #tpu.memory_space<vmem>>, vector<128x1xf32>
    %get3A_12 = arith.constant 0 : index
    %get3A_13 = arith.constant 2 : index
    %get3A_14 = vector.load %arg2[%get3A_12, %get3A_13] : memref<128x3xf32, #tpu.memory_space<vmem>>, vector<128x1xf32>
    %gt3A = arith.cmpf ogt, %get3A_11, %get3A_8 : vector<128x1xf32>
    %jit3A = arith.constant 1 : i32
    %jit3A_15 = arith.constant 0 : i32
    %broadcast_in_dim3A = vector.broadcast %jit3A : i32 to vector<128x1xi32>
    %broadcast_in_dim3A_16 = vector.broadcast %jit3A_15 : i32 to vector<128x1xi32>
    %select_n3A = arith.select %gt3A, %broadcast_in_dim3A, %broadcast_in_dim3A_16 : vector<128x1xi1>, vector<128x1xi32>
    %max3A = arith.maximumf %get3A_8, %get3A_11 : vector<128x1xf32>
    %gt3A_17 = arith.cmpf ogt, %get3A_14, %max3A : vector<128x1xf32>
    %jit3A_18 = arith.constant 2 : i32
    %broadcast_in_dim3A_19 = vector.broadcast %jit3A_18 : i32 to vector<128x1xi32>
    %select_n3A_20 = arith.select %gt3A_17, %broadcast_in_dim3A_19, %select_n3A : vector<128x1xi1>, vector<128x1xi32>
    %get3A_21 = arith.constant 0 : index
    %get3A_22 = arith.constant 0 : index
    %get3A_23 = vector.load %arg1[%get3A_21, %get3A_22] : memref<128x1xi32, #tpu.memory_space<vmem>>, vector<128x1xi32>
    %add3A = arith.addi %get3A_23, %select_n3A_20 : vector<128x1xi32>
    %sub3A = arith.constant 1 : i32
    %sub3A_24 = vector.broadcast %sub3A : i32 to vector<128x1xi32>
    %sub3A_25 = arith.subi %add3A, %sub3A_24 : vector<128x1xi32>
    %max3A_26 = arith.constant 0 : i32
    %max3A_27 = vector.broadcast %max3A_26 : i32 to vector<128x1xi32>
    %max3A_28 = arith.maxsi %sub3A_25, %max3A_27 : vector<128x1xi32>
    %swap3A_29 = arith.constant 0 : index
    %swap3A_30 = arith.constant 0 : index
    %swap3A_31 = vector.load %arg5[%swap3A_29, %swap3A_30] : memref<128x1xi32, #tpu.memory_space<vmem>>, vector<128x1xi32>
    tpu.vector_store %arg5[%swap3A_29, %swap3A_30], %max3A_28 {strides = array<i32>} : memref<128x1xi32, #tpu.memory_space<vmem>>, vector<128x1xi32>,
    return
  }
  func.func @transform_0(%arg0: i32) -> (i32, i32) {
    %c0_i32 = arith.constant 0 : i32
    %c0_i32_0 = arith.constant 0 : i32
    return %arg0, %c0_i32 : i32, i32
  }
  func.func @transform_1(%arg0: i32) -> (i32, i32) {
    %c0_i32 = arith.constant 0 : i32
    %c0_i32_0 = arith.constant 0 : i32
    return %arg0, %c0_i32 : i32, i32
  }
  func.func @transform_2(%arg0: i32) -> (i32, i32, i32) {
    %c0_i32 = arith.constant 0 : i32
    %c0_i32_0 = arith.constant 0 : i32
    %c0_i32_1 = arith.constant 0 : i32
    return %arg0, %c0_i32, %c0_i32_0 : i32, i32, i32
  }
  func.func @transform_3(%arg0: i32) -> (i32, i32) {
    %c0_i32 = arith.constant 0 : i32
    %c0_i32_0 = arith.constant 0 : i32
    return %arg0, %c0_i32 : i32, i32
  }
  func.func @transform_4(%arg0: i32) -> (i32, i32) {
    %c0_i32 = arith.constant 0 : i32
    %c0_i32_0 = arith.constant 0 : i32
    return %arg0, %c0_i32 : i32, i32
  }
}

module attributes {stable_mosaic.version = 14 : i64} {
  func.func @_patch_body(%arg0: memref<528384x128xf32, #tpu.memory_space<any>>, %arg1: memref<4096x128xf32, #tpu.memory_space<vmem>>, %arg2: memref<4096xi32, #tpu.memory_space<smem>>, %arg3: memref<528384x128xf32, #tpu.memory_space<any>>, %arg4: memref<!tpu.dma_semaphore, #tpu.memory_space<semaphore_mem>>) attributes {dimension_semantics = [], scalar_prefetch = 0 : i64, scratch_operands = 1 : i64, tpu.core_type = #tpu.core_type<tc>} {
    %scan3A = arith.constant 0 : i32
    %scan3A_0 = arith.constant 4096 : i32
    %scan3A_1 = arith.addi %scan3A, %scan3A_0 : i32
    %scan3A_2 = arith.constant 1 : i32
    scf.for %scan3A_8 = %scan3A to %scan3A_1 step %scan3A_2  : i32 {
      %get3A = arith.index_cast %scan3A_8 : i32 to index
      %get3A_9 = memref.load %arg2[%get3A] : memref<4096xi32, #tpu.memory_space<smem>>
      %add3A = arith.constant 1 : i32
      %add3A_10 = arith.addi %get3A_9, %add3A : i32
      %mul3A = arith.constant 4096 : i32
      %mul3A_11 = arith.muli %add3A_10, %mul3A : i32
      %add3A_12 = arith.addi %mul3A_11, %scan3A_8 : i32
      %dma_start3A = arith.constant 0 : i32
      %dma_start3A_13 = tpu.memref_slice %arg3[%add3A_12, %dma_start3A] : memref<528384x128xf32, #tpu.memory_space<any>> -> memref<1x128xf32, #tpu.memory_space<any>>
      %dma_start3A_14 = arith.constant 0 : i32
      %dma_start3A_15 = tpu.memref_slice %arg1[%scan3A_8, %dma_start3A_14] : memref<4096x128xf32, #tpu.memory_space<vmem>> -> memref<1x128xf32, #tpu.memory_space<vmem>>
      tpu.enqueue_dma source(%dma_start3A_15 : memref<1x128xf32, #tpu.memory_space<vmem>>) target(%dma_start3A_13 : memref<1x128xf32, #tpu.memory_space<any>>) target_semaphore(%arg4 : memref<!tpu.dma_semaphore, #tpu.memory_space<semaphore_mem>>)
    }
    %scan3A_3 = arith.constant 4096 : i32
    %scan3A_4 = arith.constant 0 : i32
    %scan3A_5 = arith.constant 4096 : i32
    %scan3A_6 = arith.addi %scan3A_4, %scan3A_5 : i32
    %scan3A_7 = arith.constant 1 : i32
    scf.for %scan3A_8 = %scan3A_4 to %scan3A_6 step %scan3A_7  : i32 {
      %dma_wait3A = arith.constant 0 : i32
      %dma_wait3A_9 = arith.constant 0 : i32
      %dma_wait3A_10 = tpu.memref_slice %arg3[%dma_wait3A, %dma_wait3A_9] : memref<528384x128xf32, #tpu.memory_space<any>> -> memref<1x128xf32, #tpu.memory_space<any>>
      %dma_wait3A_11 = arith.constant 0 : i32
      %dma_wait3A_12 = arith.constant 0 : i32
      %dma_wait3A_13 = tpu.memref_slice %arg1[%dma_wait3A_11, %dma_wait3A_12] : memref<4096x128xf32, #tpu.memory_space<vmem>> -> memref<1x128xf32, #tpu.memory_space<vmem>>
      tpu.wait_dma2 semaphore(%arg4 : memref<!tpu.dma_semaphore, #tpu.memory_space<semaphore_mem>>) src(%dma_wait3A_13 : memref<1x128xf32, #tpu.memory_space<vmem>>) dst(%dma_wait3A_10 : memref<1x128xf32, #tpu.memory_space<any>>)
    }
    return
  }
}

</mosaic_0001>

<sc_bundles>
// kernel: kernel.5.cloned.1.call-start
scs
__scs_entry_jumppad:
0x0: {  	(pc) =	sbr.rel $0x88, $3  }
0x1: {  	(tag) =	ssettag $0x0;
	lr =	simm.s32 $0x1  }
0x2: {  	[smem:$0x3F9D] =	sst lr;
	_ =	strace $0xD0000000  }
0x3: {  	_ = 	snop  }
0x4: {  	_ = 	snop  }
0x5: {  	_ = 	snop  }
0x6: {  	_ = 	snop  }
0x7: {  	_ = 	snop  }
__scs_overlays_trampoline_lowered:
0x8: {  	[smem:$0x3FAC] =	sst s0  }
0x9: {  	[smem:$0x3FAD] =	sst s1  }
0xa: {  	[smem:$0x3FAE] =	sst s2  }
0xb: {  	[smem:$0x3FAF] =	sst s3  }
0xc: {  	[smem:$0x3FB0] =	sst s4  }
0xd: {  	[smem:$0x3FB1] =	sst s5  }
0xe: {  	[smem:$0x3FB2] =	sst s6  }
0xf: {  	[smem:$0x3FB3] =	sst s7  }
0x10: {  	[smem:$0x3FB4] =	sst s8  }
0x11: {  	[smem:$0x3FB5] =	sst s9;
	s0 =	simm.s32 @!p0 $0x0  }
0x12: {  	s1 =	sld [smem:$0x3F9B];
	s0 =	simm.s32 @p0 $0x1  }
0x13: {  	[smem:$0x3FB6] =	sst s0;
	s0 =	simm.s32 @!p1 $0x0  }
0x14: {  	s2 =	sld [smem:$0x3F9A];
	s0 =	simm.s32 @p1 $0x1  }
0x15: {  	[smem:$0x3FB7] =	sst s0;
	s0 =	simm.s32 @!p2 $0x0  }
0x16: {  	s3 =	sld [smem:$0x3FDB];
	s0 =	simm.s32 @p2 $0x1  }
0x17: {  	s4 =	simm.s32 $0x1BF5;
	[smem:$0x3FB9] =	sst s0  }
0x18: {  	s0 =	sld [smem:$0x3F9C];
	_ =	swait.ge [sflag:s4], $0x0  }
0x19: {  	s7 =	sld [smem:$0x3F9D]  }
0x1a: {  	s8 =	sadd.s32 $0xFFFFE003, lr  }
0x1b: {  	s9 =	sadd.s32 $0xFFFFFEF7, lr;
	s5 =	simm.s32 $0xFFFFFFFF;
	p2 =	slt.u32 s8, $0xFFFFF086  }
0x1c: {  	p1 =	slt.u32 s9, $0xF7A;
	s5 =	simm.s32 @!p2 $0x0  }
0x1d: {  	s5 =	simm.s32 @p1 $0x1;
	p0 =	seq.s32 s7, s2  }
0x1e: {  	s7 =	smul.u32 @!p0 $0xF7A, s2;
	p2 =	seq.s32 @!p0 s5, $0x0  }
0x1f: {  	s9 =	smul.u32 $0xF7A, s1;
	s8 =	simm.s32 @!p0 $0x1BF5;
	p2 =	por !p2, p0  }
0x20: {  	[sflag:s8] =	ssyncset.s32 @!p0 $0xFFFFF086;
	s6 =	sadd.s32 @!p0 s3, s7;
	s7 =	simm.s32 @!p0 $0x108  }
0x21: {  	s3 =	sadd.s32 s3, s9;
	s6 =	sadd.s32 @!p0 $0x88, s6;
	s7 =	simm.s32 @p2 $0x1082  }
0x22: {  	[simem:s7], [sflag:s8] =	dma.local @!p0 [hbm:s6], $0xF7A  }
0x23: {  	s9 =	sor.u32 $0xD0000000, s2;
	s6 =	simm.s32 $0x108;
	_ =	swait.ge @!p0 [sflag:s8], $0x0  }
0x24: {  	s3 =	sadd.s32 $0x88, s3;
	s6 =	simm.s32 @!p1 $0x1082;
	[sflag:s4] =	ssyncset.s32 $0xFFFFF086  }
0x25: {  	[simem:s6], [sflag:s4] =	dma.local [hbm:s3], $0xF7A  }
0x26: {  	[smem:$0x3F9D] =	sst s1;
	(tag) =	ssettag s2;
	_ =	strace s9  }
0x27: {  	s1 =	sld [smem:$0x3FAD]  }
0x28: {  	s2 =	sld [smem:$0x3FAE]  }
0x29: {  	s4 =	sld [smem:$0x3FB0]  }
0x2a: {  	p0 =	seq.s32 s5, $0x0;
	s5 =	sld [smem:$0x3FB1]  }
0x2b: {  	s6 =	sld [smem:$0x3FB2]  }
0x2c: {  	s7 =	sld [smem:$0x3FB3]  }
0x2d: {  	s3 =	simm.s32 $0x108;
	s8 =	sld [smem:$0x3FB4]  }
0x2e: {  	s3 =	simm.s32 @!p0 $0x1082;
	s9 =	sld [smem:$0x3FB5]  }
0x2f: {  	lr =	sadd.s32 s0, s3;
	s0 =	sld [smem:$0x3FAC]  }
0x30: {  	s3 =	sld [smem:$0x3FAF]  }
0x31: {  	[smem:$0x3FB8] =	sst s10  }
0x32: {  	s10 =	sld [smem:$0x3FB6];
	_ =	sdelay $0x3  }
0x33: {  	p0 =	seq.s32 s10, $0x1;
	s10 =	sld [smem:$0x3FB8];
	_ =	sdelay $0x3  }
0x34: {  	[smem:$0x3FB8] =	sst s10  }
0x35: {  	s10 =	sld [smem:$0x3FB7];
	_ =	sdelay $0x3  }
0x36: {  	p1 =	seq.s32 s10, $0x1;
	s10 =	sld [smem:$0x3FB8];
	_ =	sdelay $0x3  }
0x37: {  	[smem:$0x3FB8] =	sst s10  }
0x38: {  	s10 =	sld [smem:$0x3FB9]  }
0x39: {  	_ = 	snop;
	(pc) =	sbr.ind lr, $3  }
0x3a: {  	_ = 	snop  }
0x3b: {  	_ = 	snop  }
0x3c: {  	p2 =	seq.s32 s10, $0x1;
	s10 =	sld [smem:$0x3FB8]  }
0x3d: {  	_ =	shalt  }
0x3e: {  	_ =	shalt  }
0x3f: {  	_ =	shalt  }
0x40: {  	_ =	shalt  }
0x41: {  	_ =	shalt  }
0x42: {  	_ =	shalt  }
0x43: {  	_ =	shalt  }
0x44: {  	_ =	shalt  }
0x45: {  	_ =	shalt  }
0x46: {  	_ =	shalt  }
0x47: {  	_ =	shalt  }
0x48: {  	_ =	shalt  }
0x49: {  	_ =	shalt  }
0x4a: {  	_ =	shalt  }
0x4b: {  	_ =	shalt  }
0x4c: {  	_ =	shalt  }
0x4d: {  	_ =	shalt  }
0x4e: {  	_ =	shalt  }
0x4f: {  	_ =	shalt  }
0x50: {  	_ =	shalt  }
0x51: {  	_ =	shalt  }
0x52: {  	_ =	shalt  }
0x53: {  	_ =	shalt  }
0x54: {  	_ =	shalt  }
0x55: {  	_ =	shalt  }
0x56: {  	_ =	shalt  }
0x57: {  	_ =	shalt  }
0x58: {  	_ =	shalt  }
0x59: {  	_ =	shalt  }
0x5a: {  	_ =	shalt  }
0x5b: {  	_ =	shalt  }
0x5c: {  	_ =	shalt  }
0x5d: {  	_ =	shalt  }
0x5e: {  	_ =	shalt  }
0x5f: {  	_ =	shalt  }
0x60: {  	_ =	shalt  }
0x61: {  	_ =	shalt  }
0x62: {  	_ =	shalt  }
0x63: {  	_ =	shalt  }
0x64: {  	_ =	shalt  }
0x65: {  	_ =	shalt  }
0x66: {  	_ =	shalt  }
0x67: {  	_ =	shalt  }
0x68: {  	_ =	shalt  }
0x69: {  	_ =	shalt  }
0x6a: {  	_ =	shalt  }
0x6b: {  	_ =	shalt  }
0x6c: {  	_ =	shalt  }
0x6d: {  	_ =	shalt  }
0x6e: {  	_ =	shalt  }
0x6f: {  	_ =	shalt  }
0x70: {  	_ =	shalt  }
0x71: {  	_ =	shalt  }
0x72: {  	_ =	shalt  }
0x73: {  	_ =	shalt  }
0x74: {  	_ =	shalt  }
0x75: {  	_ =	shalt  }
0x76: {  	_ =	shalt  }
0x77: {  	_ =	shalt  }
0x78: {  	_ =	shalt  }
0x79: {  	_ =	shalt  }
0x7a: {  	_ =	shalt  }
0x7b: {  	_ =	shalt  }
0x7c: {  	_ =	shalt  }
0x7d: {  	_ =	shalt  }
0x7e: {  	_ =	shalt  }
0x7f: {  	_ =	shalt  }
0x80: {  	_ =	shalt  }
0x81: {  	_ =	shalt  }
0x82: {  	_ =	shalt  }
0x83: {  	_ =	shalt  }
0x84: {  	_ =	shalt  }
0x85: {  	_ =	shalt  }
0x86: {  	_ =	shalt  }
0x87: {  	_ =	shalt  }
.Lfunc_end0:
.L_simem_size_0:
called_computation_lowered:
.L_overlay_start_0:
0x88: {  	s2 =	sld [smem:$0x3FD9]  }
0x89: {  	s3 =	sld [smem:$0x3FFE];
	_ =	sdelay $0x1  }
0x8a: {  	s1 =	srdreg.scid  }
0x8b: {  	s0 =	sand.u32 $0x1, s1  }
0x8c: {  	s15 =	sshll.u32 s0, $0xA;
	s2 =	sadd.s32 s3, s2  }
0x8d: {  	s2 =	sadd.s32 s2, s15  }
0x8e: {  	[smem:$0x3FC4] =	sst s2  }
0x8f: {  	_ = 	snop  }
0x90: {  	s2 =	sld [smem:$0x3FD0];
	_ =	sdelay $0x2  }
0x91: {  	s4 =	simm.s32 $0xA;
	s5 =	simm.s32 $0x10;
	s16 =	sld [smem:$0x3FC9]  }
0x92: {  	[smem:s5], [sflag:s4] =	dma.local [hbm:s2], $0x1  }
0x93: {  	_ =	swait.eq [sflag:s4], $0x1  }
0x94: {  	[sflag:s4] =	ssyncset.done $0x0  }
0x95: {  	[sflag:s4] =	ssyncadd.s32 $0xFFFFFFFF  }
0x96: {  	s17 =	sld [smem:$0x10];
	(tm) =	ssettm $0x1  }
0x97: {  	s18 =	sld [smem:$0x3FFB];
	_ =	sdelay $0x3  }
0x98: {  	_ =	strace s18  }
0x99: {  	s4 =	sld [smem:$0x3FFC];
	_ =	sdelay $0x3  }
0x9a: {  	_ =	strace s4  }
0x9b: {  	s4 =	sld [smem:$0x3FFD];
	_ =	sdelay $0x3  }
0x9c: {  	_ =	strace s4  }
0x9d: {  	_ =	strace $0x8FFFFFFF  }
0x9e: {  	s19 =	sld [smem:$0x3FDB];
	_ =	sdelay $0x1  }
0x9f: {  	s20 =	simm.s32 $_scs_section_size  }
0xa0: {  	s6 =	simm.s32 $_size__tile_overlayer_lowered;
	s7 =	simm.s32 $_tile_overlayer_lowered  }
0xa1: {  	s23 =	simm.s32 $0x1BFF;
	s22 =	sshll.u32 s7, $0x1;
	s4 =	sadd.s32 s20, s19  }
0xa2: {  	s8 =	simm.s32 $0x0;
	s21 =	sshll.u32 s6, $0x1;
	s6 =	sadd.s32 s22, s4  }
0xa3: {  	[timem:s8], [sflag:s23] =	dma.local [hbm:s6], s21  }
0xa4: {  	_ =	swait.ge [sflag:s23], s21  }
0xa5: {  	s5 =	ssub.s32 $0x0, s21;
	[sflag:s23] =	ssyncset.done $0x0  }
0xa6: {  	[sflag:s23] =	ssyncadd.s32 s5;
	_ =	sdelay $0x1  }
0xa7: {  	s24 =	simm.s32 $0x1B8B  }
0xa8: {  	_ =	swait.ge [sflag:s24], $0x1  }
0xa9: {  	[sflag:s24] =	ssyncset.done $0x0  }
0xaa: {  	s25 =	simm.s32 $0x1B8E;
	[sflag:s24] =	ssyncadd.s32 $0xFFFFFFFF  }
0xab: {  	s26 =	simm.s32 $execute0_lowered;
	[smem:$0x3FD2] =	sst s25  }
0xac: {  	s5 =	sshll.u32 s26, $0x1;
	_ =	strace $0x80000046;
	[dreg:$0x1] =	wrdreg $0xFFFFFFFF  }
0xad: {  	s28 =	simm.s32 $_size_execute0_lowered;
	s4 =	sadd.s32 s4, s5;
	[dreg:$0x0] =	wrdreg $0x0  }
0xae: {  	s5 =	sshll.u32 s28, $0x1;
	[dreg:$0x2] =	wrdreg s4  }
0xaf: {  	[dreg:$0x3] =	wrdreg s5  }
0xb0: {  	[dreg:$0x4] =	wrdreg $0xC0  }
0xb1: {  	_ =	task [dreg:s8], $0x5FFFF  }
0xb2: {  	[dreg:$0x1] =	wrdreg $0xFFFFFFFF  }
0xb3: {  	[dreg:$0x0] =	wrdreg $0x60  }
0xb4: {  	[dreg:$0x2] =	wrdreg s16  }
0xb5: {  	[dreg:$0x3] =	wrdreg s17  }
0xb6: {  	[dreg:$0x4] =	wrdreg $0x9  }
0xb7: {  	_ =	task.clear_ibuf [dreg:s8], $0x5FFFF;
	_ =	strace $0x90000046  }
0xb8: {  	s29 =	simm.s32 $0x9;
	_ =	strace $0x80000048  }
0xb9: {  	_ =	swait.ge [sflag:s29], $0x1  }
0xba: {  	[sflag:s29] =	ssyncadd.s32 $0xFFFFFFFF  }
0xbb: {  	_ =	strace $0x90000048  }
0xbc: {  	_ =	sfence  }
0xbd: {  	s30 =	sld [smem:$0x0];
	_ =	sdelay $0x2  }
0xbe: {  	s31 =	sshll.u32 s1, $0xD;
	s1 =	sshrl.u32 s1, $0x2  }
0xbf: {  	s3 =	sand.u32 $0x4000, s31;
	s1 =	sadd.s32 s1, s30  }
0xc0: {  	s0 =	sor.u32 s3, s0;
	s1 =	sshll.u32 s1, $0x11  }
0xc1: {  	s0 =	sor.u32 s1, s0  }
0xc2: {  	s0 =	sadd.s32 $0x8F2B, s0  }
0xc3: {  	[sflag:s0] =	ssyncadd.remote.s32 $0x1  }
0xc4: {  	_ =	sfence.sel $0xFFFF  }
0xc5: {  	[dreg:$0x0] =	wrdreg $0xFFFFFFFF;
	(pc) =	sbr.abs _section_cstart, $3  }
0xc6: {  	[dreg:$0x1] =	wrdreg $0xFFFFFFFF  }
0xc7: {  	_ =	task.clear_ibuf [dreg:s8], $0x2FFFF;
	_ =	strace $0x9FFFFFFF  }
0xc8: {  	(tm) =	ssettm $0x7FFFFFFF  }
0xc9: {  	_ =	shalt  }
tec
execute0_lowered:
.L_overlay_start_1:
0x0: {  	(tag) =	ssettag $0x1  }
0x1: {  	s0 =	srdreg.scid;
	s1 =	stileid.u32  }
0x2: {  	s5 =	sand.u32 $0x1, s0;
	s23 =	sshll.u32 s1, $0x1  }
0x3: {  	s0 =	sor.u32 s5, s23  }
0x4: {  	s2 =	simm.s32 $0x0;
	s1 =	rddreg [dreg:$0x0];
	s6 =	smul.u32 $0x40800, s0  }
0x5: {  	[smem:$0x7FF] =	sst s2;
	s0 =	smul.u32 $0x204000, s0  }
0x6: {  	s3 =	rddreg [dreg:$0x1];
	_ =	strace $0x80000047;
	s7 =	sadd.s32 s1, s6  }
0x7: {  	s4 =	sshrl.u32 s0, $0x3;
	s24 =	sadd.s32 s3, s6;
	[dreg:$0x3] =	wrdreg s7  }
0x8: {  	s25 =	sadd.s32 $0x1580, s4;
	[dreg:$0x4] =	wrdreg s24  }
0x9: {  	s26 =	sadd.s32 s1, s25;
	s0 =	rddreg [dreg:$0x3]  }
0xa: {  	s7 =	sadd.s32 $0x2B00, s4;
	s6 =	sadd.s32 s3, s25;
	[dreg:$0x5] =	wrdreg s26  }
0xb: {  	s8 =	sadd.s32 s1, s7;
	[dreg:$0x6] =	wrdreg s6  }
0xc: {  	s10 =	sadd.s32 $0x4080, s4;
	s9 =	sadd.s32 s3, s7;
	[dreg:$0x7] =	wrdreg s8  }
0xd: {  	s11 =	sadd.s32 s1, s10;
	[dreg:$0x8] =	wrdreg s9  }
0xe: {  	s13 =	sadd.s32 $0x5600, s4;
	s12 =	sadd.s32 s3, s10;
	[dreg:$0x9] =	wrdreg s11  }
0xf: {  	s14 =	sadd.s32 s1, s13;
	[dreg:$0xa] =	wrdreg s12  }
0x10: {  	s16 =	sadd.s32 $0x6B80, s4;
	s15 =	sadd.s32 s3, s13;
	[dreg:$0xb] =	wrdreg s14  }
0x11: {  	s17 =	sadd.s32 s1, s16;
	[dreg:$0xc] =	wrdreg s15  }
0x12: {  	s19 =	sadd.s32 $0x8100, s4;
	s18 =	sadd.s32 s3, s16;
	[dreg:$0xd] =	wrdreg s17  }
0x13: {  	s20 =	sadd.s32 s1, s19;
	[dreg:$0xe] =	wrdreg s18  }
0x14: {  	s22 =	sadd.s32 $0x9680, s4;
	s21 =	sadd.s32 s3, s19;
	[dreg:$0xf] =	wrdreg s20  }
0x15: {  	s23 =	sadd.s32 s1, s22;
	[dreg:$0x10] =	wrdreg s21  }
0x16: {  	s24 =	sadd.s32 s3, s22;
	s25 =	sadd.s32 $0xAC00, s4;
	[dreg:$0x11] =	wrdreg s23  }
0x17: {  	[dreg:$0x12] =	wrdreg s24;
	s26 =	sadd.s32 s1, s25  }
0x18: {  	s7 =	sadd.s32 $0xC180, s4;
	s6 =	sadd.s32 s3, s25;
	[dreg:$0x13] =	wrdreg s26  }
0x19: {  	s8 =	sadd.s32 s1, s7;
	[dreg:$0x14] =	wrdreg s6  }
0x1a: {  	s10 =	sadd.s32 $0xD700, s4;
	s9 =	sadd.s32 s3, s7;
	[dreg:$0x15] =	wrdreg s8  }
0x1b: {  	s11 =	sadd.s32 s1, s10;
	[dreg:$0x16] =	wrdreg s9  }
0x1c: {  	s13 =	sadd.s32 $0xEC80, s4;
	s12 =	sadd.s32 s3, s10;
	[dreg:$0x17] =	wrdreg s11  }
0x1d: {  	s14 =	sadd.s32 s1, s13;
	[dreg:$0x18] =	wrdreg s12  }
0x1e: {  	s16 =	sadd.s32 $0x10200, s4;
	s15 =	sadd.s32 s3, s13;
	[dreg:$0x19] =	wrdreg s14  }
0x1f: {  	s17 =	sadd.s32 s1, s16;
	[dreg:$0x1a] =	wrdreg s15  }
0x20: {  	s19 =	sadd.s32 $0x11780, s4;
	s18 =	sadd.s32 s3, s16;
	[dreg:$0x1b] =	wrdreg s17  }
0x21: {  	s20 =	sadd.s32 s1, s19;
	[dreg:$0x1c] =	wrdreg s18  }
0x22: {  	s22 =	sadd.s32 $0x12D00, s4;
	s21 =	sadd.s32 s3, s19;
	[dreg:$0x1d] =	wrdreg s20  }
0x23: {  	s23 =	sadd.s32 s1, s22;
	[dreg:$0x1e] =	wrdreg s21  }
0x24: {  	s24 =	sadd.s32 s3, s22;
	s25 =	sadd.s32 $0x14280, s4;
	[dreg:$0x1f] =	wrdreg s23  }
0x25: {  	[smem:$0x7D2] =	sst s24;
	s26 =	sadd.s32 s1, s25  }
0x26: {  	s7 =	sadd.s32 $0x15800, s4;
	s6 =	sadd.s32 s3, s25;
	[smem:$0x7D3] =	sst s26  }
0x27: {  	s8 =	sadd.s32 s1, s7;
	[smem:$0x7D4] =	sst s6  }
0x28: {  	s10 =	sadd.s32 $0x16D80, s4;
	s9 =	sadd.s32 s3, s7;
	[smem:$0x7D5] =	sst s8  }
0x29: {  	s11 =	sadd.s32 s1, s10;
	[smem:$0x7D6] =	sst s9  }
0x2a: {  	s13 =	sadd.s32 $0x18300, s4;
	s12 =	sadd.s32 s3, s10;
	[smem:$0x7D7] =	sst s11  }
0x2b: {  	s14 =	sadd.s32 s1, s13;
	[smem:$0x7D8] =	sst s12  }
0x2c: {  	s16 =	sadd.s32 $0x19880, s4;
	s15 =	sadd.s32 s3, s13;
	[smem:$0x7D9] =	sst s14  }
0x2d: {  	s17 =	sadd.s32 s1, s16;
	[smem:$0x7DA] =	sst s15  }
0x2e: {  	s19 =	sadd.s32 $0x1AE00, s4;
	s18 =	sadd.s32 s3, s16;
	[smem:$0x7DB] =	sst s17  }
0x2f: {  	s20 =	sadd.s32 s1, s19;
	[smem:$0x7DC] =	sst s18  }
0x30: {  	s22 =	sadd.s32 $0x1C380, s4;
	s21 =	sadd.s32 s3, s19;
	[smem:$0x7DD] =	sst s20  }
0x31: {  	s23 =	sadd.s32 s1, s22;
	[smem:$0x7DE] =	sst s21  }
0x32: {  	s24 =	sadd.s32 s3, s22;
	s25 =	sadd.s32 $0x1D900, s4;
	[smem:$0x7DF] =	sst s23  }
0x33: {  	[smem:$0x7E0] =	sst s24;
	s26 =	sadd.s32 s1, s25  }
0x34: {  	s7 =	sadd.s32 s3, s25;
	s8 =	sadd.s32 $0x1EE80, s4;
	[smem:$0x7E1] =	sst s26  }
0x35: {  	[smem:$0x7E2] =	sst s7;
	s9 =	sadd.s32 s1, s8  }
0x36: {  	s11 =	sadd.s32 $0x20400, s4;
	s10 =	sadd.s32 s3, s8;
	[smem:$0x7E3] =	sst s9  }
0x37: {  	s12 =	sadd.s32 s1, s11;
	[smem:$0x7E4] =	sst s10  }
0x38: {  	s14 =	sadd.s32 $0x21980, s4;
	s13 =	sadd.s32 s3, s11;
	[smem:$0x7E5] =	sst s12  }
0x39: {  	s15 =	sadd.s32 s1, s14;
	[smem:$0x7E6] =	sst s13  }
0x3a: {  	s17 =	sadd.s32 $0x22F00, s4;
	s16 =	sadd.s32 s3, s14;
	[smem:$0x7E7] =	sst s15  }
0x3b: {  	s18 =	sadd.s32 s1, s17;
	[smem:$0x7E8] =	sst s16  }
0x3c: {  	s20 =	sadd.s32 $0x24480, s4;
	s19 =	sadd.s32 s3, s17;
	[smem:$0x7E9] =	sst s18  }
0x3d: {  	s21 =	sadd.s32 s1, s20;
	[smem:$0x7EA] =	sst s19  }
0x3e: {  	s23 =	sadd.s32 $0x25A00, s4;
	s22 =	sadd.s32 s3, s20;
	[smem:$0x7EB] =	sst s21  }
0x3f: {  	s24 =	sadd.s32 s1, s23;
	[smem:$0x7EC] =	sst s22  }
0x40: {  	s25 =	sadd.s32 s3, s23;
	s26 =	sadd.s32 $0x26F80, s4;
	[smem:$0x7ED] =	sst s24  }
0x41: {  	[smem:$0x7EE] =	sst s25;
	s7 =	sadd.s32 s1, s26  }
0x42: {  	s8 =	sadd.s32 s3, s26;
	s9 =	sadd.s32 $0x28500, s4;
	[smem:$0x7EF] =	sst s7  }
0x43: {  	[smem:$0x7F0] =	sst s8;
	s10 =	sadd.s32 s1, s9  }
0x44: {  	s12 =	sadd.s32 $0x29A80, s4;
	s11 =	sadd.s32 s3, s9;
	[smem:$0x7F1] =	sst s10  }
0x45: {  	p0 =	por $0x0, $0x0;
	s13 =	sadd.s32 s1, s12;
	[smem:$0x7F2] =	sst s11  }
0x46: {  	s15 =	sadd.s32 $0x2B000, s4;
	s14 =	sadd.s32 s3, s12;
	[smem:$0x7F3] =	sst s13  }
0x47: {  	s5 =	ssub.s32 $0x2, s5;
	s16 =	sadd.s32 s1, s15;
	[smem:$0x7F4] =	sst s14  }
0x48: {  	s18 =	sadd.s32 $0x2C580, s4;
	s17 =	sadd.s32 s3, s15;
	[smem:$0x7F5] =	sst s16  }
0x49: {  	s21 =	sadd.s32 $0x2DB00, s4;
	s19 =	sadd.s32 s1, s18;
	[smem:$0x7F6] =	sst s17  }
0x4a: {  	s24 =	sadd.s32 $0x2F080, s4;
	s20 =	sadd.s32 s3, s18;
	[smem:$0x7F7] =	sst s19  }
0x4b: {  	s25 =	sshrl.u32 s5, $0x1;
	s22 =	sadd.s32 s1, s21;
	[smem:$0x7F8] =	sst s20  }
0x4c: {  	s23 =	sadd.s32 s3, s21;
	s26 =	sadd.s32 s1, s24;
	[smem:$0x7F9] =	sst s22  }
0x4d: {  	s6 =	sadd.s32 s3, s24;
	s8 =	sadd.s32 $0x30600, s4;
	[smem:$0x7FA] =	sst s23  }
0x4e: {  	s5 =	ssub.s32 s5, s25;
	s12 =	sadd.s32 $0x34680, s4;
	[smem:$0x7FB] =	sst s26  }
0x4f: {  	s15 =	sadd.s32 $0x38700, s4;
	s7 =	sadd.s32 $0x3C780, s4;
	[smem:$0x7FC] =	sst s6  }
0x50: {  	s9 =	sadd.s32 s1, s8;
	s31 =	sadd.s32 s3, s8;
	s10 =	sadd.s32 $0x31B80, s4  }
0x51: {  	s11 =	sadd.s32 $0x33100, s4;
	s25 =	sadd.s32 s1, s12;
	s24 =	sadd.s32 s3, s12  }
0x52: {  	s13 =	sadd.s32 $0x35C00, s4;
	s14 =	sadd.s32 $0x37180, s4;
	s19 =	sadd.s32 s1, s15  }
0x53: {  	s18 =	sadd.s32 s3, s15;
	s16 =	sadd.s32 $0x39C80, s4;
	s6 =	sadd.s32 $0x3B200, s4  }
0x54: {  	s12 =	sadd.s32 s1, s7;
	s8 =	sadd.s32 $0x3DD00, s4;
	[smem:$0x7FD] =	sst s9  }
0x55: {  	s30 =	sadd.s32 s1, s10;
	s29 =	sadd.s32 s3, s10;
	s28 =	sadd.s32 s1, s11  }
0x56: {  	s26 =	sadd.s32 s3, s11;
	s23 =	sadd.s32 s1, s13;
	s22 =	sadd.s32 s3, s13  }
0x57: {  	s21 =	sadd.s32 s1, s14;
	s20 =	sadd.s32 s3, s14;
	s13 =	smax.u32 s5, $0x1  }
0x58: {  	s17 =	sadd.s32 s1, s16;
	s16 =	sadd.s32 s3, s16;
	p1 =	sne.s32 s13, $0x1  }
.Ltmp0:
0x59: {  	s15 =	sadd.s32 s1, s6;
	s14 =	sadd.s32 s3, s6;
	(pc) =	sbr.rel @!p1 .LBB2_3-.Ltmp0, $4  }
0x5a: {  	s11 =	sadd.s32 s3, s7;
	s9 =	sadd.s32 s1, s8;
	s6 =	sadd.s32 s3, s8  }
0x5b: {  	s10 =	sadd.s32 $0x3F280, s4;
	s8 =	simm.s32 $0xAC00;
	s7 =	simm.s32 $0x3  }
0x5c: {  	s5 =	simm.s32 $0x4;
	s4 =	sadd.s32 s1, s10;
	s3 =	sadd.s32 s3, s10  }
0x5d: {  	s1 =	sadd.s32 $0xFFFFFFFF, s13;
	s13 =	simm.s32 $0x1;
	s10 =	simm.s32 $0x2  }
0x5e: {  	[tilespmem:s2], [sflag:$0x1] =	stream.linear.gather [hbm4b:s0+s2], $0xAC00, $0x38;
	[tilespmem:$0x15800] =	vst v63  }
0x5f: {  	_ =	swait.ge [sflag:s13], $0xAC00  }
0x60: {  	s0 =	rddreg [dreg:$0x4];
	[sflag:s13] =	ssyncset.done $0x0  }
0x61: {  	[smem:$0x7D1] =	sst s1;
	[sflag:s13] =	ssyncadd.s32 $0xFFFF5400  }
0x62: {  	[hbm4b:s0+s2] =	stream.linear.scatter [tilespmem:s2], [sflag:$0x3], $0xAC00, $0x38;
	[tilespmem:$0x15800] =	vst v63  }
0x63: {  	s1 =	rddreg [dreg:$0x5]  }
0x64: {  	[tilespmem:s8], [sflag:$0x2] =	stream.linear.gather [hbm4b:s1+s2], $0xAC00, $0x38;
	[tilespmem:$0x15800] =	vst v63  }
0x65: {  	_ =	swait.ge [sflag:s10], $0xAC00  }
0x66: {  	[sflag:s10] =	ssyncset.done $0x0  }
0x67: {  	s1 =	rddreg [dreg:$0x6];
	[sflag:s10] =	ssyncadd.s32 $0xFFFF5400  }
0x68: {  	[hbm4b:s1+s2] =	stream.linear.scatter [tilespmem:s8], [sflag:$0x4], $0xAC00, $0x38;
	[tilespmem:$0x15800] =	vst v63  }
0x69: {  	_ =	swait.ge [sflag:s7], $0xAC00  }
0x6a: {  	[sflag:s7] =	ssyncset.done $0x0  }
0x6b: {  	s1 =	rddreg [dreg:$0x7];
	[sflag:s7] =	ssyncadd.s32 $0xFFFF5400  }
0x6c: {  	[tilespmem:s2], [sflag:$0x1] =	stream.linear.gather [hbm4b:s1+s2], $0xAC00, $0x38;
	[tilespmem:$0x15800] =	vst v63  }
0x6d: {  	_ =	swait.ge [sflag:s13], $0xAC00  }
0x6e: {  	[sflag:s13] =	ssyncset.done $0x0  }
0x6f: {  	s1 =	rddreg [dreg:$0x8];
	[sflag:s13] =	ssyncadd.s32 $0xFFFF5400  }
0x70: {  	[hbm4b:s1+s2] =	stream.linear.scatter [tilespmem:s2], [sflag:$0x3], $0xAC00, $0x38;
	[tilespmem:$0x15800] =	vst v63  }
0x71: {  	_ =	swait.ge [sflag:s5], $0xAC00  }
0x72: {  	[sflag:s5] =	ssyncset.done $0x0  }
0x73: {  	s1 =	rddreg [dreg:$0x9];
	[sflag:s5] =	ssyncadd.s32 $0xFFFF5400  }
0x74: {  	[tilespmem:s8], [sflag:$0x2] =	stream.linear.gather [hbm4b:s1+s2], $0xAC00, $0x38;
	[tilespmem:$0x15800] =	vst v63  }
0x75: {  	_ =	swait.ge [sflag:s10], $0xAC00  }
0x76: {  	[sflag:s10] =	ssyncset.done $0x0  }
0x77: {  	s1 =	rddreg [dreg:$0xa];
	[sflag:s10] =	ssyncadd.s32 $0xFFFF5400  }
0x78: {  	[hbm4b:s1+s2] =	stream.linear.scatter [tilespmem:s8], [sflag:$0x4], $0xAC00, $0x38;
	[tilespmem:$0x15800] =	vst v63  }
0x79: {  	_ =	swait.ge [sflag:s7], $0xAC00  }
0x7a: {  	[sflag:s7] =	ssyncset.done $0x0  }
0x7b: {  	s1 =	rddreg [dreg:$0xb];
	[sflag:s7] =	ssyncadd.s32 $0xFFFF5400  }
0x7c: {  	[tilespmem:s2], [sflag:$0x1] =	stream.linear.gather [hbm4b:s1+s2], $0xAC00, $0x38;
	[tilespmem:$0x15800] =	vst v63  }
0x7d: {  	_ =	swait.ge [sflag:s13], $0xAC00  }
0x7e: {  	[sflag:s13] =	ssyncset.done $0x0  }
0x7f: {  	s1 =	rddreg [dreg:$0xc];
	[sflag:s13] =	ssyncadd.s32 $0xFFFF5400  }
0x80: {  	[hbm4b:s1+s2] =	stream.linear.scatter [tilespmem:s2], [sflag:$0x3], $0xAC00, $0x38;
	[tilespmem:$0x15800] =	vst v63  }
0x81: {  	_ =	swait.ge [sflag:s5], $0xAC00  }
0x82: {  	[sflag:s5] =	ssyncset.done $0x0  }
0x83: {  	s1 =	rddreg [dreg:$0xd];
	[sflag:s5] =	ssyncadd.s32 $0xFFFF5400  }
0x84: {  	[tilespmem:s8], [sflag:$0x2] =	stream.linear.gather [hbm4b:s1+s2], $0xAC00, $0x38;
	[tilespmem:$0x15800] =	vst v63  }
0x85: {  	_ =	swait.ge [sflag:s10], $0xAC00  }
0x86: {  	[sflag:s10] =	ssyncset.done $0x0  }
0x87: {  	s1 =	rddreg [dreg:$0xe];
	[sflag:s10] =	ssyncadd.s32 $0xFFFF5400  }
0x88: {  	[hbm4b:s1+s2] =	stream.linear.scatter [tilespmem:s8], [sflag:$0x4], $0xAC00, $0x38;
	[tilespmem:$0x15800] =	vst v63  }
0x89: {  	_ =	swait.ge [sflag:s7], $0xAC00  }
0x8a: {  	[sflag:s7] =	ssyncset.done $0x0  }
0x8b: {  	s1 =	rddreg [dreg:$0xf];
	[sflag:s7] =	ssyncadd.s32 $0xFFFF5400  }
0x8c: {  	[tilespmem:s2], [sflag:$0x1] =	stream.linear.gather [hbm4b:s1+s2], $0xAC00, $0x38;
	[tilespmem:$0x15800] =	vst v63  }
0x8d: {  	_ =	swait.ge [sflag:s13], $0xAC00  }
0x8e: {  	[sflag:s13] =	ssyncset.done $0x0  }
0x8f: {  	s1 =	rddreg [dreg:$0x10];
	[sflag:s13] =	ssyncadd.s32 $0xFFFF5400  }
0x90: {  	[hbm4b:s1+s2] =	stream.linear.scatter [tilespmem:s2], [sflag:$0x3], $0xAC00, $0x38;
	[tilespmem:$0x15800] =	vst v63  }
0x91: {  	_ =	swait.ge [sflag:s5], $0xAC00  }
0x92: {  	[sflag:s5] =	ssyncset.done $0x0  }
0x93: {  	s1 =	rddreg [dreg:$0x11];
	[sflag:s5] =	ssyncadd.s32 $0xFFFF5400  }
0x94: {  	[tilespmem:s8], [sflag:$0x2] =	stream.linear.gather [hbm4b:s1+s2], $0xAC00, $0x38;
	[tilespmem:$0x15800] =	vst v63  }
0x95: {  	_ =	swait.ge [sflag:s10], $0xAC00  }
0x96: {  	[sflag:s10] =	ssyncset.done $0x0  }
0x97: {  	s1 =	rddreg [dreg:$0x12];
	[sflag:s10] =	ssyncadd.s32 $0xFFFF5400  }
0x98: {  	[hbm4b:s1+s2] =	stream.linear.scatter [tilespmem:s8], [sflag:$0x4], $0xAC00, $0x38;
	[tilespmem:$0x15800] =	vst v63  }
0x99: {  	_ =	swait.ge [sflag:s7], $0xAC00  }
0x9a: {  	[sflag:s7] =	ssyncset.done $0x0  }
0x9b: {  	s1 =	rddreg [dreg:$0x13];
	[sflag:s7] =	ssyncadd.s32 $0xFFFF5400  }
0x9c: {  	[tilespmem:s2], [sflag:$0x1] =	stream.linear.gather [hbm4b:s1+s2], $0xAC00, $0x38;
	[tilespmem:$0x15800] =	vst v63  }
0x9d: {  	_ =	swait.ge [sflag:s13], $0xAC00  }
0x9e: {  	[sflag:s13] =	ssyncset.done $0x0  }
0x9f: {  	s1 =	rddreg [dreg:$0x14];
	[sflag:s13] =	ssyncadd.s32 $0xFFFF5400  }
0xa0: {  	[hbm4b:s1+s2] =	stream.linear.scatter [tilespmem:s2], [sflag:$0x3], $0xAC00, $0x38;
	[tilespmem:$0x15800] =	vst v63  }
0xa1: {  	_ =	swait.ge [sflag:s5], $0xAC00  }
0xa2: {  	[sflag:s5] =	ssyncset.done $0x0  }
0xa3: {  	s1 =	rddreg [dreg:$0x15];
	[sflag:s5] =	ssyncadd.s32 $0xFFFF5400  }
0xa4: {  	[tilespmem:s8], [sflag:$0x2] =	stream.linear.gather [hbm4b:s1+s2], $0xAC00, $0x38;
	[tilespmem:$0x15800] =	vst v63  }
0xa5: {  	_ =	swait.ge [sflag:s10], $0xAC00  }
0xa6: {  	[sflag:s10] =	ssyncset.done $0x0  }
0xa7: {  	s1 =	rddreg [dreg:$0x16];
	[sflag:s10] =	ssyncadd.s32 $0xFFFF5400  }
0xa8: {  	[hbm4b:s1+s2] =	stream.linear.scatter [tilespmem:s8], [sflag:$0x4], $0xAC00, $0x38;
	[tilespmem:$0x15800] =	vst v63  }
0xa9: {  	_ =	swait.ge [sflag:s7], $0xAC00  }
0xaa: {  	[sflag:s7] =	ssyncset.done $0x0  }
0xab: {  	s1 =	rddreg [dreg:$0x17];
	[sflag:s7] =	ssyncadd.s32 $0xFFFF5400  }
0xac: {  	[tilespmem:s2], [sflag:$0x1] =	stream.linear.gather [hbm4b:s1+s2], $0xAC00, $0x38;
	[tilespmem:$0x15800] =	vst v63  }
0xad: {  	_ =	swait.ge [sflag:s13], $0xAC00  }
0xae: {  	[sflag:s13] =	ssyncset.done $0x0  }
0xaf: {  	s1 =	rddreg [dreg:$0x18];
	[sflag:s13] =	ssyncadd.s32 $0xFFFF5400  }
0xb0: {  	[hbm4b:s1+s2] =	stream.linear.scatter [tilespmem:s2], [sflag:$0x3], $0xAC00, $0x38;
	[tilespmem:$0x15800] =	vst v63  }
0xb1: {  	_ =	swait.ge [sflag:s5], $0xAC00  }
0xb2: {  	[sflag:s5] =	ssyncset.done $0x0  }
0xb3: {  	s1 =	rddreg [dreg:$0x19];
	[sflag:s5] =	ssyncadd.s32 $0xFFFF5400  }
0xb4: {  	[tilespmem:s8], [sflag:$0x2] =	stream.linear.gather [hbm4b:s1+s2], $0xAC00, $0x38;
	[tilespmem:$0x15800] =	vst v63  }
0xb5: {  	_ =	swait.ge [sflag:s10], $0xAC00  }
0xb6: {  	[sflag:s10] =	ssyncset.done $0x0  }
0xb7: {  	s1 =	rddreg [dreg:$0x1a];
	[sflag:s10] =	ssyncadd.s32 $0xFFFF5400  }
0xb8: {  	[hbm4b:s1+s2] =	stream.linear.scatter [tilespmem:s8], [sflag:$0x4], $0xAC00, $0x38;
	[tilespmem:$0x15800] =	vst v63  }
0xb9: {  	_ =	swait.ge [sflag:s7], $0xAC00  }
0xba: {  	[sflag:s7] =	ssyncset.done $0x0  }
0xbb: {  	s1 =	rddreg [dreg:$0x1b];
	[sflag:s7] =	ssyncadd.s32 $0xFFFF5400  }
0xbc: {  	[tilespmem:s2], [sflag:$0x1] =	stream.linear.gather [hbm4b:s1+s2], $0xAC00, $0x38;
	[tilespmem:$0x15800] =	vst v63  }
0xbd: {  	_ =	swait.ge [sflag:s13], $0xAC00  }
0xbe: {  	[sflag:s13] =	ssyncset.done $0x0  }
0xbf: {  	s1 =	rddreg [dreg:$0x1c];
	[sflag:s13] =	ssyncadd.s32 $0xFFFF5400  }
0xc0: {  	[hbm4b:s1+s2] =	stream.linear.scatter [tilespmem:s2], [sflag:$0x3], $0xAC00, $0x38;
	[tilespmem:$0x15800] =	vst v63  }
0xc1: {  	_ =	swait.ge [sflag:s5], $0xAC00  }
0xc2: {  	[sflag:s5] =	ssyncset.done $0x0  }
0xc3: {  	s1 =	rddreg [dreg:$0x1d];
	[sflag:s5] =	ssyncadd.s32 $0xFFFF5400  }
0xc4: {  	[tilespmem:s8], [sflag:$0x2] =	stream.linear.gather [hbm4b:s1+s2], $0xAC00, $0x38;
	[tilespmem:$0x15800] =	vst v63  }
0xc5: {  	_ =	swait.ge [sflag:s10], $0xAC00  }
0xc6: {  	[sflag:s10] =	ssyncset.done $0x0  }
0xc7: {  	s1 =	rddreg [dreg:$0x1e];
	[sflag:s10] =	ssyncadd.s32 $0xFFFF5400  }
0xc8: {  	[hbm4b:s1+s2] =	stream.linear.scatter [tilespmem:s8], [sflag:$0x4], $0xAC00, $0x38;
	[tilespmem:$0x15800] =	vst v63  }
0xc9: {  	_ =	swait.ge [sflag:s7], $0xAC00  }
0xca: {  	[sflag:s7] =	ssyncset.done $0x0  }
0xcb: {  	s1 =	rddreg [dreg:$0x1f];
	[sflag:s7] =	ssyncadd.s32 $0xFFFF5400  }
0xcc: {  	[tilespmem:s2], [sflag:$0x1] =	stream.linear.gather [hbm4b:s1+s2], $0xAC00, $0x38;
	[tilespmem:$0x15800] =	vst v63  }
0xcd: {  	_ =	swait.ge [sflag:s13], $0xAC00  }
0xce: {  	s1 =	sld [smem:$0x7D2]  }
0xcf: {  	[sflag:s13] =	ssyncset.done $0x0  }
0xd0: {  	[sflag:s13] =	ssyncadd.s32 $0xFFFF5400  }
0xd1: {  	[hbm4b:s1+s2] =	stream.linear.scatter [tilespmem:s2], [sflag:$0x3], $0xAC00, $0x38;
	[tilespmem:$0x15800] =	vst v63  }
0xd2: {  	_ =	swait.ge [sflag:s5], $0xAC00  }
0xd3: {  	s1 =	sld [smem:$0x7D3]  }
0xd4: {  	[sflag:s5] =	ssyncset.done $0x0  }
0xd5: {  	[sflag:s5] =	ssyncadd.s32 $0xFFFF5400  }
0xd6: {  	[tilespmem:s8], [sflag:$0x2] =	stream.linear.gather [hbm4b:s1+s2], $0xAC00, $0x38;
	[tilespmem:$0x15800] =	vst v63  }
0xd7: {  	_ =	swait.ge [sflag:s10], $0xAC00  }
0xd8: {  	s1 =	sld [smem:$0x7D4]  }
0xd9: {  	[sflag:s10] =	ssyncset.done $0x0  }
0xda: {  	[sflag:s10] =	ssyncadd.s32 $0xFFFF5400  }
0xdb: {  	[hbm4b:s1+s2] =	stream.linear.scatter [tilespmem:s8], [sflag:$0x4], $0xAC00, $0x38;
	[tilespmem:$0x15800] =	vst v63  }
0xdc: {  	_ =	swait.ge [sflag:s7], $0xAC00  }
0xdd: {  	s1 =	sld [smem:$0x7D5]  }
0xde: {  	[sflag:s7] =	ssyncset.done $0x0  }
0xdf: {  	[sflag:s7] =	ssyncadd.s32 $0xFFFF5400  }
0xe0: {  	[tilespmem:s2], [sflag:$0x1] =	stream.linear.gather [hbm4b:s1+s2], $0xAC00, $0x38;
	[tilespmem:$0x15800] =	vst v63  }
0xe1: {  	_ =	swait.ge [sflag:s13], $0xAC00  }
0xe2: {  	s1 =	sld [smem:$0x7D6]  }
0xe3: {  	[sflag:s13] =	ssyncset.done $0x0  }
0xe4: {  	[sflag:s13] =	ssyncadd.s32 $0xFFFF5400  }
0xe5: {  	[hbm4b:s1+s2] =	stream.linear.scatter [tilespmem:s2], [sflag:$0x3], $0xAC00, $0x38;
	[tilespmem:$0x15800] =	vst v63  }
0xe6: {  	_ =	swait.ge [sflag:s5], $0xAC00  }
0xe7: {  	s1 =	sld [smem:$0x7D7]  }
0xe8: {  	[sflag:s5] =	ssyncset.done $0x0  }
0xe9: {  	[sflag:s5] =	ssyncadd.s32 $0xFFFF5400  }
0xea: {  	[tilespmem:s8], [sflag:$0x2] =	stream.linear.gather [hbm4b:s1+s2], $0xAC00, $0x38;
	[tilespmem:$0x15800] =	vst v63  }
0xeb: {  	_ =	swait.ge [sflag:s10], $0xAC00  }
0xec: {  	s1 =	sld [smem:$0x7D8]  }
0xed: {  	[sflag:s10] =	ssyncset.done $0x0  }
0xee: {  	[sflag:s10] =	ssyncadd.s32 $0xFFFF5400  }
0xef: {  	[hbm4b:s1+s2] =	stream.linear.scatter [tilespmem:s8], [sflag:$0x4], $0xAC00, $0x38;
	[tilespmem:$0x15800] =	vst v63  }
0xf0: {  	_ =	swait.ge [sflag:s7], $0xAC00  }
0xf1: {  	s1 =	sld [smem:$0x7D9]  }
0xf2: {  	[sflag:s7] =	ssyncset.done $0x0  }
0xf3: {  	[sflag:s7] =	ssyncadd.s32 $0xFFFF5400  }
0xf4: {  	[tilespmem:s2], [sflag:$0x1] =	stream.linear.gather [hbm4b:s1+s2], $0xAC00, $0x38;
	[tilespmem:$0x15800] =	vst v63  }
0xf5: {  	_ =	swait.ge [sflag:s13], $0xAC00  }
0xf6: {  	s1 =	sld [smem:$0x7DA]  }
0xf7: {  	[sflag:s13] =	ssyncset.done $0x0  }
0xf8: {  	[sflag:s13] =	ssyncadd.s32 $0xFFFF5400  }
0xf9: {  	[hbm4b:s1+s2] =	stream.linear.scatter [tilespmem:s2], [sflag:$0x3], $0xAC00, $0x38;
	[tilespmem:$0x15800] =	vst v63  }
0xfa: {  	_ =	swait.ge [sflag:s5], $0xAC00  }
0xfb: {  	s1 =	sld [smem:$0x7DB]  }
0xfc: {  	[sflag:s5] =	ssyncset.done $0x0  }
0xfd: {  	[sflag:s5] =	ssyncadd.s32 $0xFFFF5400  }
0xfe: {  	[tilespmem:s8], [sflag:$0x2] =	stream.linear.gather [hbm4b:s1+s2], $0xAC00, $0x38;
	[tilespmem:$0x15800] =	vst v63  }
0xff: {  	_ =	swait.ge [sflag:s10], $0xAC00  }
0x100: {  	s1 =	sld [smem:$0x7DC]  }
0x101: {  	[sflag:s10] =	ssyncset.done $0x0  }
0x102: {  	[sflag:s10] =	ssyncadd.s32 $0xFFFF5400  }
0x103: {  	[hbm4b:s1+s2] =	stream.linear.scatter [tilespmem:s8], [sflag:$0x4], $0xAC00, $0x38;
	[tilespmem:$0x15800] =	vst v63  }
0x104: {  	_ =	swait.ge [sflag:s7], $0xAC00  }
0x105: {  	s1 =	sld [smem:$0x7DD]  }
0x106: {  	[sflag:s7] =	ssyncset.done $0x0  }
0x107: {  	[sflag:s7] =	ssyncadd.s32 $0xFFFF5400  }
0x108: {  	[tilespmem:s2], [sflag:$0x1] =	stream.linear.gather [hbm4b:s1+s2], $0xAC00, $0x38;
	[tilespmem:$0x15800] =	vst v63  }
0x109: {  	_ =	swait.ge [sflag:s13], $0xAC00  }
0x10a: {  	s1 =	sld [smem:$0x7DE]  }
0x10b: {  	[sflag:s13] =	ssyncset.done $0x0  }
0x10c: {  	[sflag:s13] =	ssyncadd.s32 $0xFFFF5400  }
0x10d: {  	[hbm4b:s1+s2] =	stream.linear.scatter [tilespmem:s2], [sflag:$0x3], $0xAC00, $0x38;
	[tilespmem:$0x15800] =	vst v63  }
0x10e: {  	_ =	swait.ge [sflag:s5], $0xAC00  }
0x10f: {  	s1 =	sld [smem:$0x7DF]  }
0x110: {  	[sflag:s5] =	ssyncset.done $0x0  }
0x111: {  	[sflag:s5] =	ssyncadd.s32 $0xFFFF5400  }
0x112: {  	[tilespmem:s8], [sflag:$0x2] =	stream.linear.gather [hbm4b:s1+s2], $0xAC00, $0x38;
	[tilespmem:$0x15800] =	vst v63  }
0x113: {  	_ =	swait.ge [sflag:s10], $0xAC00  }
0x114: {  	s1 =	sld [smem:$0x7E0]  }
0x115: {  	[sflag:s10] =	ssyncset.done $0x0  }
0x116: {  	[sflag:s10] =	ssyncadd.s32 $0xFFFF5400  }
0x117: {  	[hbm4b:s1+s2] =	stream.linear.scatter [tilespmem:s8], [sflag:$0x4], $0xAC00, $0x38;
	[tilespmem:$0x15800] =	vst v63  }
0x118: {  	_ =	swait.ge [sflag:s7], $0xAC00  }
0x119: {  	s1 =	sld [smem:$0x7E1]  }
0x11a: {  	[sflag:s7] =	ssyncset.done $0x0  }
0x11b: {  	[sflag:s7] =	ssyncadd.s32 $0xFFFF5400  }
0x11c: {  	[tilespmem:s2], [sflag:$0x1] =	stream.linear.gather [hbm4b:s1+s2], $0xAC00, $0x38;
	[tilespmem:$0x15800] =	vst v63  }
0x11d: {  	_ =	swait.ge [sflag:s13], $0xAC00  }
0x11e: {  	s1 =	sld [smem:$0x7E2]  }
0x11f: {  	[sflag:s13] =	ssyncset.done $0x0  }
0x120: {  	[sflag:s13] =	ssyncadd.s32 $0xFFFF5400  }
0x121: {  	[hbm4b:s1+s2] =	stream.linear.scatter [tilespmem:s2], [sflag:$0x3], $0xAC00, $0x38;
	[tilespmem:$0x15800] =	vst v63  }
0x122: {  	_ =	swait.ge [sflag:s5], $0xAC00  }
0x123: {  	s1 =	sld [smem:$0x7E3]  }
0x124: {  	[sflag:s5] =	ssyncset.done $0x0  }
0x125: {  	[sflag:s5] =	ssyncadd.s32 $0xFFFF5400  }
0x126: {  	[tilespmem:s8], [sflag:$0x2] =	stream.linear.gather [hbm4b:s1+s2], $0xAC00, $0x38;
	[tilespmem:$0x15800] =	vst v63  }
0x127: {  	_ =	swait.ge [sflag:s10], $0xAC00  }
0x128: {  	s1 =	sld [smem:$0x7E4]  }
0x129: {  	[sflag:s10] =	ssyncset.done $0x0  }
0x12a: {  	[sflag:s10] =	ssyncadd.s32 $0xFFFF5400  }
0x12b: {  	[hbm4b:s1+s2] =	stream.linear.scatter [tilespmem:s8], [sflag:$0x4], $0xAC00, $0x38;
	[tilespmem:$0x15800] =	vst v63  }
0x12c: {  	_ =	swait.ge [sflag:s7], $0xAC00  }
0x12d: {  	s1 =	sld [smem:$0x7E5]  }
0x12e: {  	[sflag:s7] =	ssyncset.done $0x0  }
0x12f: {  	[sflag:s7] =	ssyncadd.s32 $0xFFFF5400  }
0x130: {  	[tilespmem:s2], [sflag:$0x1] =	stream.linear.gather [hbm4b:s1+s2], $0xAC00, $0x38;
	[tilespmem:$0x15800] =	vst v63  }
0x131: {  	_ =	swait.ge [sflag:s13], $0xAC00  }
0x132: {  	s1 =	sld [smem:$0x7E6]  }
0x133: {  	[sflag:s13] =	ssyncset.done $0x0  }
0x134: {  	[sflag:s13] =	ssyncadd.s32 $0xFFFF5400  }
0x135: {  	[hbm4b:s1+s2] =	stream.linear.scatter [tilespmem:s2], [sflag:$0x3], $0xAC00, $0x38;
	[tilespmem:$0x15800] =	vst v63  }
0x136: {  	_ =	swait.ge [sflag:s5], $0xAC00  }
0x137: {  	s1 =	sld [smem:$0x7E7]  }
0x138: {  	[sflag:s5] =	ssyncset.done $0x0  }
0x139: {  	[sflag:s5] =	ssyncadd.s32 $0xFFFF5400  }
0x13a: {  	[tilespmem:s8], [sflag:$0x2] =	stream.linear.gather [hbm4b:s1+s2], $0xAC00, $0x38;
	[tilespmem:$0x15800] =	vst v63  }
0x13b: {  	_ =	swait.ge [sflag:s10], $0xAC00  }
0x13c: {  	s1 =	sld [smem:$0x7E8]  }
0x13d: {  	[sflag:s10] =	ssyncset.done $0x0  }
0x13e: {  	[sflag:s10] =	ssyncadd.s32 $0xFFFF5400  }
0x13f: {  	[hbm4b:s1+s2] =	stream.linear.scatter [tilespmem:s8], [sflag:$0x4], $0xAC00, $0x38;
	[tilespmem:$0x15800] =	vst v63  }
0x140: {  	_ =	swait.ge [sflag:s7], $0xAC00  }
0x141: {  	s1 =	sld [smem:$0x7E9]  }
0x142: {  	[sflag:s7] =	ssyncset.done $0x0  }
0x143: {  	[sflag:s7] =	ssyncadd.s32 $0xFFFF5400  }
0x144: {  	[tilespmem:s2], [sflag:$0x1] =	stream.linear.gather [hbm4b:s1+s2], $0xAC00, $0x38;
	[tilespmem:$0x15800] =	vst v63  }
0x145: {  	_ =	swait.ge [sflag:s13], $0xAC00  }
0x146: {  	s1 =	sld [smem:$0x7EA]  }
0x147: {  	[sflag:s13] =	ssyncset.done $0x0  }
0x148: {  	[sflag:s13] =	ssyncadd.s32 $0xFFFF5400  }
0x149: {  	[hbm4b:s1+s2] =	stream.linear.scatter [tilespmem:s2], [sflag:$0x3], $0xAC00, $0x38;
	[tilespmem:$0x15800] =	vst v63  }
0x14a: {  	_ =	swait.ge [sflag:s5], $0xAC00  }
0x14b: {  	s1 =	sld [smem:$0x7EB]  }
0x14c: {  	[sflag:s5] =	ssyncset.done $0x0  }
0x14d: {  	[sflag:s5] =	ssyncadd.s32 $0xFFFF5400  }
0x14e: {  	[tilespmem:s8], [sflag:$0x2] =	stream.linear.gather [hbm4b:s1+s2], $0xAC00, $0x38;
	[tilespmem:$0x15800] =	vst v63  }
0x14f: {  	_ =	swait.ge [sflag:s10], $0xAC00  }
0x150: {  	s1 =	sld [smem:$0x7EC]  }
0x151: {  	[sflag:s10] =	ssyncset.done $0x0  }
0x152: {  	[sflag:s10] =	ssyncadd.s32 $0xFFFF5400  }
0x153: {  	[hbm4b:s1+s2] =	stream.linear.scatter [tilespmem:s8], [sflag:$0x4], $0xAC00, $0x38;
	[tilespmem:$0x15800] =	vst v63  }
0x154: {  	_ =	swait.ge [sflag:s7], $0xAC00  }
0x155: {  	s1 =	sld [smem:$0x7ED]  }
0x156: {  	[sflag:s7] =	ssyncset.done $0x0  }
0x157: {  	[sflag:s7] =	ssyncadd.s32 $0xFFFF5400  }
0x158: {  	[tilespmem:s2], [sflag:$0x1] =	stream.linear.gather [hbm4b:s1+s2], $0xAC00, $0x38;
	[tilespmem:$0x15800] =	vst v63  }
0x159: {  	_ =	swait.ge [sflag:s13], $0xAC00  }
0x15a: {  	s1 =	sld [smem:$0x7EE]  }
0x15b: {  	[sflag:s13] =	ssyncset.done $0x0  }
0x15c: {  	[sflag:s13] =	ssyncadd.s32 $0xFFFF5400  }
0x15d: {  	[hbm4b:s1+s2] =	stream.linear.scatter [tilespmem:s2], [sflag:$0x3], $0xAC00, $0x38;
	[tilespmem:$0x15800] =	vst v63  }
0x15e: {  	_ =	swait.ge [sflag:s5], $0xAC00  }
0x15f: {  	s1 =	sld [smem:$0x7EF]  }
0x160: {  	[sflag:s5] =	ssyncset.done $0x0  }
0x161: {  	[sflag:s5] =	ssyncadd.s32 $0xFFFF5400  }
0x162: {  	[tilespmem:s8], [sflag:$0x2] =	stream.linear.gather [hbm4b:s1+s2], $0xAC00, $0x38;
	[tilespmem:$0x15800] =	vst v63  }
0x163: {  	_ =	swait.ge [sflag:s10], $0xAC00  }
0x164: {  	s1 =	sld [smem:$0x7F0]  }
0x165: {  	[sflag:s10] =	ssyncset.done $0x0  }
0x166: {  	[sflag:s10] =	ssyncadd.s32 $0xFFFF5400  }
0x167: {  	[hbm4b:s1+s2] =	stream.linear.scatter [tilespmem:s8], [sflag:$0x4], $0xAC00, $0x38;
	[tilespmem:$0x15800] =	vst v63  }
0x168: {  	_ =	swait.ge [sflag:s7], $0xAC00  }
0x169: {  	s1 =	sld [smem:$0x7F1]  }
0x16a: {  	[sflag:s7] =	ssyncset.done $0x0  }
0x16b: {  	[sflag:s7] =	ssyncadd.s32 $0xFFFF5400  }
0x16c: {  	[tilespmem:s2], [sflag:$0x1] =	stream.linear.gather [hbm4b:s1+s2], $0xAC00, $0x38;
	[tilespmem:$0x15800] =	vst v63  }
0x16d: {  	_ =	swait.ge [sflag:s13], $0xAC00  }
0x16e: {  	s1 =	sld [smem:$0x7F2]  }
0x16f: {  	[sflag:s13] =	ssyncset.done $0x0  }
0x170: {  	[sflag:s13] =	ssyncadd.s32 $0xFFFF5400  }
0x171: {  	[hbm4b:s1+s2] =	stream.linear.scatter [tilespmem:s2], [sflag:$0x3], $0xAC00, $0x38;
	[tilespmem:$0x15800] =	vst v63  }
0x172: {  	_ =	swait.ge [sflag:s5], $0xAC00  }
0x173: {  	s1 =	sld [smem:$0x7F3]  }
0x174: {  	[sflag:s5] =	ssyncset.done $0x0  }
0x175: {  	[sflag:s5] =	ssyncadd.s32 $0xFFFF5400  }
0x176: {  	[tilespmem:s8], [sflag:$0x2] =	stream.linear.gather [hbm4b:s1+s2], $0xAC00, $0x38;
	[tilespmem:$0x15800] =	vst v63  }
0x177: {  	_ =	swait.ge [sflag:s10], $0xAC00  }
0x178: {  	s1 =	sld [smem:$0x7F4]  }
0x179: {  	[sflag:s10] =	ssyncset.done $0x0  }
0x17a: {  	[sflag:s10] =	ssyncadd.s32 $0xFFFF5400  }
0x17b: {  	[hbm4b:s1+s2] =	stream.linear.scatter [tilespmem:s8], [sflag:$0x4], $0xAC00, $0x38;
	[tilespmem:$0x15800] =	vst v63  }
0x17c: {  	_ =	swait.ge [sflag:s7], $0xAC00  }
0x17d: {  	s1 =	sld [smem:$0x7F5]  }
0x17e: {  	[sflag:s7] =	ssyncset.done $0x0  }
0x17f: {  	[sflag:s7] =	ssyncadd.s32 $0xFFFF5400  }
0x180: {  	[tilespmem:s2], [sflag:$0x1] =	stream.linear.gather [hbm4b:s1+s2], $0xAC00, $0x38;
	[tilespmem:$0x15800] =	vst v63  }
0x181: {  	_ =	swait.ge [sflag:s13], $0xAC00  }
0x182: {  	s1 =	sld [smem:$0x7F6]  }
0x183: {  	[sflag:s13] =	ssyncset.done $0x0  }
0x184: {  	[sflag:s13] =	ssyncadd.s32 $0xFFFF5400  }
0x185: {  	[hbm4b:s1+s2] =	stream.linear.scatter [tilespmem:s2], [sflag:$0x3], $0xAC00, $0x38;
	[tilespmem:$0x15800] =	vst v63  }
0x186: {  	_ =	swait.ge [sflag:s5], $0xAC00  }
0x187: {  	s1 =	sld [smem:$0x7F7]  }
0x188: {  	[sflag:s5] =	ssyncset.done $0x0  }
0x189: {  	[sflag:s5] =	ssyncadd.s32 $0xFFFF5400  }
0x18a: {  	[tilespmem:s8], [sflag:$0x2] =	stream.linear.gather [hbm4b:s1+s2], $0xAC00, $0x38;
	[tilespmem:$0x15800] =	vst v63  }
0x18b: {  	_ =	swait.ge [sflag:s10], $0xAC00  }
0x18c: {  	s1 =	sld [smem:$0x7F8]  }
0x18d: {  	[sflag:s10] =	ssyncset.done $0x0  }
0x18e: {  	[sflag:s10] =	ssyncadd.s32 $0xFFFF5400  }
0x18f: {  	[hbm4b:s1+s2] =	stream.linear.scatter [tilespmem:s8], [sflag:$0x4], $0xAC00, $0x38;
	[tilespmem:$0x15800] =	vst v63  }
0x190: {  	_ =	swait.ge [sflag:s7], $0xAC00  }
0x191: {  	s1 =	sld [smem:$0x7F9]  }
0x192: {  	[sflag:s7] =	ssyncset.done $0x0  }
0x193: {  	[sflag:s7] =	ssyncadd.s32 $0xFFFF5400  }
0x194: {  	[tilespmem:s2], [sflag:$0x1] =	stream.linear.gather [hbm4b:s1+s2], $0xAC00, $0x38;
	[tilespmem:$0x15800] =	vst v63  }
0x195: {  	_ =	swait.ge [sflag:s13], $0xAC00  }
0x196: {  	s1 =	sld [smem:$0x7FA]  }
0x197: {  	[sflag:s13] =	ssyncset.done $0x0  }
0x198: {  	[sflag:s13] =	ssyncadd.s32 $0xFFFF5400  }
0x199: {  	[hbm4b:s1+s2] =	stream.linear.scatter [tilespmem:s2], [sflag:$0x3], $0xAC00, $0x38;
	[tilespmem:$0x15800] =	vst v63  }
0x19a: {  	_ =	swait.ge [sflag:s5], $0xAC00  }
0x19b: {  	s1 =	sld [smem:$0x7FB]  }
0x19c: {  	[sflag:s5] =	ssyncset.done $0x0  }
0x19d: {  	[sflag:s5] =	ssyncadd.s32 $0xFFFF5400  }
0x19e: {  	[tilespmem:s8], [sflag:$0x2] =	stream.linear.gather [hbm4b:s1+s2], $0xAC00, $0x38;
	[tilespmem:$0x15800] =	vst v63  }
0x19f: {  	_ =	swait.ge [sflag:s10], $0xAC00  }
0x1a0: {  	s1 =	sld [smem:$0x7FC]  }
0x1a1: {  	[sflag:s10] =	ssyncset.done $0x0  }
0x1a2: {  	[sflag:s10] =	ssyncadd.s32 $0xFFFF5400  }
0x1a3: {  	[hbm4b:s1+s2] =	stream.linear.scatter [tilespmem:s8], [sflag:$0x4], $0xAC00, $0x38;
	[tilespmem:$0x15800] =	vst v63  }
0x1a4: {  	_ =	swait.ge [sflag:s7], $0xAC00  }
0x1a5: {  	s1 =	sld [smem:$0x7FD]  }
0x1a6: {  	[sflag:s7] =	ssyncset.done $0x0  }
0x1a7: {  	[sflag:s7] =	ssyncadd.s32 $0xFFFF5400  }
0x1a8: {  	[tilespmem:s2], [sflag:$0x1] =	stream.linear.gather [hbm4b:s1+s2], $0xAC00, $0x38;
	[tilespmem:$0x15800] =	vst v63  }
0x1a9: {  	_ =	swait.ge [sflag:s13], $0xAC00  }
0x1aa: {  	[sflag:s13] =	ssyncset.done $0x0  }
0x1ab: {  	[sflag:s13] =	ssyncadd.s32 $0xFFFF5400  }
0x1ac: {  	[hbm4b:s31+s2] =	stream.linear.scatter [tilespmem:s2], [sflag:$0x3], $0xAC00, $0x38;
	[tilespmem:$0x15800] =	vst v63  }
0x1ad: {  	_ =	swait.ge [sflag:s5], $0xAC00  }
0x1ae: {  	[sflag:s5] =	ssyncset.done $0x0  }
0x1af: {  	[sflag:s5] =	ssyncadd.s32 $0xFFFF5400  }
0x1b0: {  	[tilespmem:s8], [sflag:$0x2] =	stream.linear.gather [hbm4b:s30+s2], $0xAC00, $0x38;
	[tilespmem:$0x15800] =	vst v63  }
0x1b1: {  	_ =	swait.ge [sflag:s10], $0xAC00  }
0x1b2: {  	[sflag:s10] =	ssyncset.done $0x0  }
0x1b3: {  	[sflag:s10] =	ssyncadd.s32 $0xFFFF5400  }
0x1b4: {  	[hbm4b:s29+s2] =	stream.linear.scatter [tilespmem:s8], [sflag:$0x4], $0xAC00, $0x38;
	[tilespmem:$0x15800] =	vst v63  }
0x1b5: {  	_ =	swait.ge [sflag:s7], $0xAC00  }
0x1b6: {  	[sflag:s7] =	ssyncset.done $0x0  }
0x1b7: {  	[sflag:s7] =	ssyncadd.s32 $0xFFFF5400  }
0x1b8: {  	[tilespmem:s2], [sflag:$0x1] =	stream.linear.gather [hbm4b:s28+s2], $0xAC00, $0x38;
	[tilespmem:$0x15800] =	vst v63  }
0x1b9: {  	_ =	swait.ge [sflag:s13], $0xAC00  }
0x1ba: {  	[sflag:s13] =	ssyncset.done $0x0  }
0x1bb: {  	[sflag:s13] =	ssyncadd.s32 $0xFFFF5400  }
0x1bc: {  	[hbm4b:s26+s2] =	stream.linear.scatter [tilespmem:s2], [sflag:$0x3], $0xAC00, $0x38;
	[tilespmem:$0x15800] =	vst v63  }
0x1bd: {  	_ =	swait.ge [sflag:s5], $0xAC00  }
0x1be: {  	[sflag:s5] =	ssyncset.done $0x0  }
0x1bf: {  	[sflag:s5] =	ssyncadd.s32 $0xFFFF5400  }
0x1c0: {  	[tilespmem:s8], [sflag:$0x2] =	stream.linear.gather [hbm4b:s25+s2], $0xAC00, $0x38;
	[tilespmem:$0x15800] =	vst v63  }
0x1c1: {  	_ =	swait.ge [sflag:s10], $0xAC00  }
0x1c2: {  	[sflag:s10] =	ssyncset.done $0x0  }
0x1c3: {  	[sflag:s10] =	ssyncadd.s32 $0xFFFF5400  }
0x1c4: {  	[hbm4b:s24+s2] =	stream.linear.scatter [tilespmem:s8], [sflag:$0x4], $0xAC00, $0x38;
	[tilespmem:$0x15800] =	vst v63  }
0x1c5: {  	_ =	swait.ge [sflag:s7], $0xAC00  }
0x1c6: {  	[sflag:s7] =	ssyncset.done $0x0  }
0x1c7: {  	[sflag:s7] =	ssyncadd.s32 $0xFFFF5400  }
0x1c8: {  	[tilespmem:s2], [sflag:$0x1] =	stream.linear.gather [hbm4b:s23+s2], $0xAC00, $0x38;
	[tilespmem:$0x15800] =	vst v63  }
0x1c9: {  	_ =	swait.ge [sflag:s13], $0xAC00  }
0x1ca: {  	[sflag:s13] =	ssyncset.done $0x0  }
0x1cb: {  	[sflag:s13] =	ssyncadd.s32 $0xFFFF5400  }
0x1cc: {  	[hbm4b:s22+s2] =	stream.linear.scatter [tilespmem:s2], [sflag:$0x3], $0xAC00, $0x38;
	[tilespmem:$0x15800] =	vst v63  }
0x1cd: {  	_ =	swait.ge [sflag:s5], $0xAC00  }
0x1ce: {  	[sflag:s5] =	ssyncset.done $0x0  }
0x1cf: {  	[sflag:s5] =	ssyncadd.s32 $0xFFFF5400  }
0x1d0: {  	[tilespmem:s8], [sflag:$0x2] =	stream.linear.gather [hbm4b:s21+s2], $0xAC00, $0x38;
	[tilespmem:$0x15800] =	vst v63  }
0x1d1: {  	_ =	swait.ge [sflag:s10], $0xAC00  }
0x1d2: {  	[sflag:s10] =	ssyncset.done $0x0  }
0x1d3: {  	[sflag:s10] =	ssyncadd.s32 $0xFFFF5400  }
0x1d4: {  	[hbm4b:s20+s2] =	stream.linear.scatter [tilespmem:s8], [sflag:$0x4], $0xAC00, $0x38;
	[tilespmem:$0x15800] =	vst v63  }
0x1d5: {  	_ =	swait.ge [sflag:s7], $0xAC00  }
0x1d6: {  	[sflag:s7] =	ssyncset.done $0x0  }
0x1d7: {  	[sflag:s7] =	ssyncadd.s32 $0xFFFF5400  }
0x1d8: {  	[tilespmem:s2], [sflag:$0x1] =	stream.linear.gather [hbm4b:s19+s2], $0xAC00, $0x38;
	[tilespmem:$0x15800] =	vst v63  }
0x1d9: {  	_ =	swait.ge [sflag:s13], $0xAC00  }
0x1da: {  	[sflag:s13] =	ssyncset.done $0x0  }
0x1db: {  	[sflag:s13] =	ssyncadd.s32 $0xFFFF5400  }
0x1dc: {  	[hbm4b:s18+s2] =	stream.linear.scatter [tilespmem:s2], [sflag:$0x3], $0xAC00, $0x38;
	[tilespmem:$0x15800] =	vst v63  }
0x1dd: {  	_ =	swait.ge [sflag:s5], $0xAC00  }
0x1de: {  	[sflag:s5] =	ssyncset.done $0x0  }
0x1df: {  	[sflag:s5] =	ssyncadd.s32 $0xFFFF5400  }
0x1e0: {  	[tilespmem:s8], [sflag:$0x2] =	stream.linear.gather [hbm4b:s17+s2], $0xAC00, $0x38;
	[tilespmem:$0x15800] =	vst v63  }
0x1e1: {  	_ =	swait.ge [sflag:s10], $0xAC00  }
0x1e2: {  	[sflag:s10] =	ssyncset.done $0x0  }
0x1e3: {  	[sflag:s10] =	ssyncadd.s32 $0xFFFF5400  }
0x1e4: {  	[hbm4b:s16+s2] =	stream.linear.scatter [tilespmem:s8], [sflag:$0x4], $0xAC00, $0x38;
	[tilespmem:$0x15800] =	vst v63  }
0x1e5: {  	_ =	swait.ge [sflag:s7], $0xAC00  }
0x1e6: {  	[sflag:s7] =	ssyncset.done $0x0  }
0x1e7: {  	[sflag:s7] =	ssyncadd.s32 $0xFFFF5400  }
0x1e8: {  	[tilespmem:s2], [sflag:$0x1] =	stream.linear.gather [hbm4b:s15+s2], $0xAC00, $0x38;
	[tilespmem:$0x15800] =	vst v63  }
0x1e9: {  	_ =	swait.ge [sflag:s13], $0xAC00  }
0x1ea: {  	[sflag:s13] =	ssyncset.done $0x0  }
0x1eb: {  	[sflag:s13] =	ssyncadd.s32 $0xFFFF5400  }
0x1ec: {  	[hbm4b:s14+s2] =	stream.linear.scatter [tilespmem:s2], [sflag:$0x3], $0xAC00, $0x38;
	[tilespmem:$0x15800] =	vst v63  }
0x1ed: {  	_ =	swait.ge [sflag:s5], $0xAC00  }
0x1ee: {  	[sflag:s5] =	ssyncset.done $0x0  }
0x1ef: {  	[sflag:s5] =	ssyncadd.s32 $0xFFFF5400  }
0x1f0: {  	[tilespmem:s8], [sflag:$0x2] =	stream.linear.gather [hbm4b:s12+s2], $0xAC00, $0x38;
	[tilespmem:$0x15800] =	vst v63  }
0x1f1: {  	_ =	swait.ge [sflag:s10], $0xAC00  }
0x1f2: {  	[sflag:s10] =	ssyncset.done $0x0  }
0x1f3: {  	[sflag:s10] =	ssyncadd.s32 $0xFFFF5400  }
0x1f4: {  	[hbm4b:s11+s2] =	stream.linear.scatter [tilespmem:s8], [sflag:$0x4], $0xAC00, $0x38;
	[tilespmem:$0x15800] =	vst v63  }
0x1f5: {  	_ =	swait.ge [sflag:s7], $0xAC00  }
0x1f6: {  	[sflag:s7] =	ssyncset.done $0x0  }
0x1f7: {  	[sflag:s7] =	ssyncadd.s32 $0xFFFF5400  }
0x1f8: {  	[tilespmem:s2], [sflag:$0x1] =	stream.linear.gather [hbm4b:s9+s2], $0xAC00, $0x38;
	[tilespmem:$0x15800] =	vst v63  }
0x1f9: {  	_ =	swait.ge [sflag:s13], $0xAC00  }
0x1fa: {  	[sflag:s13] =	ssyncset.done $0x0  }
0x1fb: {  	[sflag:s13] =	ssyncadd.s32 $0xFFFF5400  }
0x1fc: {  	[hbm4b:s6+s2] =	stream.linear.scatter [tilespmem:s2], [sflag:$0x3], $0xAC00, $0x38;
	[tilespmem:$0x15800] =	vst v63  }
0x1fd: {  	_ =	swait.ge [sflag:s5], $0xAC00  }
0x1fe: {  	[sflag:s5] =	ssyncset.done $0x0  }
0x1ff: {  	[sflag:s5] =	ssyncadd.s32 $0xFFFF5400  }
0x200: {  	[tilespmem:s8], [sflag:$0x2] =	stream.linear.gather [hbm4b:s4+s2], $0xAC00, $0x38;
	[tilespmem:$0x15800] =	vst v63  }
0x201: {  	_ =	swait.ge [sflag:s10], $0xAC00  }
0x202: {  	[sflag:s10] =	ssyncset.done $0x0  }
0x203: {  	[sflag:s10] =	ssyncadd.s32 $0xFFFF5400  }
0x204: {  	[hbm4b:s3+s2] =	stream.linear.scatter [tilespmem:s8], [sflag:$0x4], $0xAC00, $0x38;
	[tilespmem:$0x15800] =	vst v63  }
0x205: {  	_ =	swait.ge [sflag:s7], $0xAC00  }
0x206: {  	s1 =	sld [smem:$0x7D1];
	_ =	sdelay $0x2  }
0x207: {  	p1 =	sne.s32 s1, $0x1  }
.Ltmp1:
0x208: {  	_ = 	snop;
	(pc) =	sbr.rel @!p1 .LBB2_3-.Ltmp1, $4  }
0x209: {  	[sflag:s7] =	ssyncset.done $0x0  }
0x20a: {  	[sflag:s7] =	ssyncadd.s32 $0xFFFF5400  }
0x20b: {  	p0 =	por $0x1, $0x1;
	_ =	swait.ge [sflag:s5], $0xAC00  }
0x20c: {  	s1 =	sadd.s32 $0xFFFFFFFF, s1;
	s0 =	rddreg [dreg:$0x3];
	[sflag:s5] =	ssyncset.done $0x0  }
.LBB2_2:
0x20d: {  	p1 =	sne.s32 s1, $0x1;
	s8 =	sadd.s32 $0xFFFFFFFF, s1  }
0x20e: {  	[sflag:s5] =	ssyncadd.s32 $0xFFFF5400;
	s5 =	simm.s32 $0xAC00;
	s1 =	smov.u32 s31  }
0x20f: {  	s31 =	smov.u32 s30;
	s30 =	smov.u32 s29;
	s29 =	smov.u32 s28  }
0x210: {  	s28 =	smov.u32 s26;
	s26 =	smov.u32 s25;
	s25 =	smov.u32 s24  }
0x211: {  	s24 =	smov.u32 s23;
	s23 =	smov.u32 s22;
	s22 =	smov.u32 s21  }
0x212: {  	s21 =	smov.u32 s20;
	s20 =	smov.u32 s19;
	s19 =	smov.u32 s18  }
0x213: {  	s18 =	smov.u32 s17;
	s17 =	smov.u32 s16;
	s16 =	smov.u32 s15  }
0x214: {  	[tilespmem:s2], [sflag:$0x1] =	stream.linear.gather [hbm4b:s0+s2], $0xAC00, $0x38;
	[tilespmem:$0x15800] =	vst v63  }
0x215: {  	s15 =	smov.u32 s14;
	s14 =	smov.u32 s12;
	_ =	swait.ge [sflag:s13], $0xAC00  }
0x216: {  	s12 =	smov.u32 s11;
	s11 =	smov.u32 s9;
	[sflag:s13] =	ssyncset.done $0x0  }
0x217: {  	s9 =	smov.u32 s6;
	s0 =	rddreg [dreg:$0x4];
	[sflag:s13] =	ssyncadd.s32 $0xFFFF5400  }
0x218: {  	[hbm4b:s0+s2] =	stream.linear.scatter [tilespmem:s2], [sflag:$0x3], $0xAC00, $0x38;
	[tilespmem:$0x15800] =	vst v63  }
0x219: {  	s6 =	smov.u32 s4;
	s4 =	smov.u32 s3;
	s3 =	rddreg [dreg:$0x5]  }
0x21a: {  	[tilespmem:s5], [sflag:$0x2] =	stream.linear.gather [hbm4b:s3+s2], $0xAC00, $0x38;
	[tilespmem:$0x15800] =	vst v63  }
0x21b: {  	s3 =	smov.u32 s4;
	s4 =	smov.u32 s6  }
0x21c: {  	s6 =	smov.u32 s9;
	s9 =	smov.u32 s11;
	s11 =	smov.u32 s12  }
0x21d: {  	s12 =	smov.u32 s14;
	s14 =	smov.u32 s15;
	s15 =	smov.u32 s16  }
0x21e: {  	s16 =	smov.u32 s17;
	s17 =	smov.u32 s18;
	s18 =	smov.u32 s19  }
0x21f: {  	s19 =	smov.u32 s20;
	s20 =	smov.u32 s21;
	s21 =	smov.u32 s22  }
0x220: {  	s22 =	smov.u32 s23;
	s23 =	smov.u32 s24;
	s24 =	smov.u32 s25  }
0x221: {  	s25 =	smov.u32 s26;
	s26 =	smov.u32 s28;
	s28 =	smov.u32 s29  }
0x222: {  	s29 =	smov.u32 s30;
	s30 =	smov.u32 s31;
	_ =	swait.ge [sflag:s10], $0xAC00  }
0x223: {  	s31 =	smov.u32 s1;
	s1 =	smov.u32 s8;
	[sflag:s10] =	ssyncset.done $0x0  }
0x224: {  	s8 =	simm.s32 $0xAC00;
	s0 =	rddreg [dreg:$0x6];
	[sflag:s10] =	ssyncadd.s32 $0xFFFF5400  }
0x225: {  	[hbm4b:s0+s2] =	stream.linear.scatter [tilespmem:s8], [sflag:$0x4], $0xAC00, $0x38;
	[tilespmem:$0x15800] =	vst v63  }
0x226: {  	_ =	swait.ge [sflag:s7], $0xAC00  }
0x227: {  	[sflag:s7] =	ssyncset.done $0x0  }
0x228: {  	s0 =	rddreg [dreg:$0x7];
	[sflag:s7] =	ssyncadd.s32 $0xFFFF5400  }
0x229: {  	[tilespmem:s2], [sflag:$0x1] =	stream.linear.gather [hbm4b:s0+s2], $0xAC00, $0x38;
	[tilespmem:$0x15800] =	vst v63  }
0x22a: {  	_ =	swait.ge [sflag:s13], $0xAC00  }
0x22b: {  	[sflag:s13] =	ssyncset.done $0x0  }
0x22c: {  	s5 =	simm.s32 $0x4;
	s0 =	rddreg [dreg:$0x8];
	[sflag:s13] =	ssyncadd.s32 $0xFFFF5400  }
0x22d: {  	[hbm4b:s0+s2] =	stream.linear.scatter [tilespmem:s2], [sflag:$0x3], $0xAC00, $0x38;
	[tilespmem:$0x15800] =	vst v63  }
0x22e: {  	_ =	swait.ge [sflag:s5], $0xAC00  }
0x22f: {  	[sflag:s5] =	ssyncset.done $0x0  }
0x230: {  	s0 =	rddreg [dreg:$0x9];
	[sflag:s5] =	ssyncadd.s32 $0xFFFF5400  }
0x231: {  	[tilespmem:s8], [sflag:$0x2] =	stream.linear.gather [hbm4b:s0+s2], $0xAC00, $0x38;
	[tilespmem:$0x15800] =	vst v63  }
0x232: {  	_ =	swait.ge [sflag:s10], $0xAC00  }
0x233: {  	[sflag:s10] =	ssyncset.done $0x0  }
0x234: {  	s0 =	rddreg [dreg:$0xa];
	[sflag:s10] =	ssyncadd.s32 $0xFFFF5400  }
0x235: {  	[hbm4b:s0+s2] =	stream.linear.scatter [tilespmem:s8], [sflag:$0x4], $0xAC00, $0x38;
	[tilespmem:$0x15800] =	vst v63  }
0x236: {  	_ =	swait.ge [sflag:s7], $0xAC00  }
0x237: {  	[sflag:s7] =	ssyncset.done $0x0  }
0x238: {  	s0 =	rddreg [dreg:$0xb];
	[sflag:s7] =	ssyncadd.s32 $0xFFFF5400  }
0x239: {  	[tilespmem:s2], [sflag:$0x1] =	stream.linear.gather [hbm4b:s0+s2], $0xAC00, $0x38;
	[tilespmem:$0x15800] =	vst v63  }
0x23a: {  	_ =	swait.ge [sflag:s13], $0xAC00  }
0x23b: {  	[sflag:s13] =	ssyncset.done $0x0  }
0x23c: {  	s0 =	rddreg [dreg:$0xc];
	[sflag:s13] =	ssyncadd.s32 $0xFFFF5400  }
0x23d: {  	[hbm4b:s0+s2] =	stream.linear.scatter [tilespmem:s2], [sflag:$0x3], $0xAC00, $0x38;
	[tilespmem:$0x15800] =	vst v63  }
0x23e: {  	_ =	swait.ge [sflag:s5], $0xAC00  }
0x23f: {  	[sflag:s5] =	ssyncset.done $0x0  }
0x240: {  	s0 =	rddreg [dreg:$0xd];
	[sflag:s5] =	ssyncadd.s32 $0xFFFF5400  }
0x241: {  	[tilespmem:s8], [sflag:$0x2] =	stream.linear.gather [hbm4b:s0+s2], $0xAC00, $0x38;
	[tilespmem:$0x15800] =	vst v63  }
0x242: {  	_ =	swait.ge [sflag:s10], $0xAC00  }
0x243: {  	[sflag:s10] =	ssyncset.done $0x0  }
0x244: {  	s0 =	rddreg [dreg:$0xe];
	[sflag:s10] =	ssyncadd.s32 $0xFFFF5400  }
0x245: {  	[hbm4b:s0+s2] =	stream.linear.scatter [tilespmem:s8], [sflag:$0x4], $0xAC00, $0x38;
	[tilespmem:$0x15800] =	vst v63  }
0x246: {  	_ =	swait.ge [sflag:s7], $0xAC00  }
0x247: {  	[sflag:s7] =	ssyncset.done $0x0  }
0x248: {  	s0 =	rddreg [dreg:$0xf];
	[sflag:s7] =	ssyncadd.s32 $0xFFFF5400  }
0x249: {  	[tilespmem:s2], [sflag:$0x1] =	stream.linear.gather [hbm4b:s0+s2], $0xAC00, $0x38;
	[tilespmem:$0x15800] =	vst v63  }
0x24a: {  	_ =	swait.ge [sflag:s13], $0xAC00  }
0x24b: {  	[sflag:s13] =	ssyncset.done $0x0  }
0x24c: {  	s0 =	rddreg [dreg:$0x10];
	[sflag:s13] =	ssyncadd.s32 $0xFFFF5400  }
0x24d: {  	[hbm4b:s0+s2] =	stream.linear.scatter [tilespmem:s2], [sflag:$0x3], $0xAC00, $0x38;
	[tilespmem:$0x15800] =	vst v63  }
0x24e: {  	_ =	swait.ge [sflag:s5], $0xAC00  }
0x24f: {  	[sflag:s5] =	ssyncset.done $0x0  }
0x250: {  	s0 =	rddreg [dreg:$0x11];
	[sflag:s5] =	ssyncadd.s32 $0xFFFF5400  }
0x251: {  	[tilespmem:s8], [sflag:$0x2] =	stream.linear.gather [hbm4b:s0+s2], $0xAC00, $0x38;
	[tilespmem:$0x15800] =	vst v63  }
0x252: {  	_ =	swait.ge [sflag:s10], $0xAC00  }
0x253: {  	[sflag:s10] =	ssyncset.done $0x0  }
0x254: {  	s0 =	rddreg [dreg:$0x12];
	[sflag:s10] =	ssyncadd.s32 $0xFFFF5400  }
0x255: {  	[hbm4b:s0+s2] =	stream.linear.scatter [tilespmem:s8], [sflag:$0x4], $0xAC00, $0x38;
	[tilespmem:$0x15800] =	vst v63  }
0x256: {  	_ =	swait.ge [sflag:s7], $0xAC00  }
0x257: {  	[sflag:s7] =	ssyncset.done $0x0  }
0x258: {  	s0 =	rddreg [dreg:$0x13];
	[sflag:s7] =	ssyncadd.s32 $0xFFFF5400  }
0x259: {  	[tilespmem:s2], [sflag:$0x1] =	stream.linear.gather [hbm4b:s0+s2], $0xAC00, $0x38;
	[tilespmem:$0x15800] =	vst v63  }
0x25a: {  	_ =	swait.ge [sflag:s13], $0xAC00  }
0x25b: {  	[sflag:s13] =	ssyncset.done $0x0  }
0x25c: {  	s0 =	rddreg [dreg:$0x14];
	[sflag:s13] =	ssyncadd.s32 $0xFFFF5400  }
0x25d: {  	[hbm4b:s0+s2] =	stream.linear.scatter [tilespmem:s2], [sflag:$0x3], $0xAC00, $0x38;
	[tilespmem:$0x15800] =	vst v63  }
0x25e: {  	_ =	swait.ge [sflag:s5], $0xAC00  }
0x25f: {  	[sflag:s5] =	ssyncset.done $0x0  }
0x260: {  	s0 =	rddreg [dreg:$0x15];
	[sflag:s5] =	ssyncadd.s32 $0xFFFF5400  }
0x261: {  	[tilespmem:s8], [sflag:$0x2] =	stream.linear.gather [hbm4b:s0+s2], $0xAC00, $0x38;
	[tilespmem:$0x15800] =	vst v63  }
0x262: {  	_ =	swait.ge [sflag:s10], $0xAC00  }
0x263: {  	[sflag:s10] =	ssyncset.done $0x0  }
0x264: {  	s0 =	rddreg [dreg:$0x16];
	[sflag:s10] =	ssyncadd.s32 $0xFFFF5400  }
0x265: {  	[hbm4b:s0+s2] =	stream.linear.scatter [tilespmem:s8], [sflag:$0x4], $0xAC00, $0x38;
	[tilespmem:$0x15800] =	vst v63  }
0x266: {  	_ =	swait.ge [sflag:s7], $0xAC00  }
0x267: {  	[sflag:s7] =	ssyncset.done $0x0  }
0x268: {  	s0 =	rddreg [dreg:$0x17];
	[sflag:s7] =	ssyncadd.s32 $0xFFFF5400  }
0x269: {  	[tilespmem:s2], [sflag:$0x1] =	stream.linear.gather [hbm4b:s0+s2], $0xAC00, $0x38;
	[tilespmem:$0x15800] =	vst v63  }
0x26a: {  	_ =	swait.ge [sflag:s13], $0xAC00  }
0x26b: {  	[sflag:s13] =	ssyncset.done $0x0  }
0x26c: {  	s0 =	rddreg [dreg:$0x18];
	[sflag:s13] =	ssyncadd.s32 $0xFFFF5400  }
0x26d: {  	[hbm4b:s0+s2] =	stream.linear.scatter [tilespmem:s2], [sflag:$0x3], $0xAC00, $0x38;
	[tilespmem:$0x15800] =	vst v63  }
0x26e: {  	_ =	swait.ge [sflag:s5], $0xAC00  }
0x26f: {  	[sflag:s5] =	ssyncset.done $0x0  }
0x270: {  	s0 =	rddreg [dreg:$0x19];
	[sflag:s5] =	ssyncadd.s32 $0xFFFF5400  }
0x271: {  	[tilespmem:s8], [sflag:$0x2] =	stream.linear.gather [hbm4b:s0+s2], $0xAC00, $0x38;
	[tilespmem:$0x15800] =	vst v63  }
0x272: {  	_ =	swait.ge [sflag:s10], $0xAC00  }
0x273: {  	[sflag:s10] =	ssyncset.done $0x0  }
0x274: {  	s0 =	rddreg [dreg:$0x1a];
	[sflag:s10] =	ssyncadd.s32 $0xFFFF5400  }
0x275: {  	[hbm4b:s0+s2] =	stream.linear.scatter [tilespmem:s8], [sflag:$0x4], $0xAC00, $0x38;
	[tilespmem:$0x15800] =	vst v63  }
0x276: {  	_ =	swait.ge [sflag:s7], $0xAC00  }
0x277: {  	[sflag:s7] =	ssyncset.done $0x0  }
0x278: {  	s0 =	rddreg [dreg:$0x1b];
	[sflag:s7] =	ssyncadd.s32 $0xFFFF5400  }
0x279: {  	[tilespmem:s2], [sflag:$0x1] =	stream.linear.gather [hbm4b:s0+s2], $0xAC00, $0x38;
	[tilespmem:$0x15800] =	vst v63  }
0x27a: {  	_ =	swait.ge [sflag:s13], $0xAC00  }
0x27b: {  	[sflag:s13] =	ssyncset.done $0x0  }
0x27c: {  	s0 =	rddreg [dreg:$0x1c];
	[sflag:s13] =	ssyncadd.s32 $0xFFFF5400  }
0x27d: {  	[hbm4b:s0+s2] =	stream.linear.scatter [tilespmem:s2], [sflag:$0x3], $0xAC00, $0x38;
	[tilespmem:$0x15800] =	vst v63  }
0x27e: {  	_ =	swait.ge [sflag:s5], $0xAC00  }
0x27f: {  	[sflag:s5] =	ssyncset.done $0x0  }
0x280: {  	s0 =	rddreg [dreg:$0x1d];
	[sflag:s5] =	ssyncadd.s32 $0xFFFF5400  }
0x281: {  	[tilespmem:s8], [sflag:$0x2] =	stream.linear.gather [hbm4b:s0+s2], $0xAC00, $0x38;
	[tilespmem:$0x15800] =	vst v63  }
0x282: {  	_ =	swait.ge [sflag:s10], $0xAC00  }
0x283: {  	[sflag:s10] =	ssyncset.done $0x0  }
0x284: {  	s0 =	rddreg [dreg:$0x1e];
	[sflag:s10] =	ssyncadd.s32 $0xFFFF5400  }
0x285: {  	[hbm4b:s0+s2] =	stream.linear.scatter [tilespmem:s8], [sflag:$0x4], $0xAC00, $0x38;
	[tilespmem:$0x15800] =	vst v63  }
0x286: {  	_ =	swait.ge [sflag:s7], $0xAC00  }
0x287: {  	[sflag:s7] =	ssyncset.done $0x0  }
0x288: {  	s0 =	rddreg [dreg:$0x1f];
	[sflag:s7] =	ssyncadd.s32 $0xFFFF5400  }
0x289: {  	[tilespmem:s2], [sflag:$0x1] =	stream.linear.gather [hbm4b:s0+s2], $0xAC00, $0x38;
	[tilespmem:$0x15800] =	vst v63  }
0x28a: {  	_ =	swait.ge [sflag:s13], $0xAC00  }
0x28b: {  	s0 =	sld [smem:$0x7D2]  }
0x28c: {  	[sflag:s13] =	ssyncset.done $0x0  }
0x28d: {  	[sflag:s13] =	ssyncadd.s32 $0xFFFF5400  }
0x28e: {  	[hbm4b:s0+s2] =	stream.linear.scatter [tilespmem:s2], [sflag:$0x3], $0xAC00, $0x38;
	[tilespmem:$0x15800] =	vst v63  }
0x28f: {  	_ =	swait.ge [sflag:s5], $0xAC00  }
0x290: {  	s0 =	sld [smem:$0x7D3]  }
0x291: {  	[sflag:s5] =	ssyncset.done $0x0  }
0x292: {  	[sflag:s5] =	ssyncadd.s32 $0xFFFF5400  }
0x293: {  	[tilespmem:s8], [sflag:$0x2] =	stream.linear.gather [hbm4b:s0+s2], $0xAC00, $0x38;
	[tilespmem:$0x15800] =	vst v63  }
0x294: {  	_ =	swait.ge [sflag:s10], $0xAC00  }
0x295: {  	s0 =	sld [smem:$0x7D4]  }
0x296: {  	[sflag:s10] =	ssyncset.done $0x0  }
0x297: {  	[sflag:s10] =	ssyncadd.s32 $0xFFFF5400  }
0x298: {  	[hbm4b:s0+s2] =	stream.linear.scatter [tilespmem:s8], [sflag:$0x4], $0xAC00, $0x38;
	[tilespmem:$0x15800] =	vst v63  }
0x299: {  	_ =	swait.ge [sflag:s7], $0xAC00  }
0x29a: {  	s0 =	sld [smem:$0x7D5]  }
0x29b: {  	[sflag:s7] =	ssyncset.done $0x0  }
0x29c: {  	[sflag:s7] =	ssyncadd.s32 $0xFFFF5400  }
0x29d: {  	[tilespmem:s2], [sflag:$0x1] =	stream.linear.gather [hbm4b:s0+s2], $0xAC00, $0x38;
	[tilespmem:$0x15800] =	vst v63  }
0x29e: {  	_ =	swait.ge [sflag:s13], $0xAC00  }
0x29f: {  	s0 =	sld [smem:$0x7D6]  }
0x2a0: {  	[sflag:s13] =	ssyncset.done $0x0  }
0x2a1: {  	[sflag:s13] =	ssyncadd.s32 $0xFFFF5400  }
0x2a2: {  	[hbm4b:s0+s2] =	stream.linear.scatter [tilespmem:s2], [sflag:$0x3], $0xAC00, $0x38;
	[tilespmem:$0x15800] =	vst v63  }
0x2a3: {  	_ =	swait.ge [sflag:s5], $0xAC00  }
0x2a4: {  	s0 =	sld [smem:$0x7D7]  }
0x2a5: {  	[sflag:s5] =	ssyncset.done $0x0  }
0x2a6: {  	[sflag:s5] =	ssyncadd.s32 $0xFFFF5400  }
0x2a7: {  	[tilespmem:s8], [sflag:$0x2] =	stream.linear.gather [hbm4b:s0+s2], $0xAC00, $0x38;
	[tilespmem:$0x15800] =	vst v63  }
0x2a8: {  	_ =	swait.ge [sflag:s10], $0xAC00  }
0x2a9: {  	s0 =	sld [smem:$0x7D8]  }
0x2aa: {  	[sflag:s10] =	ssyncset.done $0x0  }
0x2ab: {  	[sflag:s10] =	ssyncadd.s32 $0xFFFF5400  }
0x2ac: {  	[hbm4b:s0+s2] =	stream.linear.scatter [tilespmem:s8], [sflag:$0x4], $0xAC00, $0x38;
	[tilespmem:$0x15800] =	vst v63  }
0x2ad: {  	_ =	swait.ge [sflag:s7], $0xAC00  }
0x2ae: {  	s0 =	sld [smem:$0x7D9]  }
0x2af: {  	[sflag:s7] =	ssyncset.done $0x0  }
0x2b0: {  	[sflag:s7] =	ssyncadd.s32 $0xFFFF5400  }
0x2b1: {  	[tilespmem:s2], [sflag:$0x1] =	stream.linear.gather [hbm4b:s0+s2], $0xAC00, $0x38;
	[tilespmem:$0x15800] =	vst v63  }
0x2b2: {  	_ =	swait.ge [sflag:s13], $0xAC00  }
0x2b3: {  	s0 =	sld [smem:$0x7DA]  }
0x2b4: {  	[sflag:s13] =	ssyncset.done $0x0  }
0x2b5: {  	[sflag:s13] =	ssyncadd.s32 $0xFFFF5400  }
0x2b6: {  	[hbm4b:s0+s2] =	stream.linear.scatter [tilespmem:s2], [sflag:$0x3], $0xAC00, $0x38;
	[tilespmem:$0x15800] =	vst v63  }
0x2b7: {  	_ =	swait.ge [sflag:s5], $0xAC00  }
0x2b8: {  	s0 =	sld [smem:$0x7DB]  }
0x2b9: {  	[sflag:s5] =	ssyncset.done $0x0  }
0x2ba: {  	[sflag:s5] =	ssyncadd.s32 $0xFFFF5400  }
0x2bb: {  	[tilespmem:s8], [sflag:$0x2] =	stream.linear.gather [hbm4b:s0+s2], $0xAC00, $0x38;
	[tilespmem:$0x15800] =	vst v63  }
0x2bc: {  	_ =	swait.ge [sflag:s10], $0xAC00  }
0x2bd: {  	s0 =	sld [smem:$0x7DC]  }
0x2be: {  	[sflag:s10] =	ssyncset.done $0x0  }
0x2bf: {  	[sflag:s10] =	ssyncadd.s32 $0xFFFF5400  }
0x2c0: {  	[hbm4b:s0+s2] =	stream.linear.scatter [tilespmem:s8], [sflag:$0x4], $0xAC00, $0x38;
	[tilespmem:$0x15800] =	vst v63  }
0x2c1: {  	_ =	swait.ge [sflag:s7], $0xAC00  }
0x2c2: {  	s0 =	sld [smem:$0x7DD]  }
0x2c3: {  	[sflag:s7] =	ssyncset.done $0x0  }
0x2c4: {  	[sflag:s7] =	ssyncadd.s32 $0xFFFF5400  }
0x2c5: {  	[tilespmem:s2], [sflag:$0x1] =	stream.linear.gather [hbm4b:s0+s2], $0xAC00, $0x38;
	[tilespmem:$0x15800] =	vst v63  }
0x2c6: {  	_ =	swait.ge [sflag:s13], $0xAC00  }
0x2c7: {  	s0 =	sld [smem:$0x7DE]  }
0x2c8: {  	[sflag:s13] =	ssyncset.done $0x0  }
0x2c9: {  	[sflag:s13] =	ssyncadd.s32 $0xFFFF5400  }
0x2ca: {  	[hbm4b:s0+s2] =	stream.linear.scatter [tilespmem:s2], [sflag:$0x3], $0xAC00, $0x38;
	[tilespmem:$0x15800] =	vst v63  }
0x2cb: {  	_ =	swait.ge [sflag:s5], $0xAC00  }
0x2cc: {  	s0 =	sld [smem:$0x7DF]  }
0x2cd: {  	[sflag:s5] =	ssyncset.done $0x0  }
0x2ce: {  	[sflag:s5] =	ssyncadd.s32 $0xFFFF5400  }
0x2cf: {  	[tilespmem:s8], [sflag:$0x2] =	stream.linear.gather [hbm4b:s0+s2], $0xAC00, $0x38;
	[tilespmem:$0x15800] =	vst v63  }
0x2d0: {  	_ =	swait.ge [sflag:s10], $0xAC00  }
0x2d1: {  	s0 =	sld [smem:$0x7E0]  }
0x2d2: {  	[sflag:s10] =	ssyncset.done $0x0  }
0x2d3: {  	[sflag:s10] =	ssyncadd.s32 $0xFFFF5400  }
0x2d4: {  	[hbm4b:s0+s2] =	stream.linear.scatter [tilespmem:s8], [sflag:$0x4], $0xAC00, $0x38;
	[tilespmem:$0x15800] =	vst v63  }
0x2d5: {  	_ =	swait.ge [sflag:s7], $0xAC00  }
0x2d6: {  	s0 =	sld [smem:$0x7E1]  }
0x2d7: {  	[sflag:s7] =	ssyncset.done $0x0  }
0x2d8: {  	[sflag:s7] =	ssyncadd.s32 $0xFFFF5400  }
0x2d9: {  	[tilespmem:s2], [sflag:$0x1] =	stream.linear.gather [hbm4b:s0+s2], $0xAC00, $0x38;
	[tilespmem:$0x15800] =	vst v63  }
0x2da: {  	_ =	swait.ge [sflag:s13], $0xAC00  }
0x2db: {  	s0 =	sld [smem:$0x7E2]  }
0x2dc: {  	[sflag:s13] =	ssyncset.done $0x0  }
0x2dd: {  	[sflag:s13] =	ssyncadd.s32 $0xFFFF5400  }
0x2de: {  	[hbm4b:s0+s2] =	stream.linear.scatter [tilespmem:s2], [sflag:$0x3], $0xAC00, $0x38;
	[tilespmem:$0x15800] =	vst v63  }
0x2df: {  	_ =	swait.ge [sflag:s5], $0xAC00  }
0x2e0: {  	s0 =	sld [smem:$0x7E3]  }
0x2e1: {  	[sflag:s5] =	ssyncset.done $0x0  }
0x2e2: {  	[sflag:s5] =	ssyncadd.s32 $0xFFFF5400  }
0x2e3: {  	[tilespmem:s8], [sflag:$0x2] =	stream.linear.gather [hbm4b:s0+s2], $0xAC00, $0x38;
	[tilespmem:$0x15800] =	vst v63  }
0x2e4: {  	_ =	swait.ge [sflag:s10], $0xAC00  }
0x2e5: {  	s0 =	sld [smem:$0x7E4]  }
0x2e6: {  	[sflag:s10] =	ssyncset.done $0x0  }
0x2e7: {  	[sflag:s10] =	ssyncadd.s32 $0xFFFF5400  }
0x2e8: {  	[hbm4b:s0+s2] =	stream.linear.scatter [tilespmem:s8], [sflag:$0x4], $0xAC00, $0x38;
	[tilespmem:$0x15800] =	vst v63  }
0x2e9: {  	_ =	swait.ge [sflag:s7], $0xAC00  }
0x2ea: {  	s0 =	sld [smem:$0x7E5]  }
0x2eb: {  	[sflag:s7] =	ssyncset.done $0x0  }
0x2ec: {  	[sflag:s7] =	ssyncadd.s32 $0xFFFF5400  }
0x2ed: {  	[tilespmem:s2], [sflag:$0x1] =	stream.linear.gather [hbm4b:s0+s2], $0xAC00, $0x38;
	[tilespmem:$0x15800] =	vst v63  }
0x2ee: {  	_ =	swait.ge [sflag:s13], $0xAC00  }
0x2ef: {  	s0 =	sld [smem:$0x7E6]  }
0x2f0: {  	[sflag:s13] =	ssyncset.done $0x0  }
0x2f1: {  	[sflag:s13] =	ssyncadd.s32 $0xFFFF5400  }
0x2f2: {  	[hbm4b:s0+s2] =	stream.linear.scatter [tilespmem:s2], [sflag:$0x3], $0xAC00, $0x38;
	[tilespmem:$0x15800] =	vst v63  }
0x2f3: {  	_ =	swait.ge [sflag:s5], $0xAC00  }
0x2f4: {  	s0 =	sld [smem:$0x7E7]  }
0x2f5: {  	[sflag:s5] =	ssyncset.done $0x0  }
0x2f6: {  	[sflag:s5] =	ssyncadd.s32 $0xFFFF5400  }
0x2f7: {  	[tilespmem:s8], [sflag:$0x2] =	stream.linear.gather [hbm4b:s0+s2], $0xAC00, $0x38;
	[tilespmem:$0x15800] =	vst v63  }
0x2f8: {  	_ =	swait.ge [sflag:s10], $0xAC00  }
0x2f9: {  	s0 =	sld [smem:$0x7E8]  }
0x2fa: {  	[sflag:s10] =	ssyncset.done $0x0  }
0x2fb: {  	[sflag:s10] =	ssyncadd.s32 $0xFFFF5400  }
0x2fc: {  	[hbm4b:s0+s2] =	stream.linear.scatter [tilespmem:s8], [sflag:$0x4], $0xAC00, $0x38;
	[tilespmem:$0x15800] =	vst v63  }
0x2fd: {  	_ =	swait.ge [sflag:s7], $0xAC00  }
0x2fe: {  	s0 =	sld [smem:$0x7E9]  }
0x2ff: {  	[sflag:s7] =	ssyncset.done $0x0  }
0x300: {  	[sflag:s7] =	ssyncadd.s32 $0xFFFF5400  }
0x301: {  	[tilespmem:s2], [sflag:$0x1] =	stream.linear.gather [hbm4b:s0+s2], $0xAC00, $0x38;
	[tilespmem:$0x15800] =	vst v63  }
0x302: {  	_ =	swait.ge [sflag:s13], $0xAC00  }
0x303: {  	s0 =	sld [smem:$0x7EA]  }
0x304: {  	[sflag:s13] =	ssyncset.done $0x0  }
0x305: {  	[sflag:s13] =	ssyncadd.s32 $0xFFFF5400  }
0x306: {  	[hbm4b:s0+s2] =	stream.linear.scatter [tilespmem:s2], [sflag:$0x3], $0xAC00, $0x38;
	[tilespmem:$0x15800] =	vst v63  }
0x307: {  	_ =	swait.ge [sflag:s5], $0xAC00  }
0x308: {  	s0 =	sld [smem:$0x7EB]  }
0x309: {  	[sflag:s5] =	ssyncset.done $0x0  }
0x30a: {  	[sflag:s5] =	ssyncadd.s32 $0xFFFF5400  }
0x30b: {  	[tilespmem:s8], [sflag:$0x2] =	stream.linear.gather [hbm4b:s0+s2], $0xAC00, $0x38;
	[tilespmem:$0x15800] =	vst v63  }
0x30c: {  	_ =	swait.ge [sflag:s10], $0xAC00  }
0x30d: {  	s0 =	sld [smem:$0x7EC]  }
0x30e: {  	[sflag:s10] =	ssyncset.done $0x0  }
0x30f: {  	[sflag:s10] =	ssyncadd.s32 $0xFFFF5400  }
0x310: {  	[hbm4b:s0+s2] =	stream.linear.scatter [tilespmem:s8], [sflag:$0x4], $0xAC00, $0x38;
	[tilespmem:$0x15800] =	vst v63  }
0x311: {  	_ =	swait.ge [sflag:s7], $0xAC00  }
0x312: {  	s0 =	sld [smem:$0x7ED]  }
0x313: {  	[sflag:s7] =	ssyncset.done $0x0  }
0x314: {  	[sflag:s7] =	ssyncadd.s32 $0xFFFF5400  }
0x315: {  	[tilespmem:s2], [sflag:$0x1] =	stream.linear.gather [hbm4b:s0+s2], $0xAC00, $0x38;
	[tilespmem:$0x15800] =	vst v63  }
0x316: {  	_ =	swait.ge [sflag:s13], $0xAC00  }
0x317: {  	s0 =	sld [smem:$0x7EE]  }
0x318: {  	[sflag:s13] =	ssyncset.done $0x0  }
0x319: {  	[sflag:s13] =	ssyncadd.s32 $0xFFFF5400  }
0x31a: {  	[hbm4b:s0+s2] =	stream.linear.scatter [tilespmem:s2], [sflag:$0x3], $0xAC00, $0x38;
	[tilespmem:$0x15800] =	vst v63  }
0x31b: {  	_ =	swait.ge [sflag:s5], $0xAC00  }
0x31c: {  	s0 =	sld [smem:$0x7EF]  }
0x31d: {  	[sflag:s5] =	ssyncset.done $0x0  }
0x31e: {  	[sflag:s5] =	ssyncadd.s32 $0xFFFF5400  }
0x31f: {  	[tilespmem:s8], [sflag:$0x2] =	stream.linear.gather [hbm4b:s0+s2], $0xAC00, $0x38;
	[tilespmem:$0x15800] =	vst v63  }
0x320: {  	_ =	swait.ge [sflag:s10], $0xAC00  }
0x321: {  	s0 =	sld [smem:$0x7F0]  }
0x322: {  	[sflag:s10] =	ssyncset.done $0x0  }
0x323: {  	[sflag:s10] =	ssyncadd.s32 $0xFFFF5400  }
0x324: {  	[hbm4b:s0+s2] =	stream.linear.scatter [tilespmem:s8], [sflag:$0x4], $0xAC00, $0x38;
	[tilespmem:$0x15800] =	vst v63  }
0x325: {  	_ =	swait.ge [sflag:s7], $0xAC00  }
0x326: {  	s0 =	sld [smem:$0x7F1]  }
0x327: {  	[sflag:s7] =	ssyncset.done $0x0  }
0x328: {  	[sflag:s7] =	ssyncadd.s32 $0xFFFF5400  }
0x329: {  	[tilespmem:s2], [sflag:$0x1] =	stream.linear.gather [hbm4b:s0+s2], $0xAC00, $0x38;
	[tilespmem:$0x15800] =	vst v63  }
0x32a: {  	_ =	swait.ge [sflag:s13], $0xAC00  }
0x32b: {  	s0 =	sld [smem:$0x7F2]  }
0x32c: {  	[sflag:s13] =	ssyncset.done $0x0  }
0x32d: {  	[sflag:s13] =	ssyncadd.s32 $0xFFFF5400  }
0x32e: {  	[hbm4b:s0+s2] =	stream.linear.scatter [tilespmem:s2], [sflag:$0x3], $0xAC00, $0x38;
	[tilespmem:$0x15800] =	vst v63  }
0x32f: {  	_ =	swait.ge [sflag:s5], $0xAC00  }
0x330: {  	s0 =	sld [smem:$0x7F3]  }
0x331: {  	[sflag:s5] =	ssyncset.done $0x0  }
0x332: {  	[sflag:s5] =	ssyncadd.s32 $0xFFFF5400  }
0x333: {  	[tilespmem:s8], [sflag:$0x2] =	stream.linear.gather [hbm4b:s0+s2], $0xAC00, $0x38;
	[tilespmem:$0x15800] =	vst v63  }
0x334: {  	_ =	swait.ge [sflag:s10], $0xAC00  }
0x335: {  	s0 =	sld [smem:$0x7F4]  }
0x336: {  	[sflag:s10] =	ssyncset.done $0x0  }
0x337: {  	[sflag:s10] =	ssyncadd.s32 $0xFFFF5400  }
0x338: {  	[hbm4b:s0+s2] =	stream.linear.scatter [tilespmem:s8], [sflag:$0x4], $0xAC00, $0x38;
	[tilespmem:$0x15800] =	vst v63  }
0x339: {  	_ =	swait.ge [sflag:s7], $0xAC00  }
0x33a: {  	s0 =	sld [smem:$0x7F5]  }
0x33b: {  	[sflag:s7] =	ssyncset.done $0x0  }
0x33c: {  	[sflag:s7] =	ssyncadd.s32 $0xFFFF5400  }
0x33d: {  	[tilespmem:s2], [sflag:$0x1] =	stream.linear.gather [hbm4b:s0+s2], $0xAC00, $0x38;
	[tilespmem:$0x15800] =	vst v63  }
0x33e: {  	_ =	swait.ge [sflag:s13], $0xAC00  }
0x33f: {  	s0 =	sld [smem:$0x7F6]  }
0x340: {  	[sflag:s13] =	ssyncset.done $0x0  }
0x341: {  	[sflag:s13] =	ssyncadd.s32 $0xFFFF5400  }
0x342: {  	[hbm4b:s0+s2] =	stream.linear.scatter [tilespmem:s2], [sflag:$0x3], $0xAC00, $0x38;
	[tilespmem:$0x15800] =	vst v63  }
0x343: {  	_ =	swait.ge [sflag:s5], $0xAC00  }
0x344: {  	s0 =	sld [smem:$0x7F7]  }
0x345: {  	[sflag:s5] =	ssyncset.done $0x0  }
0x346: {  	[sflag:s5] =	ssyncadd.s32 $0xFFFF5400  }
0x347: {  	[tilespmem:s8], [sflag:$0x2] =	stream.linear.gather [hbm4b:s0+s2], $0xAC00, $0x38;
	[tilespmem:$0x15800] =	vst v63  }
0x348: {  	_ =	swait.ge [sflag:s10], $0xAC00  }
0x349: {  	s0 =	sld [smem:$0x7F8]  }
0x34a: {  	[sflag:s10] =	ssyncset.done $0x0  }
0x34b: {  	[sflag:s10] =	ssyncadd.s32 $0xFFFF5400  }
0x34c: {  	[hbm4b:s0+s2] =	stream.linear.scatter [tilespmem:s8], [sflag:$0x4], $0xAC00, $0x38;
	[tilespmem:$0x15800] =	vst v63  }
0x34d: {  	_ =	swait.ge [sflag:s7], $0xAC00  }
0x34e: {  	s0 =	sld [smem:$0x7F9]  }
0x34f: {  	[sflag:s7] =	ssyncset.done $0x0  }
0x350: {  	[sflag:s7] =	ssyncadd.s32 $0xFFFF5400  }
0x351: {  	[tilespmem:s2], [sflag:$0x1] =	stream.linear.gather [hbm4b:s0+s2], $0xAC00, $0x38;
	[tilespmem:$0x15800] =	vst v63  }
0x352: {  	_ =	swait.ge [sflag:s13], $0xAC00  }
0x353: {  	s0 =	sld [smem:$0x7FA]  }
0x354: {  	[sflag:s13] =	ssyncset.done $0x0  }
0x355: {  	[sflag:s13] =	ssyncadd.s32 $0xFFFF5400  }
0x356: {  	[hbm4b:s0+s2] =	stream.linear.scatter [tilespmem:s2], [sflag:$0x3], $0xAC00, $0x38;
	[tilespmem:$0x15800] =	vst v63  }
0x357: {  	_ =	swait.ge [sflag:s5], $0xAC00  }
0x358: {  	s0 =	sld [smem:$0x7FB]  }
0x359: {  	[sflag:s5] =	ssyncset.done $0x0  }
0x35a: {  	[sflag:s5] =	ssyncadd.s32 $0xFFFF5400  }
0x35b: {  	[tilespmem:s8], [sflag:$0x2] =	stream.linear.gather [hbm4b:s0+s2], $0xAC00, $0x38;
	[tilespmem:$0x15800] =	vst v63  }
0x35c: {  	_ =	swait.ge [sflag:s10], $0xAC00  }
0x35d: {  	s0 =	sld [smem:$0x7FC]  }
0x35e: {  	[sflag:s10] =	ssyncset.done $0x0  }
0x35f: {  	[sflag:s10] =	ssyncadd.s32 $0xFFFF5400  }
0x360: {  	[hbm4b:s0+s2] =	stream.linear.scatter [tilespmem:s8], [sflag:$0x4], $0xAC00, $0x38;
	[tilespmem:$0x15800] =	vst v63  }
0x361: {  	_ =	swait.ge [sflag:s7], $0xAC00  }
0x362: {  	s0 =	sld [smem:$0x7FD]  }
0x363: {  	[sflag:s7] =	ssyncset.done $0x0  }
0x364: {  	[sflag:s7] =	ssyncadd.s32 $0xFFFF5400  }
0x365: {  	[tilespmem:s2], [sflag:$0x1] =	stream.linear.gather [hbm4b:s0+s2], $0xAC00, $0x38;
	[tilespmem:$0x15800] =	vst v63  }
0x366: {  	_ =	swait.ge [sflag:s13], $0xAC00  }
0x367: {  	[sflag:s13] =	ssyncset.done $0x0  }
0x368: {  	[sflag:s13] =	ssyncadd.s32 $0xFFFF5400  }
0x369: {  	[hbm4b:s31+s2] =	stream.linear.scatter [tilespmem:s2], [sflag:$0x3], $0xAC00, $0x38;
	[tilespmem:$0x15800] =	vst v63  }
0x36a: {  	_ =	swait.ge [sflag:s5], $0xAC00  }
0x36b: {  	[sflag:s5] =	ssyncset.done $0x0  }
0x36c: {  	[sflag:s5] =	ssyncadd.s32 $0xFFFF5400  }
0x36d: {  	[tilespmem:s8], [sflag:$0x2] =	stream.linear.gather [hbm4b:s30+s2], $0xAC00, $0x38;
	[tilespmem:$0x15800] =	vst v63  }
0x36e: {  	_ =	swait.ge [sflag:s10], $0xAC00  }
0x36f: {  	[sflag:s10] =	ssyncset.done $0x0  }
0x370: {  	[sflag:s10] =	ssyncadd.s32 $0xFFFF5400  }
0x371: {  	[hbm4b:s29+s2] =	stream.linear.scatter [tilespmem:s8], [sflag:$0x4], $0xAC00, $0x38;
	[tilespmem:$0x15800] =	vst v63  }
0x372: {  	_ =	swait.ge [sflag:s7], $0xAC00  }
0x373: {  	[sflag:s7] =	ssyncset.done $0x0  }
0x374: {  	[sflag:s7] =	ssyncadd.s32 $0xFFFF5400  }
0x375: {  	[tilespmem:s2], [sflag:$0x1] =	stream.linear.gather [hbm4b:s28+s2], $0xAC00, $0x38;
	[tilespmem:$0x15800] =	vst v63  }
0x376: {  	_ =	swait.ge [sflag:s13], $0xAC00  }
0x377: {  	[sflag:s13] =	ssyncset.done $0x0  }
0x378: {  	[sflag:s13] =	ssyncadd.s32 $0xFFFF5400  }
0x379: {  	[hbm4b:s26+s2] =	stream.linear.scatter [tilespmem:s2], [sflag:$0x3], $0xAC00, $0x38;
	[tilespmem:$0x15800] =	vst v63  }
0x37a: {  	_ =	swait.ge [sflag:s5], $0xAC00  }
0x37b: {  	[sflag:s5] =	ssyncset.done $0x0  }
0x37c: {  	[sflag:s5] =	ssyncadd.s32 $0xFFFF5400  }
0x37d: {  	[tilespmem:s8], [sflag:$0x2] =	stream.linear.gather [hbm4b:s25+s2], $0xAC00, $0x38;
	[tilespmem:$0x15800] =	vst v63  }
0x37e: {  	_ =	swait.ge [sflag:s10], $0xAC00  }
0x37f: {  	[sflag:s10] =	ssyncset.done $0x0  }
0x380: {  	[sflag:s10] =	ssyncadd.s32 $0xFFFF5400  }
0x381: {  	[hbm4b:s24+s2] =	stream.linear.scatter [tilespmem:s8], [sflag:$0x4], $0xAC00, $0x38;
	[tilespmem:$0x15800] =	vst v63  }
0x382: {  	_ =	swait.ge [sflag:s7], $0xAC00  }
0x383: {  	[sflag:s7] =	ssyncset.done $0x0  }
0x384: {  	[sflag:s7] =	ssyncadd.s32 $0xFFFF5400  }
0x385: {  	[tilespmem:s2], [sflag:$0x1] =	stream.linear.gather [hbm4b:s23+s2], $0xAC00, $0x38;
	[tilespmem:$0x15800] =	vst v63  }
0x386: {  	_ =	swait.ge [sflag:s13], $0xAC00  }
0x387: {  	[sflag:s13] =	ssyncset.done $0x0  }
0x388: {  	[sflag:s13] =	ssyncadd.s32 $0xFFFF5400  }
0x389: {  	[hbm4b:s22+s2] =	stream.linear.scatter [tilespmem:s2], [sflag:$0x3], $0xAC00, $0x38;
	[tilespmem:$0x15800] =	vst v63  }
0x38a: {  	_ =	swait.ge [sflag:s5], $0xAC00  }
0x38b: {  	[sflag:s5] =	ssyncset.done $0x0  }
0x38c: {  	[sflag:s5] =	ssyncadd.s32 $0xFFFF5400  }
0x38d: {  	[tilespmem:s8], [sflag:$0x2] =	stream.linear.gather [hbm4b:s21+s2], $0xAC00, $0x38;
	[tilespmem:$0x15800] =	vst v63  }
0x38e: {  	_ =	swait.ge [sflag:s10], $0xAC00  }
0x38f: {  	[sflag:s10] =	ssyncset.done $0x0  }
0x390: {  	[sflag:s10] =	ssyncadd.s32 $0xFFFF5400  }
0x391: {  	[hbm4b:s20+s2] =	stream.linear.scatter [tilespmem:s8], [sflag:$0x4], $0xAC00, $0x38;
	[tilespmem:$0x15800] =	vst v63  }
0x392: {  	_ =	swait.ge [sflag:s7], $0xAC00  }
0x393: {  	[sflag:s7] =	ssyncset.done $0x0  }
0x394: {  	[sflag:s7] =	ssyncadd.s32 $0xFFFF5400  }
0x395: {  	[tilespmem:s2], [sflag:$0x1] =	stream.linear.gather [hbm4b:s19+s2], $0xAC00, $0x38;
	[tilespmem:$0x15800] =	vst v63  }
0x396: {  	_ =	swait.ge [sflag:s13], $0xAC00  }
0x397: {  	[sflag:s13] =	ssyncset.done $0x0  }
0x398: {  	[sflag:s13] =	ssyncadd.s32 $0xFFFF5400  }
0x399: {  	[hbm4b:s18+s2] =	stream.linear.scatter [tilespmem:s2], [sflag:$0x3], $0xAC00, $0x38;
	[tilespmem:$0x15800] =	vst v63  }
0x39a: {  	_ =	swait.ge [sflag:s5], $0xAC00  }
0x39b: {  	[sflag:s5] =	ssyncset.done $0x0  }
0x39c: {  	[sflag:s5] =	ssyncadd.s32 $0xFFFF5400  }
0x39d: {  	[tilespmem:s8], [sflag:$0x2] =	stream.linear.gather [hbm4b:s17+s2], $0xAC00, $0x38;
	[tilespmem:$0x15800] =	vst v63  }
0x39e: {  	_ =	swait.ge [sflag:s10], $0xAC00  }
0x39f: {  	[sflag:s10] =	ssyncset.done $0x0  }
0x3a0: {  	[sflag:s10] =	ssyncadd.s32 $0xFFFF5400  }
0x3a1: {  	[hbm4b:s16+s2] =	stream.linear.scatter [tilespmem:s8], [sflag:$0x4], $0xAC00, $0x38;
	[tilespmem:$0x15800] =	vst v63  }
0x3a2: {  	_ =	swait.ge [sflag:s7], $0xAC00  }
0x3a3: {  	[sflag:s7] =	ssyncset.done $0x0  }
0x3a4: {  	[sflag:s7] =	ssyncadd.s32 $0xFFFF5400  }
0x3a5: {  	[tilespmem:s2], [sflag:$0x1] =	stream.linear.gather [hbm4b:s15+s2], $0xAC00, $0x38;
	[tilespmem:$0x15800] =	vst v63  }
0x3a6: {  	_ =	swait.ge [sflag:s13], $0xAC00  }
0x3a7: {  	[sflag:s13] =	ssyncset.done $0x0  }
0x3a8: {  	[sflag:s13] =	ssyncadd.s32 $0xFFFF5400  }
0x3a9: {  	[hbm4b:s14+s2] =	stream.linear.scatter [tilespmem:s2], [sflag:$0x3], $0xAC00, $0x38;
	[tilespmem:$0x15800] =	vst v63  }
0x3aa: {  	_ =	swait.ge [sflag:s5], $0xAC00  }
0x3ab: {  	[sflag:s5] =	ssyncset.done $0x0  }
0x3ac: {  	[sflag:s5] =	ssyncadd.s32 $0xFFFF5400  }
0x3ad: {  	[tilespmem:s8], [sflag:$0x2] =	stream.linear.gather [hbm4b:s12+s2], $0xAC00, $0x38;
	[tilespmem:$0x15800] =	vst v63  }
0x3ae: {  	_ =	swait.ge [sflag:s10], $0xAC00  }
0x3af: {  	[sflag:s10] =	ssyncset.done $0x0  }
0x3b0: {  	[sflag:s10] =	ssyncadd.s32 $0xFFFF5400  }
0x3b1: {  	[hbm4b:s11+s2] =	stream.linear.scatter [tilespmem:s8], [sflag:$0x4], $0xAC00, $0x38;
	[tilespmem:$0x15800] =	vst v63  }
0x3b2: {  	_ =	swait.ge [sflag:s7], $0xAC00  }
0x3b3: {  	[sflag:s7] =	ssyncset.done $0x0  }
0x3b4: {  	[sflag:s7] =	ssyncadd.s32 $0xFFFF5400  }
0x3b5: {  	[tilespmem:s2], [sflag:$0x1] =	stream.linear.gather [hbm4b:s9+s2], $0xAC00, $0x38;
	[tilespmem:$0x15800] =	vst v63  }
0x3b6: {  	_ =	swait.ge [sflag:s13], $0xAC00  }
0x3b7: {  	[sflag:s13] =	ssyncset.done $0x0  }
0x3b8: {  	[sflag:s13] =	ssyncadd.s32 $0xFFFF5400  }
0x3b9: {  	[hbm4b:s6+s2] =	stream.linear.scatter [tilespmem:s2], [sflag:$0x3], $0xAC00, $0x38;
	[tilespmem:$0x15800] =	vst v63  }
0x3ba: {  	_ =	swait.ge [sflag:s5], $0xAC00  }
0x3bb: {  	[sflag:s5] =	ssyncset.done $0x0  }
0x3bc: {  	[sflag:s5] =	ssyncadd.s32 $0xFFFF5400  }
0x3bd: {  	[tilespmem:s8], [sflag:$0x2] =	stream.linear.gather [hbm4b:s4+s2], $0xAC00, $0x38;
	[tilespmem:$0x15800] =	vst v63  }
0x3be: {  	_ =	swait.ge [sflag:s10], $0xAC00  }
0x3bf: {  	[sflag:s10] =	ssyncset.done $0x0  }
0x3c0: {  	[sflag:s10] =	ssyncadd.s32 $0xFFFF5400  }
0x3c1: {  	[hbm4b:s3+s2] =	stream.linear.scatter [tilespmem:s8], [sflag:$0x4], $0xAC00, $0x38;
	[tilespmem:$0x15800] =	vst v63  }
.Ltmp2:
0x3c2: {  	_ =	swait.ge [sflag:s7], $0xAC00;
	(pc) =	sbr.rel @p1 .LBB2_2-.Ltmp2, $4  }
0x3c3: {  	[sflag:s7] =	ssyncset.done $0x0  }
0x3c4: {  	[sflag:s7] =	ssyncadd.s32 $0xFFFF5400  }
0x3c5: {  	_ =	swait.ge [sflag:s5], $0xAC00  }
0x3c6: {  	s0 =	rddreg [dreg:$0x3];
	[sflag:s5] =	ssyncset.done $0x0  }
.LBB2_3:
0x3c7: {  	[sflag:s5] =	ssyncadd.s32 @p0 $0xFFFF5400  }
0x3c8: {  	[tilespmem:s2], [sflag:$0x1] =	stream.linear.gather [hbm4b:s0+s2], $0xAC00, $0x38;
	[tilespmem:$0x15800] =	vst v63  }
0x3c9: {  	_ =	swait.ge [sflag:s13], $0xAC00  }
0x3ca: {  	[sflag:s13] =	ssyncset.done $0x0  }
0x3cb: {  	s0 =	rddreg [dreg:$0x4];
	[sflag:s13] =	ssyncadd.s32 $0xFFFF5400  }
0x3cc: {  	[hbm4b:s0+s2] =	stream.linear.scatter [tilespmem:s2], [sflag:$0x3], $0xAC00, $0x38;
	[tilespmem:$0x15800] =	vst v63  }
0x3cd: {  	s1 =	rddreg [dreg:$0x5]  }
0x3ce: {  	[tilespmem:s8], [sflag:$0x2] =	stream.linear.gather [hbm4b:s1+s2], $0xAC00, $0x38;
	[tilespmem:$0x15800] =	vst v63  }
0x3cf: {  	_ =	swait.ge [sflag:s10], $0xAC00  }
0x3d0: {  	[sflag:s10] =	ssyncset.done $0x0  }
0x3d1: {  	s1 =	rddreg [dreg:$0x6];
	[sflag:s10] =	ssyncadd.s32 $0xFFFF5400  }
0x3d2: {  	[hbm4b:s1+s2] =	stream.linear.scatter [tilespmem:s8], [sflag:$0x4], $0xAC00, $0x38;
	[tilespmem:$0x15800] =	vst v63  }
0x3d3: {  	_ =	swait.ge [sflag:s7], $0xAC00  }
0x3d4: {  	[sflag:s7] =	ssyncset.done $0x0  }
0x3d5: {  	s1 =	rddreg [dreg:$0x7];
	[sflag:s7] =	ssyncadd.s32 $0xFFFF5400  }
0x3d6: {  	[tilespmem:s2], [sflag:$0x1] =	stream.linear.gather [hbm4b:s1+s2], $0xAC00, $0x38;
	[tilespmem:$0x15800] =	vst v63  }
0x3d7: {  	_ =	swait.ge [sflag:s13], $0xAC00  }
0x3d8: {  	[sflag:s13] =	ssyncset.done $0x0  }
0x3d9: {  	s1 =	rddreg [dreg:$0x8];
	[sflag:s13] =	ssyncadd.s32 $0xFFFF5400  }
0x3da: {  	[hbm4b:s1+s2] =	stream.linear.scatter [tilespmem:s2], [sflag:$0x3], $0xAC00, $0x38;
	[tilespmem:$0x15800] =	vst v63  }
0x3db: {  	_ =	swait.ge [sflag:s5], $0xAC00  }
0x3dc: {  	[sflag:s5] =	ssyncset.done $0x0  }
0x3dd: {  	s1 =	rddreg [dreg:$0x9];
	[sflag:s5] =	ssyncadd.s32 $0xFFFF5400  }
0x3de: {  	[tilespmem:s8], [sflag:$0x2] =	stream.linear.gather [hbm4b:s1+s2], $0xAC00, $0x38;
	[tilespmem:$0x15800] =	vst v63  }
0x3df: {  	_ =	swait.ge [sflag:s10], $0xAC00  }
0x3e0: {  	[sflag:s10] =	ssyncset.done $0x0  }
0x3e1: {  	s1 =	rddreg [dreg:$0xa];
	[sflag:s10] =	ssyncadd.s32 $0xFFFF5400  }
0x3e2: {  	[hbm4b:s1+s2] =	stream.linear.scatter [tilespmem:s8], [sflag:$0x4], $0xAC00, $0x38;
	[tilespmem:$0x15800] =	vst v63  }
0x3e3: {  	_ =	swait.ge [sflag:s7], $0xAC00  }
0x3e4: {  	[sflag:s7] =	ssyncset.done $0x0  }
0x3e5: {  	s1 =	rddreg [dreg:$0xb];
	[sflag:s7] =	ssyncadd.s32 $0xFFFF5400  }
0x3e6: {  	[tilespmem:s2], [sflag:$0x1] =	stream.linear.gather [hbm4b:s1+s2], $0xAC00, $0x38;
	[tilespmem:$0x15800] =	vst v63  }
0x3e7: {  	_ =	swait.ge [sflag:s13], $0xAC00  }
0x3e8: {  	[sflag:s13] =	ssyncset.done $0x0  }
0x3e9: {  	s1 =	rddreg [dreg:$0xc];
	[sflag:s13] =	ssyncadd.s32 $0xFFFF5400  }
0x3ea: {  	[hbm4b:s1+s2] =	stream.linear.scatter [tilespmem:s2], [sflag:$0x3], $0xAC00, $0x38;
	[tilespmem:$0x15800] =	vst v63  }
0x3eb: {  	_ =	swait.ge [sflag:s5], $0xAC00  }
0x3ec: {  	[sflag:s5] =	ssyncset.done $0x0  }
0x3ed: {  	s1 =	rddreg [dreg:$0xd];
	[sflag:s5] =	ssyncadd.s32 $0xFFFF5400  }
0x3ee: {  	[tilespmem:s8], [sflag:$0x2] =	stream.linear.gather [hbm4b:s1+s2], $0xAC00, $0x38;
	[tilespmem:$0x15800] =	vst v63  }
0x3ef: {  	_ =	swait.ge [sflag:s10], $0xAC00  }
0x3f0: {  	[sflag:s10] =	ssyncset.done $0x0  }
0x3f1: {  	s1 =	rddreg [dreg:$0xe];
	[sflag:s10] =	ssyncadd.s32 $0xFFFF5400  }
0x3f2: {  	[hbm4b:s1+s2] =	stream.linear.scatter [tilespmem:s8], [sflag:$0x4], $0xAC00, $0x38;
	[tilespmem:$0x15800] =	vst v63  }
0x3f3: {  	_ =	swait.ge [sflag:s7], $0xAC00  }
0x3f4: {  	[sflag:s7] =	ssyncset.done $0x0  }
0x3f5: {  	s1 =	rddreg [dreg:$0xf];
	[sflag:s7] =	ssyncadd.s32 $0xFFFF5400  }
0x3f6: {  	[tilespmem:s2], [sflag:$0x1] =	stream.linear.gather [hbm4b:s1+s2], $0xAC00, $0x38;
	[tilespmem:$0x15800] =	vst v63  }
0x3f7: {  	_ =	swait.ge [sflag:s13], $0xAC00  }
0x3f8: {  	[sflag:s13] =	ssyncset.done $0x0  }
0x3f9: {  	s1 =	rddreg [dreg:$0x10];
	[sflag:s13] =	ssyncadd.s32 $0xFFFF5400  }
0x3fa: {  	[hbm4b:s1+s2] =	stream.linear.scatter [tilespmem:s2], [sflag:$0x3], $0xAC00, $0x38;
	[tilespmem:$0x15800] =	vst v63  }
0x3fb: {  	_ =	swait.ge [sflag:s5], $0xAC00  }
0x3fc: {  	[sflag:s5] =	ssyncset.done $0x0  }
0x3fd: {  	s1 =	rddreg [dreg:$0x11];
	[sflag:s5] =	ssyncadd.s32 $0xFFFF5400  }
0x3fe: {  	[tilespmem:s8], [sflag:$0x2] =	stream.linear.gather [hbm4b:s1+s2], $0xAC00, $0x38;
	[tilespmem:$0x15800] =	vst v63  }
0x3ff: {  	_ =	swait.ge [sflag:s10], $0xAC00  }
0x400: {  	[sflag:s10] =	ssyncset.done $0x0  }
0x401: {  	s1 =	rddreg [dreg:$0x12];
	[sflag:s10] =	ssyncadd.s32 $0xFFFF5400  }
0x402: {  	[hbm4b:s1+s2] =	stream.linear.scatter [tilespmem:s8], [sflag:$0x4], $0xAC00, $0x38;
	[tilespmem:$0x15800] =	vst v63  }
0x403: {  	_ =	swait.ge [sflag:s7], $0xAC00  }
0x404: {  	[sflag:s7] =	ssyncset.done $0x0  }
0x405: {  	s1 =	rddreg [dreg:$0x13];
	[sflag:s7] =	ssyncadd.s32 $0xFFFF5400  }
0x406: {  	[tilespmem:s2], [sflag:$0x1] =	stream.linear.gather [hbm4b:s1+s2], $0xAC00, $0x38;
	[tilespmem:$0x15800] =	vst v63  }
0x407: {  	_ =	swait.ge [sflag:s13], $0xAC00  }
0x408: {  	[sflag:s13] =	ssyncset.done $0x0  }
0x409: {  	s1 =	rddreg [dreg:$0x14];
	[sflag:s13] =	ssyncadd.s32 $0xFFFF5400  }
0x40a: {  	[hbm4b:s1+s2] =	stream.linear.scatter [tilespmem:s2], [sflag:$0x3], $0xAC00, $0x38;
	[tilespmem:$0x15800] =	vst v63  }
0x40b: {  	_ =	swait.ge [sflag:s5], $0xAC00  }
0x40c: {  	[sflag:s5] =	ssyncset.done $0x0  }
0x40d: {  	s1 =	rddreg [dreg:$0x15];
	[sflag:s5] =	ssyncadd.s32 $0xFFFF5400  }
0x40e: {  	[tilespmem:s8], [sflag:$0x2] =	stream.linear.gather [hbm4b:s1+s2], $0xAC00, $0x38;
	[tilespmem:$0x15800] =	vst v63  }
0x40f: {  	_ =	swait.ge [sflag:s10], $0xAC00  }
0x410: {  	[sflag:s10] =	ssyncset.done $0x0  }
0x411: {  	s1 =	rddreg [dreg:$0x16];
	[sflag:s10] =	ssyncadd.s32 $0xFFFF5400  }
0x412: {  	[hbm4b:s1+s2] =	stream.linear.scatter [tilespmem:s8], [sflag:$0x4], $0xAC00, $0x38;
	[tilespmem:$0x15800] =	vst v63  }
0x413: {  	_ =	swait.ge [sflag:s7], $0xAC00  }
0x414: {  	[sflag:s7] =	ssyncset.done $0x0  }
0x415: {  	s1 =	rddreg [dreg:$0x17];
	[sflag:s7] =	ssyncadd.s32 $0xFFFF5400  }
0x416: {  	[tilespmem:s2], [sflag:$0x1] =	stream.linear.gather [hbm4b:s1+s2], $0xAC00, $0x38;
	[tilespmem:$0x15800] =	vst v63  }
0x417: {  	_ =	swait.ge [sflag:s13], $0xAC00  }
0x418: {  	[sflag:s13] =	ssyncset.done $0x0  }
0x419: {  	s1 =	rddreg [dreg:$0x18];
	[sflag:s13] =	ssyncadd.s32 $0xFFFF5400  }
0x41a: {  	[hbm4b:s1+s2] =	stream.linear.scatter [tilespmem:s2], [sflag:$0x3], $0xAC00, $0x38;
	[tilespmem:$0x15800] =	vst v63  }
0x41b: {  	_ =	swait.ge [sflag:s5], $0xAC00  }
0x41c: {  	[sflag:s5] =	ssyncset.done $0x0  }
0x41d: {  	s1 =	rddreg [dreg:$0x19];
	[sflag:s5] =	ssyncadd.s32 $0xFFFF5400  }
0x41e: {  	[tilespmem:s8], [sflag:$0x2] =	stream.linear.gather [hbm4b:s1+s2], $0xAC00, $0x38;
	[tilespmem:$0x15800] =	vst v63  }
0x41f: {  	_ =	swait.ge [sflag:s10], $0xAC00  }
0x420: {  	[sflag:s10] =	ssyncset.done $0x0  }
0x421: {  	s1 =	rddreg [dreg:$0x1a];
	[sflag:s10] =	ssyncadd.s32 $0xFFFF5400  }
0x422: {  	[hbm4b:s1+s2] =	stream.linear.scatter [tilespmem:s8], [sflag:$0x4], $0xAC00, $0x38;
	[tilespmem:$0x15800] =	vst v63  }
0x423: {  	_ =	swait.ge [sflag:s7], $0xAC00  }
0x424: {  	[sflag:s7] =	ssyncset.done $0x0  }
0x425: {  	s1 =	rddreg [dreg:$0x1b];
	[sflag:s7] =	ssyncadd.s32 $0xFFFF5400  }
0x426: {  	[tilespmem:s2], [sflag:$0x1] =	stream.linear.gather [hbm4b:s1+s2], $0xAC00, $0x38;
	[tilespmem:$0x15800] =	vst v63  }
0x427: {  	_ =	swait.ge [sflag:s13], $0xAC00  }
0x428: {  	[sflag:s13] =	ssyncset.done $0x0  }
0x429: {  	s1 =	rddreg [dreg:$0x1c];
	[sflag:s13] =	ssyncadd.s32 $0xFFFF5400  }
0x42a: {  	[hbm4b:s1+s2] =	stream.linear.scatter [tilespmem:s2], [sflag:$0x3], $0xAC00, $0x38;
	[tilespmem:$0x15800] =	vst v63  }
0x42b: {  	_ =	swait.ge [sflag:s5], $0xAC00  }
0x42c: {  	[sflag:s5] =	ssyncset.done $0x0  }
0x42d: {  	s1 =	rddreg [dreg:$0x1d];
	[sflag:s5] =	ssyncadd.s32 $0xFFFF5400  }
0x42e: {  	[tilespmem:s8], [sflag:$0x2] =	stream.linear.gather [hbm4b:s1+s2], $0xAC00, $0x38;
	[tilespmem:$0x15800] =	vst v63  }
0x42f: {  	_ =	swait.ge [sflag:s10], $0xAC00  }
0x430: {  	[sflag:s10] =	ssyncset.done $0x0  }
0x431: {  	s1 =	rddreg [dreg:$0x1e];
	[sflag:s10] =	ssyncadd.s32 $0xFFFF5400  }
0x432: {  	[hbm4b:s1+s2] =	stream.linear.scatter [tilespmem:s8], [sflag:$0x4], $0xAC00, $0x38;
	[tilespmem:$0x15800] =	vst v63  }
0x433: {  	_ =	swait.ge [sflag:s7], $0xAC00  }
0x434: {  	[sflag:s7] =	ssyncset.done $0x0  }
0x435: {  	s1 =	rddreg [dreg:$0x1f];
	[sflag:s7] =	ssyncadd.s32 $0xFFFF5400  }
0x436: {  	[tilespmem:s2], [sflag:$0x1] =	stream.linear.gather [hbm4b:s1+s2], $0xAC00, $0x38;
	[tilespmem:$0x15800] =	vst v63  }
0x437: {  	_ =	swait.ge [sflag:s13], $0xAC00  }
0x438: {  	s1 =	sld [smem:$0x7D2]  }
0x439: {  	[sflag:s13] =	ssyncset.done $0x0  }
0x43a: {  	[sflag:s13] =	ssyncadd.s32 $0xFFFF5400  }
0x43b: {  	[hbm4b:s1+s2] =	stream.linear.scatter [tilespmem:s2], [sflag:$0x3], $0xAC00, $0x38;
	[tilespmem:$0x15800] =	vst v63  }
0x43c: {  	_ =	swait.ge [sflag:s5], $0xAC00  }
0x43d: {  	s1 =	sld [smem:$0x7D3]  }
0x43e: {  	[sflag:s5] =	ssyncset.done $0x0  }
0x43f: {  	[sflag:s5] =	ssyncadd.s32 $0xFFFF5400  }
0x440: {  	[tilespmem:s8], [sflag:$0x2] =	stream.linear.gather [hbm4b:s1+s2], $0xAC00, $0x38;
	[tilespmem:$0x15800] =	vst v63  }
0x441: {  	_ =	swait.ge [sflag:s10], $0xAC00  }
0x442: {  	s1 =	sld [smem:$0x7D4]  }
0x443: {  	[sflag:s10] =	ssyncset.done $0x0  }
0x444: {  	[sflag:s10] =	ssyncadd.s32 $0xFFFF5400  }
0x445: {  	[hbm4b:s1+s2] =	stream.linear.scatter [tilespmem:s8], [sflag:$0x4], $0xAC00, $0x38;
	[tilespmem:$0x15800] =	vst v63  }
0x446: {  	_ =	swait.ge [sflag:s7], $0xAC00  }
0x447: {  	s1 =	sld [smem:$0x7D5]  }
0x448: {  	[sflag:s7] =	ssyncset.done $0x0  }
0x449: {  	[sflag:s7] =	ssyncadd.s32 $0xFFFF5400  }
0x44a: {  	[tilespmem:s2], [sflag:$0x1] =	stream.linear.gather [hbm4b:s1+s2], $0xAC00, $0x38;
	[tilespmem:$0x15800] =	vst v63  }
0x44b: {  	_ =	swait.ge [sflag:s13], $0xAC00  }
0x44c: {  	s1 =	sld [smem:$0x7D6]  }
0x44d: {  	[sflag:s13] =	ssyncset.done $0x0  }
0x44e: {  	[sflag:s13] =	ssyncadd.s32 $0xFFFF5400  }
0x44f: {  	[hbm4b:s1+s2] =	stream.linear.scatter [tilespmem:s2], [sflag:$0x3], $0xAC00, $0x38;
	[tilespmem:$0x15800] =	vst v63  }
0x450: {  	_ =	swait.ge [sflag:s5], $0xAC00  }
0x451: {  	s1 =	sld [smem:$0x7D7]  }
0x452: {  	[sflag:s5] =	ssyncset.done $0x0  }
0x453: {  	[sflag:s5] =	ssyncadd.s32 $0xFFFF5400  }
0x454: {  	[tilespmem:s8], [sflag:$0x2] =	stream.linear.gather [hbm4b:s1+s2], $0xAC00, $0x38;
	[tilespmem:$0x15800] =	vst v63  }
0x455: {  	_ =	swait.ge [sflag:s10], $0xAC00  }
0x456: {  	s1 =	sld [smem:$0x7D8]  }
0x457: {  	[sflag:s10] =	ssyncset.done $0x0  }
0x458: {  	[sflag:s10] =	ssyncadd.s32 $0xFFFF5400  }
0x459: {  	[hbm4b:s1+s2] =	stream.linear.scatter [tilespmem:s8], [sflag:$0x4], $0xAC00, $0x38;
	[tilespmem:$0x15800] =	vst v63  }
0x45a: {  	_ =	swait.ge [sflag:s7], $0xAC00  }
0x45b: {  	s1 =	sld [smem:$0x7D9]  }
0x45c: {  	[sflag:s7] =	ssyncset.done $0x0  }
0x45d: {  	[sflag:s7] =	ssyncadd.s32 $0xFFFF5400  }
0x45e: {  	[tilespmem:s2], [sflag:$0x1] =	stream.linear.gather [hbm4b:s1+s2], $0xAC00, $0x38;
	[tilespmem:$0x15800] =	vst v63  }
0x45f: {  	_ =	swait.ge [sflag:s13], $0xAC00  }
0x460: {  	s1 =	sld [smem:$0x7DA]  }
0x461: {  	[sflag:s13] =	ssyncset.done $0x0  }
0x462: {  	[sflag:s13] =	ssyncadd.s32 $0xFFFF5400  }
0x463: {  	[hbm4b:s1+s2] =	stream.linear.scatter [tilespmem:s2], [sflag:$0x3], $0xAC00, $0x38;
	[tilespmem:$0x15800] =	vst v63  }
0x464: {  	_ =	swait.ge [sflag:s5], $0xAC00  }
0x465: {  	s1 =	sld [smem:$0x7DB]  }
0x466: {  	[sflag:s5] =	ssyncset.done $0x0  }
0x467: {  	[sflag:s5] =	ssyncadd.s32 $0xFFFF5400  }
0x468: {  	[tilespmem:s8], [sflag:$0x2] =	stream.linear.gather [hbm4b:s1+s2], $0xAC00, $0x38;
	[tilespmem:$0x15800] =	vst v63  }
0x469: {  	_ =	swait.ge [sflag:s10], $0xAC00  }
0x46a: {  	s1 =	sld [smem:$0x7DC]  }
0x46b: {  	[sflag:s10] =	ssyncset.done $0x0  }
0x46c: {  	[sflag:s10] =	ssyncadd.s32 $0xFFFF5400  }
0x46d: {  	[hbm4b:s1+s2] =	stream.linear.scatter [tilespmem:s8], [sflag:$0x4], $0xAC00, $0x38;
	[tilespmem:$0x15800] =	vst v63  }
0x46e: {  	_ =	swait.ge [sflag:s7], $0xAC00  }
0x46f: {  	s1 =	sld [smem:$0x7DD]  }
0x470: {  	[sflag:s7] =	ssyncset.done $0x0  }
0x471: {  	[sflag:s7] =	ssyncadd.s32 $0xFFFF5400  }
0x472: {  	[tilespmem:s2], [sflag:$0x1] =	stream.linear.gather [hbm4b:s1+s2], $0xAC00, $0x38;
	[tilespmem:$0x15800] =	vst v63  }
0x473: {  	_ =	swait.ge [sflag:s13], $0xAC00  }
0x474: {  	s1 =	sld [smem:$0x7DE]  }
0x475: {  	[sflag:s13] =	ssyncset.done $0x0  }
0x476: {  	[sflag:s13] =	ssyncadd.s32 $0xFFFF5400  }
0x477: {  	[hbm4b:s1+s2] =	stream.linear.scatter [tilespmem:s2], [sflag:$0x3], $0xAC00, $0x38;
	[tilespmem:$0x15800] =	vst v63  }
0x478: {  	_ =	swait.ge [sflag:s5], $0xAC00  }
0x479: {  	s1 =	sld [smem:$0x7DF]  }
0x47a: {  	[sflag:s5] =	ssyncset.done $0x0  }
0x47b: {  	[sflag:s5] =	ssyncadd.s32 $0xFFFF5400  }
0x47c: {  	[tilespmem:s8], [sflag:$0x2] =	stream.linear.gather [hbm4b:s1+s2], $0xAC00, $0x38;
	[tilespmem:$0x15800] =	vst v63  }
0x47d: {  	_ =	swait.ge [sflag:s10], $0xAC00  }
0x47e: {  	s1 =	sld [smem:$0x7E0]  }
0x47f: {  	[sflag:s10] =	ssyncset.done $0x0  }
0x480: {  	[sflag:s10] =	ssyncadd.s32 $0xFFFF5400  }
0x481: {  	[hbm4b:s1+s2] =	stream.linear.scatter [tilespmem:s8], [sflag:$0x4], $0xAC00, $0x38;
	[tilespmem:$0x15800] =	vst v63  }
0x482: {  	_ =	swait.ge [sflag:s7], $0xAC00  }
0x483: {  	s1 =	sld [smem:$0x7E1]  }
0x484: {  	[sflag:s7] =	ssyncset.done $0x0  }
0x485: {  	[sflag:s7] =	ssyncadd.s32 $0xFFFF5400  }
0x486: {  	[tilespmem:s2], [sflag:$0x1] =	stream.linear.gather [hbm4b:s1+s2], $0xAC00, $0x38;
	[tilespmem:$0x15800] =	vst v63  }
0x487: {  	_ =	swait.ge [sflag:s13], $0xAC00  }
0x488: {  	s1 =	sld [smem:$0x7E2]  }
0x489: {  	[sflag:s13] =	ssyncset.done $0x0  }
0x48a: {  	[sflag:s13] =	ssyncadd.s32 $0xFFFF5400  }
0x48b: {  	[hbm4b:s1+s2] =	stream.linear.scatter [tilespmem:s2], [sflag:$0x3], $0xAC00, $0x38;
	[tilespmem:$0x15800] =	vst v63  }
0x48c: {  	_ =	swait.ge [sflag:s5], $0xAC00  }
0x48d: {  	s1 =	sld [smem:$0x7E3]  }
0x48e: {  	[sflag:s5] =	ssyncset.done $0x0  }
0x48f: {  	[sflag:s5] =	ssyncadd.s32 $0xFFFF5400  }
0x490: {  	[tilespmem:s8], [sflag:$0x2] =	stream.linear.gather [hbm4b:s1+s2], $0xAC00, $0x38;
	[tilespmem:$0x15800] =	vst v63  }
0x491: {  	_ =	swait.ge [sflag:s10], $0xAC00  }
0x492: {  	s1 =	sld [smem:$0x7E4]  }
0x493: {  	[sflag:s10] =	ssyncset.done $0x0  }
0x494: {  	[sflag:s10] =	ssyncadd.s32 $0xFFFF5400  }
0x495: {  	[hbm4b:s1+s2] =	stream.linear.scatter [tilespmem:s8], [sflag:$0x4], $0xAC00, $0x38;
	[tilespmem:$0x15800] =	vst v63  }
0x496: {  	_ =	swait.ge [sflag:s7], $0xAC00  }
0x497: {  	s1 =	sld [smem:$0x7E5]  }
0x498: {  	[sflag:s7] =	ssyncset.done $0x0  }
0x499: {  	[sflag:s7] =	ssyncadd.s32 $0xFFFF5400  }
0x49a: {  	[tilespmem:s2], [sflag:$0x1] =	stream.linear.gather [hbm4b:s1+s2], $0xAC00, $0x38;
	[tilespmem:$0x15800] =	vst v63  }
0x49b: {  	_ =	swait.ge [sflag:s13], $0xAC00  }
0x49c: {  	s1 =	sld [smem:$0x7E6]  }
0x49d: {  	[sflag:s13] =	ssyncset.done $0x0  }
0x49e: {  	[sflag:s13] =	ssyncadd.s32 $0xFFFF5400  }
0x49f: {  	[hbm4b:s1+s2] =	stream.linear.scatter [tilespmem:s2], [sflag:$0x3], $0xAC00, $0x38;
	[tilespmem:$0x15800] =	vst v63  }
0x4a0: {  	_ =	swait.ge [sflag:s5], $0xAC00  }
0x4a1: {  	s1 =	sld [smem:$0x7E7]  }
0x4a2: {  	[sflag:s5] =	ssyncset.done $0x0  }
0x4a3: {  	[sflag:s5] =	ssyncadd.s32 $0xFFFF5400  }
0x4a4: {  	[tilespmem:s8], [sflag:$0x2] =	stream.linear.gather [hbm4b:s1+s2], $0xAC00, $0x38;
	[tilespmem:$0x15800] =	vst v63  }
0x4a5: {  	_ =	swait.ge [sflag:s10], $0xAC00  }
0x4a6: {  	s1 =	sld [smem:$0x7E8]  }
0x4a7: {  	[sflag:s10] =	ssyncset.done $0x0  }
0x4a8: {  	[sflag:s10] =	ssyncadd.s32 $0xFFFF5400  }
0x4a9: {  	[hbm4b:s1+s2] =	stream.linear.scatter [tilespmem:s8], [sflag:$0x4], $0xAC00, $0x38;
	[tilespmem:$0x15800] =	vst v63  }
0x4aa: {  	_ =	swait.ge [sflag:s7], $0xAC00  }
0x4ab: {  	s1 =	sld [smem:$0x7E9]  }
0x4ac: {  	[sflag:s7] =	ssyncset.done $0x0  }
0x4ad: {  	[sflag:s7] =	ssyncadd.s32 $0xFFFF5400  }
0x4ae: {  	[tilespmem:s2], [sflag:$0x1] =	stream.linear.gather [hbm4b:s1+s2], $0xAC00, $0x38;
	[tilespmem:$0x15800] =	vst v63  }
0x4af: {  	_ =	swait.ge [sflag:s13], $0xAC00  }
0x4b0: {  	s1 =	sld [smem:$0x7EA]  }
0x4b1: {  	[sflag:s13] =	ssyncset.done $0x0  }
0x4b2: {  	[sflag:s13] =	ssyncadd.s32 $0xFFFF5400  }
0x4b3: {  	[hbm4b:s1+s2] =	stream.linear.scatter [tilespmem:s2], [sflag:$0x3], $0xAC00, $0x38;
	[tilespmem:$0x15800] =	vst v63  }
0x4b4: {  	_ =	swait.ge [sflag:s5], $0xAC00  }
0x4b5: {  	s1 =	sld [smem:$0x7EB]  }
0x4b6: {  	[sflag:s5] =	ssyncset.done $0x0  }
0x4b7: {  	[sflag:s5] =	ssyncadd.s32 $0xFFFF5400  }
0x4b8: {  	[tilespmem:s8], [sflag:$0x2] =	stream.linear.gather [hbm4b:s1+s2], $0xAC00, $0x38;
	[tilespmem:$0x15800] =	vst v63  }
0x4b9: {  	_ =	swait.ge [sflag:s10], $0xAC00  }
0x4ba: {  	s1 =	sld [smem:$0x7EC]  }
0x4bb: {  	[sflag:s10] =	ssyncset.done $0x0  }
0x4bc: {  	[sflag:s10] =	ssyncadd.s32 $0xFFFF5400  }
0x4bd: {  	[hbm4b:s1+s2] =	stream.linear.scatter [tilespmem:s8], [sflag:$0x4], $0xAC00, $0x38;
	[tilespmem:$0x15800] =	vst v63  }
0x4be: {  	_ =	swait.ge [sflag:s7], $0xAC00  }
0x4bf: {  	s1 =	sld [smem:$0x7ED]  }
0x4c0: {  	[sflag:s7] =	ssyncset.done $0x0  }
0x4c1: {  	[sflag:s7] =	ssyncadd.s32 $0xFFFF5400  }
0x4c2: {  	[tilespmem:s2], [sflag:$0x1] =	stream.linear.gather [hbm4b:s1+s2], $0xAC00, $0x38;
	[tilespmem:$0x15800] =	vst v63  }
0x4c3: {  	_ =	swait.ge [sflag:s13], $0xAC00  }
0x4c4: {  	s1 =	sld [smem:$0x7EE]  }
0x4c5: {  	[sflag:s13] =	ssyncset.done $0x0  }
0x4c6: {  	[sflag:s13] =	ssyncadd.s32 $0xFFFF5400  }
0x4c7: {  	[hbm4b:s1+s2] =	stream.linear.scatter [tilespmem:s2], [sflag:$0x3], $0xAC00, $0x38;
	[tilespmem:$0x15800] =	vst v63  }
0x4c8: {  	_ =	swait.ge [sflag:s5], $0xAC00  }
0x4c9: {  	s1 =	sld [smem:$0x7EF]  }
0x4ca: {  	[sflag:s5] =	ssyncset.done $0x0  }
0x4cb: {  	[sflag:s5] =	ssyncadd.s32 $0xFFFF5400  }
0x4cc: {  	[tilespmem:s8], [sflag:$0x2] =	stream.linear.gather [hbm4b:s1+s2], $0xAC00, $0x38;
	[tilespmem:$0x15800] =	vst v63  }
0x4cd: {  	_ =	swait.ge [sflag:s10], $0xAC00  }
0x4ce: {  	s1 =	sld [smem:$0x7F0]  }
0x4cf: {  	[sflag:s10] =	ssyncset.done $0x0  }
0x4d0: {  	[sflag:s10] =	ssyncadd.s32 $0xFFFF5400  }
0x4d1: {  	[hbm4b:s1+s2] =	stream.linear.scatter [tilespmem:s8], [sflag:$0x4], $0xAC00, $0x38;
	[tilespmem:$0x15800] =	vst v63  }
0x4d2: {  	_ =	swait.ge [sflag:s7], $0xAC00  }
0x4d3: {  	s1 =	sld [smem:$0x7F1]  }
0x4d4: {  	[sflag:s7] =	ssyncset.done $0x0  }
0x4d5: {  	[sflag:s7] =	ssyncadd.s32 $0xFFFF5400  }
0x4d6: {  	[tilespmem:s2], [sflag:$0x1] =	stream.linear.gather [hbm4b:s1+s2], $0xAC00, $0x38;
	[tilespmem:$0x15800] =	vst v63  }
0x4d7: {  	_ =	swait.ge [sflag:s13], $0xAC00  }
0x4d8: {  	s1 =	sld [smem:$0x7F2]  }
0x4d9: {  	[sflag:s13] =	ssyncset.done $0x0  }
0x4da: {  	[sflag:s13] =	ssyncadd.s32 $0xFFFF5400  }
0x4db: {  	[hbm4b:s1+s2] =	stream.linear.scatter [tilespmem:s2], [sflag:$0x3], $0xAC00, $0x38;
	[tilespmem:$0x15800] =	vst v63  }
0x4dc: {  	_ =	swait.ge [sflag:s5], $0xAC00  }
0x4dd: {  	s1 =	sld [smem:$0x7F3]  }
0x4de: {  	[sflag:s5] =	ssyncset.done $0x0  }
0x4df: {  	[sflag:s5] =	ssyncadd.s32 $0xFFFF5400  }
0x4e0: {  	[tilespmem:s8], [sflag:$0x2] =	stream.linear.gather [hbm4b:s1+s2], $0xAC00, $0x38;
	[tilespmem:$0x15800] =	vst v63  }
0x4e1: {  	_ =	swait.ge [sflag:s10], $0xAC00  }
0x4e2: {  	s1 =	sld [smem:$0x7F4]  }
0x4e3: {  	[sflag:s10] =	ssyncset.done $0x0  }
0x4e4: {  	[sflag:s10] =	ssyncadd.s32 $0xFFFF5400  }
0x4e5: {  	[hbm4b:s1+s2] =	stream.linear.scatter [tilespmem:s8], [sflag:$0x4], $0xAC00, $0x38;
	[tilespmem:$0x15800] =	vst v63  }
0x4e6: {  	_ =	swait.ge [sflag:s7], $0xAC00  }
0x4e7: {  	s1 =	sld [smem:$0x7F5]  }
0x4e8: {  	[sflag:s7] =	ssyncset.done $0x0  }
0x4e9: {  	[sflag:s7] =	ssyncadd.s32 $0xFFFF5400  }
0x4ea: {  	[tilespmem:s2], [sflag:$0x1] =	stream.linear.gather [hbm4b:s1+s2], $0xAC00, $0x38;
	[tilespmem:$0x15800] =	vst v63  }
0x4eb: {  	_ =	swait.ge [sflag:s13], $0xAC00  }
0x4ec: {  	s1 =	sld [smem:$0x7F6]  }
0x4ed: {  	[sflag:s13] =	ssyncset.done $0x0  }
0x4ee: {  	[sflag:s13] =	ssyncadd.s32 $0xFFFF5400  }
0x4ef: {  	[hbm4b:s1+s2] =	stream.linear.scatter [tilespmem:s2], [sflag:$0x3], $0xAC00, $0x38;
	[tilespmem:$0x15800] =	vst v63  }
0x4f0: {  	_ =	swait.ge [sflag:s5], $0xAC00  }
0x4f1: {  	s1 =	sld [smem:$0x7F7]  }
0x4f2: {  	[sflag:s5] =	ssyncset.done $0x0  }
0x4f3: {  	[sflag:s5] =	ssyncadd.s32 $0xFFFF5400  }
0x4f4: {  	[tilespmem:s8], [sflag:$0x2] =	stream.linear.gather [hbm4b:s1+s2], $0xAC00, $0x38;
	[tilespmem:$0x15800] =	vst v63  }
0x4f5: {  	_ =	swait.ge [sflag:s10], $0xAC00  }
0x4f6: {  	s1 =	sld [smem:$0x7F8]  }
0x4f7: {  	[sflag:s10] =	ssyncset.done $0x0  }
0x4f8: {  	[sflag:s10] =	ssyncadd.s32 $0xFFFF5400  }
0x4f9: {  	[hbm4b:s1+s2] =	stream.linear.scatter [tilespmem:s8], [sflag:$0x4], $0xAC00, $0x38;
	[tilespmem:$0x15800] =	vst v63  }
0x4fa: {  	_ =	swait.ge [sflag:s7], $0xAC00  }
0x4fb: {  	s1 =	sld [smem:$0x7F9]  }
0x4fc: {  	[sflag:s7] =	ssyncset.done $0x0  }
0x4fd: {  	[sflag:s7] =	ssyncadd.s32 $0xFFFF5400  }
0x4fe: {  	[tilespmem:s2], [sflag:$0x1] =	stream.linear.gather [hbm4b:s1+s2], $0xAC00, $0x38;
	[tilespmem:$0x15800] =	vst v63  }
0x4ff: {  	_ =	swait.ge [sflag:s13], $0xAC00  }
0x500: {  	s1 =	sld [smem:$0x7FA]  }
0x501: {  	[sflag:s13] =	ssyncset.done $0x0  }
0x502: {  	[sflag:s13] =	ssyncadd.s32 $0xFFFF5400  }
0x503: {  	[hbm4b:s1+s2] =	stream.linear.scatter [tilespmem:s2], [sflag:$0x3], $0xAC00, $0x38;
	[tilespmem:$0x15800] =	vst v63  }
0x504: {  	_ =	swait.ge [sflag:s5], $0xAC00  }
0x505: {  	s1 =	sld [smem:$0x7FB]  }
0x506: {  	[sflag:s5] =	ssyncset.done $0x0  }
0x507: {  	[sflag:s5] =	ssyncadd.s32 $0xFFFF5400  }
0x508: {  	[tilespmem:s8], [sflag:$0x2] =	stream.linear.gather [hbm4b:s1+s2], $0xAC00, $0x38;
	[tilespmem:$0x15800] =	vst v63  }
0x509: {  	_ =	swait.ge [sflag:s10], $0xAC00  }
0x50a: {  	s1 =	sld [smem:$0x7FC]  }
0x50b: {  	[sflag:s10] =	ssyncset.done $0x0  }
0x50c: {  	[sflag:s10] =	ssyncadd.s32 $0xFFFF5400  }
0x50d: {  	[hbm4b:s1+s2] =	stream.linear.scatter [tilespmem:s8], [sflag:$0x4], $0xAC00, $0x38;
	[tilespmem:$0x15800] =	vst v63  }
0x50e: {  	_ =	swait.ge [sflag:s7], $0xAC00  }
0x50f: {  	s1 =	sld [smem:$0x7FD]  }
0x510: {  	[sflag:s7] =	ssyncset.done $0x0  }
0x511: {  	[sflag:s7] =	ssyncadd.s32 $0xFFFF5400  }
0x512: {  	[tilespmem:s2], [sflag:$0x1] =	stream.linear.gather [hbm4b:s1+s2], $0xAC00, $0x38;
	[tilespmem:$0x15800] =	vst v63  }
0x513: {  	_ =	swait.ge [sflag:s13], $0xAC00  }
0x514: {  	[sflag:s13] =	ssyncset.done $0x0  }
0x515: {  	[sflag:s13] =	ssyncadd.s32 $0xFFFF5400  }
0x516: {  	[hbm4b:s31+s2] =	stream.linear.scatter [tilespmem:s2], [sflag:$0x3], $0xAC00, $0x38;
	[tilespmem:$0x15800] =	vst v63  }
0x517: {  	_ =	swait.ge [sflag:s5], $0xAC00  }
0x518: {  	[sflag:s5] =	ssyncset.done $0x0  }
0x519: {  	[sflag:s5] =	ssyncadd.s32 $0xFFFF5400  }
0x51a: {  	[tilespmem:s8], [sflag:$0x2] =	stream.linear.gather [hbm4b:s30+s2], $0xAC00, $0x38;
	[tilespmem:$0x15800] =	vst v63  }
0x51b: {  	_ =	swait.ge [sflag:s10], $0xAC00  }
0x51c: {  	[sflag:s10] =	ssyncset.done $0x0  }
0x51d: {  	[sflag:s10] =	ssyncadd.s32 $0xFFFF5400  }
0x51e: {  	[hbm4b:s29+s2] =	stream.linear.scatter [tilespmem:s8], [sflag:$0x4], $0xAC00, $0x38;
	[tilespmem:$0x15800] =	vst v63  }
0x51f: {  	_ =	swait.ge [sflag:s7], $0xAC00  }
0x520: {  	[sflag:s7] =	ssyncset.done $0x0  }
0x521: {  	[sflag:s7] =	ssyncadd.s32 $0xFFFF5400  }
0x522: {  	[tilespmem:s2], [sflag:$0x1] =	stream.linear.gather [hbm4b:s28+s2], $0xAC00, $0x38;
	[tilespmem:$0x15800] =	vst v63  }
0x523: {  	_ =	swait.ge [sflag:s13], $0xAC00  }
0x524: {  	[sflag:s13] =	ssyncset.done $0x0  }
0x525: {  	[sflag:s13] =	ssyncadd.s32 $0xFFFF5400  }
0x526: {  	[hbm4b:s26+s2] =	stream.linear.scatter [tilespmem:s2], [sflag:$0x3], $0xAC00, $0x38;
	[tilespmem:$0x15800] =	vst v63  }
0x527: {  	_ =	swait.ge [sflag:s5], $0xAC00  }
0x528: {  	[sflag:s5] =	ssyncset.done $0x0  }
0x529: {  	[sflag:s5] =	ssyncadd.s32 $0xFFFF5400  }
0x52a: {  	[tilespmem:s8], [sflag:$0x2] =	stream.linear.gather [hbm4b:s25+s2], $0xAC00, $0x38;
	[tilespmem:$0x15800] =	vst v63  }
0x52b: {  	_ =	swait.ge [sflag:s10], $0xAC00  }
0x52c: {  	[sflag:s10] =	ssyncset.done $0x0  }
0x52d: {  	[sflag:s10] =	ssyncadd.s32 $0xFFFF5400  }
0x52e: {  	[hbm4b:s24+s2] =	stream.linear.scatter [tilespmem:s8], [sflag:$0x4], $0xAC00, $0x38;
	[tilespmem:$0x15800] =	vst v63  }
0x52f: {  	_ =	swait.ge [sflag:s7], $0xAC00  }
0x530: {  	[sflag:s7] =	ssyncset.done $0x0  }
0x531: {  	[sflag:s7] =	ssyncadd.s32 $0xFFFF5400  }
0x532: {  	[tilespmem:s2], [sflag:$0x1] =	stream.linear.gather [hbm4b:s23+s2], $0xAC00, $0x38;
	[tilespmem:$0x15800] =	vst v63  }
0x533: {  	_ =	swait.ge [sflag:s13], $0xAC00  }
0x534: {  	[sflag:s13] =	ssyncset.done $0x0  }
0x535: {  	[sflag:s13] =	ssyncadd.s32 $0xFFFF5400  }
0x536: {  	[hbm4b:s22+s2] =	stream.linear.scatter [tilespmem:s2], [sflag:$0x3], $0xAC00, $0x38;
	[tilespmem:$0x15800] =	vst v63  }
0x537: {  	_ =	swait.ge [sflag:s5], $0xAC00  }
0x538: {  	[sflag:s5] =	ssyncset.done $0x0  }
0x539: {  	[sflag:s5] =	ssyncadd.s32 $0xFFFF5400  }
0x53a: {  	[tilespmem:s8], [sflag:$0x2] =	stream.linear.gather [hbm4b:s21+s2], $0xAC00, $0x38;
	[tilespmem:$0x15800] =	vst v63  }
0x53b: {  	_ =	swait.ge [sflag:s10], $0xAC00  }
0x53c: {  	[sflag:s10] =	ssyncset.done $0x0  }
0x53d: {  	[sflag:s10] =	ssyncadd.s32 $0xFFFF5400  }
0x53e: {  	[hbm4b:s20+s2] =	stream.linear.scatter [tilespmem:s8], [sflag:$0x4], $0xAC00, $0x38;
	[tilespmem:$0x15800] =	vst v63  }
0x53f: {  	_ =	swait.ge [sflag:s7], $0xAC00  }
0x540: {  	[sflag:s7] =	ssyncset.done $0x0  }
0x541: {  	[sflag:s7] =	ssyncadd.s32 $0xFFFF5400  }
0x542: {  	[tilespmem:s2], [sflag:$0x1] =	stream.linear.gather [hbm4b:s19+s2], $0xAC00, $0x38;
	[tilespmem:$0x15800] =	vst v63  }
0x543: {  	_ =	swait.ge [sflag:s13], $0xAC00  }
0x544: {  	[sflag:s13] =	ssyncset.done $0x0  }
0x545: {  	[sflag:s13] =	ssyncadd.s32 $0xFFFF5400  }
0x546: {  	[hbm4b:s18+s2] =	stream.linear.scatter [tilespmem:s2], [sflag:$0x3], $0xAC00, $0x38;
	[tilespmem:$0x15800] =	vst v63  }
0x547: {  	_ =	swait.ge [sflag:s5], $0xAC00  }
0x548: {  	[sflag:s5] =	ssyncset.done $0x0  }
0x549: {  	[sflag:s5] =	ssyncadd.s32 $0xFFFF5400  }
0x54a: {  	[tilespmem:s8], [sflag:$0x2] =	stream.linear.gather [hbm4b:s17+s2], $0xAC00, $0x38;
	[tilespmem:$0x15800] =	vst v63  }
0x54b: {  	_ =	swait.ge [sflag:s10], $0xAC00  }
0x54c: {  	[sflag:s10] =	ssyncset.done $0x0  }
0x54d: {  	[sflag:s10] =	ssyncadd.s32 $0xFFFF5400  }
0x54e: {  	[hbm4b:s16+s2] =	stream.linear.scatter [tilespmem:s8], [sflag:$0x4], $0xAC00, $0x38;
	[tilespmem:$0x15800] =	vst v63  }
0x54f: {  	_ =	swait.ge [sflag:s7], $0xAC00  }
0x550: {  	[sflag:s7] =	ssyncset.done $0x0  }
0x551: {  	[sflag:s7] =	ssyncadd.s32 $0xFFFF5400  }
0x552: {  	[tilespmem:s2], [sflag:$0x1] =	stream.linear.gather [hbm4b:s15+s2], $0xAC00, $0x38;
	[tilespmem:$0x15800] =	vst v63  }
0x553: {  	_ =	swait.ge [sflag:s13], $0xAC00  }
0x554: {  	[sflag:s13] =	ssyncset.done $0x0  }
0x555: {  	[sflag:s13] =	ssyncadd.s32 $0xFFFF5400  }
0x556: {  	[hbm4b:s14+s2] =	stream.linear.scatter [tilespmem:s2], [sflag:$0x3], $0xAC00, $0x38;
	[tilespmem:$0x15800] =	vst v63  }
0x557: {  	_ =	swait.ge [sflag:s5], $0xAC00  }
0x558: {  	[sflag:s5] =	ssyncset.done $0x0  }
0x559: {  	[sflag:s5] =	ssyncadd.s32 $0xFFFF5400  }
0x55a: {  	[tilespmem:s8], [sflag:$0x2] =	stream.linear.gather [hbm4b:s12+s2], $0xAC00, $0x38;
	[tilespmem:$0x15800] =	vst v63  }
0x55b: {  	_ =	swait.ge [sflag:s10], $0xAC00  }
0x55c: {  	[sflag:s10] =	ssyncset.done $0x0  }
0x55d: {  	[sflag:s10] =	ssyncadd.s32 $0xFFFF5400  }
0x55e: {  	[hbm4b:s11+s2] =	stream.linear.scatter [tilespmem:s8], [sflag:$0x4], $0xAC00, $0x38;
	[tilespmem:$0x15800] =	vst v63  }
0x55f: {  	_ =	swait.ge [sflag:s7], $0xAC00  }
0x560: {  	[sflag:s7] =	ssyncset.done $0x0  }
0x561: {  	[sflag:s7] =	ssyncadd.s32 $0xFFFF5400  }
0x562: {  	[tilespmem:s2], [sflag:$0x1] =	stream.linear.gather [hbm4b:s9+s2], $0xAC00, $0x38;
	[tilespmem:$0x15800] =	vst v63  }
0x563: {  	_ =	swait.ge [sflag:s13], $0xAC00  }
0x564: {  	[sflag:s13] =	ssyncset.done $0x0  }
0x565: {  	[sflag:s13] =	ssyncadd.s32 $0xFFFF5400  }
0x566: {  	[hbm4b:s6+s2] =	stream.linear.scatter [tilespmem:s2], [sflag:$0x3], $0xAC00, $0x38;
	[tilespmem:$0x15800] =	vst v63  }
0x567: {  	_ =	swait.ge [sflag:s5], $0xAC00  }
0x568: {  	[sflag:s5] =	ssyncset.done $0x0  }
0x569: {  	[sflag:s5] =	ssyncadd.s32 $0xFFFF5400  }
0x56a: {  	[tilespmem:s8], [sflag:$0x2] =	stream.linear.gather [hbm4b:s4+s2], $0xAC00, $0x38;
	[tilespmem:$0x15800] =	vst v63  }
0x56b: {  	_ =	swait.ge [sflag:s10], $0xAC00  }
0x56c: {  	[sflag:s10] =	ssyncset.done $0x0  }
0x56d: {  	[sflag:s10] =	ssyncadd.s32 $0xFFFF5400  }
0x56e: {  	[hbm4b:s3+s2] =	stream.linear.scatter [tilespmem:s8], [sflag:$0x4], $0xAC00, $0x38;
	[tilespmem:$0x15800] =	vst v63  }
0x56f: {  	_ =	swait.ge [sflag:s7], $0xAC00  }
0x570: {  	[sflag:s7] =	ssyncset.done $0x0  }
0x571: {  	[sflag:s7] =	ssyncadd.s32 $0xFFFF5400  }
0x572: {  	_ =	swait.ge [sflag:s5], $0xAC00  }
0x573: {  	[sflag:s5] =	ssyncset.done $0x0  }
0x574: {  	[sflag:s5] =	ssyncadd.s32 $0xFFFF5400  }
0x575: {  	_ =	sfence.sel $0x180000  }
0x576: {  	[bflag:$0x0] =	sbarrier.arrive $0xFFFF  }
0x577: {  	_ =	strace $0x90000047  }
0x578: {  	s31 =	stileid.u32;
	[bflag:$0x2] =	sbarrier.arrive $0xFFFF  }
0x579: {  	p0 =	sne.s32 s31, $0x0;
	s0 =	rddreg [dreg:$0x2]  }
0x57a: {  	s0 =	sadd.s32 @!p0 $0x100000, s0  }
0x57b: {  	[sflag:s0] =	ssyncadd.tile.s32 @!p0 $0x1;
	_ =	shalt  }
.Lfunc_end2:
_tile_overlayer_lowered:
.L_overlay_start_2:
0x57c: {  	(tag) =	ssettag $0x2  }
0x57d: {  	s0 =	rddreg [dreg:$0x0];
	s2 =	stileid.u32  }
0x57e: {  	s1 =	rddreg [dreg:$0x1];
	p0 =	sne.s32 s2, $0x0  }
0x57f: {  	s3 =	rddreg [dreg:$0x2];
	[bflag:$0x3] =	sbarrier.arrive $0xFFFF;
	s2 =	simm.s32 @!p0 $0x1C05  }
0x580: {  	[timem:s3], [sflag:s2] =	dma.local @!p0 [hbm:s0], s1  }
0x581: {  	s0 =	simm.s32 @!p0 $0x5  }
0x582: {  	_ =	swait.ge @!p0 [sflag:s0], s1  }
0x583: {  	s1 =	ssub.s32 @!p0 $0x0, s1;
	[sflag:s0] =	ssyncset.done @!p0 $0x0  }
0x584: {  	[sflag:s0] =	ssyncadd.s32 @!p0 s1  }
0x585: {  	[bflag:$0x3] =	sbarrier.arrive $0xFFFF  }
0x586: {  	_ =	shalt  }

</sc_bundles>
